<compile_context>
chip_gen: v7x
topology: tpu7x:2x2x1
jax: 0.10.2.dev20260603
libtpu: 0.0.44.dev20260713+nightly
codegen_flags: <defaults>
</compile_context>

<pallas_src>
import functools

import jax
import jax.numpy as jnp
from jax.experimental import pallas as pl

F32 = jnp.float32

_SA_CFG = [(512, 0.1, 32), (256, 0.2, 32), (64, 0.4, 32), (16, 0.8, 32)]




def _mm_stats_kernel(x_ref, w_ref, b_ref, y_ref, s_ref):
    i = pl.program_id(0)
    y = jnp.dot(x_ref[...], w_ref[...], preferred_element_type=F32)
    if b_ref is not None:
        y = y + b_ref[...]
    y_ref[...] = y
    ssum = jnp.sum(y, axis=0, keepdims=True)
    ssq = jnp.sum(y * y, axis=0, keepdims=True)
    stat = jnp.concatenate(
        [ssum, ssq, jnp.zeros((6, y.shape[1]), F32)], axis=0)

    @pl.when(i == 0)
    def _():
        s_ref[...] = jnp.zeros_like(s_ref)

    s_ref[...] += stat


def _mm_stats(x, wt, bias=None):
    r, cin = x.shape
    cout = wt.shape[1]
    rb = min(r, 4096)
    grid = (r // rb,)
    in_specs = [
        pl.BlockSpec((rb, cin), lambda i: (i, 0)),
        pl.BlockSpec((cin, cout), lambda i: (0, 0)),
    ]
    args = [x, wt]
    if bias is not None:
        in_specs.append(pl.BlockSpec((1, cout), lambda i: (0, 0)))
        args.append(bias.reshape(1, cout))
        kern = lambda x_ref, w_ref, b_ref, y_ref, s_ref: _mm_stats_kernel(
            x_ref, w_ref, b_ref, y_ref, s_ref)
    else:
        kern = lambda x_ref, w_ref, y_ref, s_ref: _mm_stats_kernel(
            x_ref, w_ref, None, y_ref, s_ref)
    y, s = pl.pallas_call(
        kern,
        grid=grid,
        in_specs=in_specs,
        out_specs=[
            pl.BlockSpec((rb, cout), lambda i: (i, 0)),
            pl.BlockSpec((8, cout), lambda i: (0, 0)),
        ],
        out_shape=[
            jax.ShapeDtypeStruct((r, cout), F32),
            jax.ShapeDtypeStruct((8, cout), F32),
        ],
    )(*args)
    return y, s


def _norm_scale_shift(s_ref, g_ref, be_ref, rows):
    mean = s_ref[0:1, :] / rows
    var = s_ref[1:2, :] / rows - mean * mean
    scale = g_ref[...] * jax.lax.rsqrt(var + 1e-5)
    shift = be_ref[...] - mean * scale
    return scale, shift


def _nmm_kernel(y_ref, s_ref, g_ref, be_ref, w_ref, b_ref, o_ref, so_ref,
                *, rows, relu):
    i = pl.program_id(0)
    scale, shift = _norm_scale_shift(s_ref, g_ref, be_ref, rows)
    h = y_ref[...] * scale + shift
    if relu:
        h = jnp.maximum(h, 0.0)
    o = jnp.dot(h, w_ref[...], preferred_element_type=F32)
    if b_ref is not None:
        o = o + b_ref[...]
    o_ref[...] = o
    ssum = jnp.sum(o, axis=0, keepdims=True)
    ssq = jnp.sum(o * o, axis=0, keepdims=True)
    stat = jnp.concatenate(
        [ssum, ssq, jnp.zeros((6, o.shape[1]), F32)], axis=0)

    @pl.when(i == 0)
    def _():
        so_ref[...] = jnp.zeros_like(so_ref)

    so_ref[...] += stat


def _nmm(y, s, gamma, beta, wt, bias=None, relu=True):
    r, cin = y.shape
    cout = wt.shape[1]
    rb = min(r, 4096)
    grid = (r // rb,)
    in_specs = [
        pl.BlockSpec((rb, cin), lambda i: (i, 0)),
        pl.BlockSpec((8, cin), lambda i: (0, 0)),
        pl.BlockSpec((1, cin), lambda i: (0, 0)),
        pl.BlockSpec((1, cin), lambda i: (0, 0)),
        pl.BlockSpec((cin, cout), lambda i: (0, 0)),
    ]
    args = [y, s, gamma.reshape(1, cin), beta.reshape(1, cin), wt]
    if bias is not None:
        in_specs.append(pl.BlockSpec((1, cout), lambda i: (0, 0)))
        args.append(bias.reshape(1, cout))
        kern = functools.partial(_nmm_kernel, rows=float(r), relu=relu)
    else:
        def kern(y_ref, s_ref, g_ref, be_ref, w_ref, o_ref, so_ref):
            _nmm_kernel(y_ref, s_ref, g_ref, be_ref, w_ref, None, o_ref,
                        so_ref, rows=float(r), relu=relu)
    o, so = pl.pallas_call(
        kern,
        grid=grid,
        in_specs=in_specs,
        out_specs=[
            pl.BlockSpec((rb, cout), lambda i: (i, 0)),
            pl.BlockSpec((8, cout), lambda i: (0, 0)),
        ],
        out_shape=[
            jax.ShapeDtypeStruct((r, cout), F32),
            jax.ShapeDtypeStruct((8, cout), F32),
        ],
    )(*args)
    return o, so


def _norm_relu_kernel(y_ref, s_ref, g_ref, be_ref, o_ref, *, rows):
    scale, shift = _norm_scale_shift(s_ref, g_ref, be_ref, rows)
    o_ref[...] = jnp.maximum(y_ref[...] * scale + shift, 0.0)


def _norm_relu(y, s, gamma, beta):
    r, c = y.shape
    rb = min(r, 4096)
    o = pl.pallas_call(
        functools.partial(_norm_relu_kernel, rows=float(r)),
        grid=(r // rb,),
        in_specs=[
            pl.BlockSpec((rb, c), lambda i: (i, 0)),
            pl.BlockSpec((8, c), lambda i: (0, 0)),
            pl.BlockSpec((1, c), lambda i: (0, 0)),
            pl.BlockSpec((1, c), lambda i: (0, 0)),
        ],
        out_specs=pl.BlockSpec((rb, c), lambda i: (i, 0)),
        out_shape=jax.ShapeDtypeStruct((r, c), F32),
    )(y, s, gamma.reshape(1, c), beta.reshape(1, c))
    return o


def _norm_relu_pool_kernel(y_ref, s_ref, g_ref, be_ref, o_ref, *, rows):
    scale, shift = _norm_scale_shift(s_ref, g_ref, be_ref, rows)
    h = jnp.maximum(y_ref[...] * scale[None] + shift[None], 0.0)
    o_ref[...] = jnp.max(h, axis=1)


def _norm_relu_pool(y, s, gamma, beta, k):
    r, c = y.shape
    g = r // k
    gb = min(g, 1024)
    y3 = y.reshape(g, k, c)
    o = pl.pallas_call(
        functools.partial(_norm_relu_pool_kernel, rows=float(r)),
        grid=(g // gb,),
        in_specs=[
            pl.BlockSpec((gb, k, c), lambda i: (i, 0, 0)),
            pl.BlockSpec((8, c), lambda i: (0, 0)),
            pl.BlockSpec((1, c), lambda i: (0, 0)),
            pl.BlockSpec((1, c), lambda i: (0, 0)),
        ],
        out_specs=pl.BlockSpec((gb, c), lambda i: (i, 0)),
        out_shape=jax.ShapeDtypeStruct((g, c), F32),
    )(y3, s, gamma.reshape(1, c), beta.reshape(1, c))
    return o


def _mlp_chain(x, layers, pool_k=None):
    wts = [jnp.transpose(p['W']) for p in layers]
    y, s = _mm_stats(x, wts[0])
    for j in range(1, len(layers)):
        y, s = _nmm(y, s, layers[j - 1]['gamma'], layers[j - 1]['beta'],
                    wts[j])
    last = layers[-1]
    if pool_k is None:
        return _norm_relu(y, s, last['gamma'], last['beta'])
    return _norm_relu_pool(y, s, last['gamma'], last['beta'], pool_k)




def _sqdist(a, b):
    return (jnp.sum(a * a, -1)[:, :, None] + jnp.sum(b * b, -1)[:, None, :]
            - 2.0 * jnp.einsum('bmd,bnd->bmn', a, b))


def _index_points(x, idx):
    b = x.shape[0]
    bidx = jnp.arange(b).reshape((b,) + (1,) * (idx.ndim - 1))
    return x[bidx, idx]


def _fps(xyz, npoint):
    x = jax.lax.stop_gradient(xyz)
    b, n, _ = x.shape
    d0 = jnp.full((b, n), 1e10, dtype=x.dtype)
    f0 = jnp.zeros((b,), dtype=jnp.int32)

    def step(carry, _):
        dist, far = carry
        c = x[jnp.arange(b), far]
        d = jnp.sum((x - c[:, None, :]) ** 2, -1)
        dist = jnp.minimum(dist, d)
        nf = jnp.argmax(dist, axis=-1).astype(jnp.int32)
        return (dist, nf), far

    _, idxs = jax.lax.scan(step, (d0, f0), None, length=npoint)
    return jnp.transpose(idxs, (1, 0))


def _ball_query(radius, nsample, xyz, new_xyz):
    n = xyz.shape[1]
    d = jax.lax.stop_gradient(_sqdist(new_xyz, xyz))
    ar = jnp.arange(n, dtype=jnp.int32)
    gi = jnp.where(d <= radius * radius, ar[None, None, :], n)
    gi = jnp.sort(gi, axis=-1)[:, :, :nsample]
    first = gi[:, :, :1]
    return jnp.where(gi == n, jnp.broadcast_to(first, gi.shape), gi)


def _sa_module(xyz, features, npoint, radius, nsample, layers):
    b = xyz.shape[0]
    fidx = _fps(xyz, npoint)
    new_xyz = _index_points(xyz, fidx)
    gidx = _ball_query(radius, nsample, xyz, new_xyz)
    grouped_xyz = _index_points(xyz, gidx) - new_xyz[:, :, None, :]
    if features is not None:
        f = jnp.transpose(features, (0, 2, 1))
        grouped_f = _index_points(f, gidx)
        new_f = jnp.concatenate([grouped_xyz, grouped_f], axis=-1)
    else:
        new_f = grouped_xyz
    cin = new_f.shape[-1]
    x = new_f.reshape(b * npoint * nsample, cin)
    pooled = _mlp_chain(x, layers, pool_k=nsample)
    cout = pooled.shape[-1]
    new_feat = jnp.transpose(pooled.reshape(b, npoint, cout), (0, 2, 1))
    return new_xyz, new_feat


def _fp_module(unk_xyz, kn_xyz, unk_f, kn_f, layers):
    b, n, _ = unk_xyz.shape
    d = jax.lax.stop_gradient(_sqdist(unk_xyz, kn_xyz))
    negd, idx3 = jax.lax.top_k(-d, 3)
    dist3 = -negd
    w = 1.0 / (dist3 + 1e-8)
    w = w / jnp.sum(w, axis=-1, keepdims=True)
    kf = jnp.transpose(kn_f, (0, 2, 1))
    interp = jnp.sum(_index_points(kf, idx3) * w[..., None], axis=2)
    if unk_f is not None:
        x = jnp.concatenate([interp, jnp.transpose(unk_f, (0, 2, 1))], axis=-1)
    else:
        x = interp
    cin = x.shape[-1]
    h = _mlp_chain(x.reshape(b * n, cin), layers)
    cout = h.shape[-1]
    return jnp.transpose(h.reshape(b, n, cout), (0, 2, 1))


def kernel(pointcloud, params):
    pc = jnp.transpose(pointcloud, (0, 2, 1))
    xyz = pc[..., 0:3]
    features = jnp.transpose(pc[..., 3:], (0, 2, 1))
    l_xyz = [xyz]
    l_f = [features]
    for i, (npoint, radius, ns) in enumerate(_SA_CFG):
        nx, nf = _sa_module(l_xyz[i], l_f[i], npoint, radius, ns,
                            params['sa'][i])
        l_xyz.append(nx)
        l_f.append(nf)
    for i in range(-1, -5, -1):
        l_f[i - 1] = _fp_module(l_xyz[i - 1], l_xyz[i], l_f[i - 1], l_f[i],
                                params['fp'][i])

    fc = params['fc']
    b, c, n = l_f[0].shape
    x = jnp.transpose(l_f[0], (0, 2, 1)).reshape(b * n, c)
    y, s = _mm_stats(x, jnp.transpose(fc['W1']), bias=fc['b1'])
    o, _ = _nmm(y, s, fc['g1'], fc['be1'], jnp.transpose(fc['W2']),
                bias=fc['b2'], relu=False)
    return jnp.transpose(o.reshape(b, n, -1), (0, 2, 1))

# --- scband reference (transcript-rebuilt; emitter-appended) ---
"""Pipeline reference for scband-pointnet2-ssg-seg-33706903339269 (READ-ONLY COPY).

The authoritative reference and input builder live on the scoring server;
editing this copy changes nothing except your own understanding.
"""

import jax, jax.numpy as jnp
import numpy as np

SA_CFG = [(512, 0.1, 32), (256, 0.2, 32), (64, 0.4, 32), (16, 0.8, 32)]
SA_MLPS = [[6, 32, 32, 64], [67, 64, 64, 128], [131, 128, 128, 256], [259, 256, 256, 512]]
FP_MLPS = [[131, 128, 128, 128], [320, 256, 128], [384, 256, 256], [768, 256, 256]]
NUM_CLASSES = 13


def sqdist(a, b):
    return (jnp.sum(a * a, -1)[:, :, None] + jnp.sum(b * b, -1)[:, None, :]
            - 2.0 * jnp.einsum('bmd,bnd->bmn', a, b))


def index_points(x, idx):
    B = x.shape[0]
    bidx = jnp.arange(B).reshape((B,) + (1,) * (idx.ndim - 1))
    return x[bidx, idx]


def fps(xyz, npoint):
    x = jax.lax.stop_gradient(xyz)
    B, N, _ = x.shape
    d0 = jnp.full((B, N), 1e10, dtype=x.dtype)
    f0 = jnp.zeros((B,), dtype=jnp.int32)

    def step(carry, _):
        dist, far = carry
        c = x[jnp.arange(B), far]
        d = jnp.sum((x - c[:, None, :]) ** 2, -1)
        dist = jnp.minimum(dist, d)
        nf = jnp.argmax(dist, axis=-1).astype(jnp.int32)
        return (dist, nf), far

    _, idxs = jax.lax.scan(step, (d0, f0), None, length=npoint)
    return jnp.transpose(idxs, (1, 0))


def ball_query(radius, nsample, xyz, new_xyz):
    N = xyz.shape[1]
    d = jax.lax.stop_gradient(sqdist(new_xyz, xyz))
    ar = jnp.arange(N, dtype=jnp.int32)
    gi = jnp.where(d <= radius * radius, ar[None, None, :], N)
    gi = jnp.sort(gi, axis=-1)[:, :, :nsample]
    first = gi[:, :, :1]
    return jnp.where(gi == N, jnp.broadcast_to(first, gi.shape), gi)


def conv_bn_relu(h, p):
    h = jnp.einsum('oi,bihw->bohw', p['W'], h)
    m = jnp.mean(h, axis=(0, 2, 3), keepdims=True)
    v = jnp.var(h, axis=(0, 2, 3), keepdims=True)
    h = (h - m) / jnp.sqrt(v + 1e-5)
    h = h * p['gamma'][None, :, None, None] + p['beta'][None, :, None, None]
    return jax.nn.relu(h)


def sa_module(xyz, features, npoint, radius, nsample, layers):
    fidx = fps(xyz, npoint)
    new_xyz = index_points(xyz, fidx)
    gidx = ball_query(radius, nsample, xyz, new_xyz)
    grouped_xyz = index_points(xyz, gidx) - new_xyz[:, :, None, :]
    if features is not None:
        f = jnp.transpose(features, (0, 2, 1))
        grouped_f = index_points(f, gidx)
        new_f = jnp.concatenate([grouped_xyz, grouped_f], axis=-1)
    else:
        new_f = grouped_xyz
    h = jnp.transpose(new_f, (0, 3, 1, 2))
    for p in layers:
        h = conv_bn_relu(h, p)
    return new_xyz, jnp.max(h, axis=-1)


def fp_module(unk_xyz, kn_xyz, unk_f, kn_f, layers):
    d = jax.lax.stop_gradient(sqdist(unk_xyz, kn_xyz))
    negd, idx3 = jax.lax.top_k(-d, 3)
    dist3 = -negd
    w = 1.0 / (dist3 + 1e-8)
    w = w / jnp.sum(w, axis=-1, keepdims=True)
    kf = jnp.transpose(kn_f, (0, 2, 1))
    interp = jnp.sum(index_points(kf, idx3) * w[..., None], axis=2)
    interp = jnp.transpose(interp, (0, 2, 1))
    h = jnp.concatenate([interp, unk_f], axis=1) if unk_f is not None else interp
    h = h[..., None]
    for p in layers:
        h = conv_bn_relu(h, p)
    return h[..., 0]


def fc_layer(h, p):
    h = jnp.einsum('oi,bin->bon', p['W1'], h) + p['b1'][None, :, None]
    m = jnp.mean(h, axis=(0, 2), keepdims=True)
    v = jnp.var(h, axis=(0, 2), keepdims=True)
    h = (h - m) / jnp.sqrt(v + 1e-5) * p['g1'][None, :, None] + p['be1'][None, :, None]
    return jnp.einsum('oi,bin->bon', p['W2'], h) + p['b2'][None, :, None]


def make_params(key):
    ki = iter(list(jax.random.split(key, 64)))

    def conv_bn(cin, cout):
        return {'W': jax.random.normal(next(ki), (cout, cin), jnp.float32) / np.sqrt(cin),
                'gamma': jnp.ones((cout,), jnp.float32),
                'beta': jnp.zeros((cout,), jnp.float32)}

    return {
        'sa': [[conv_bn(m[i], m[i + 1]) for i in range(len(m) - 1)] for m in SA_MLPS],
        'fp': [[conv_bn(m[i], m[i + 1]) for i in range(len(m) - 1)] for m in FP_MLPS],
        'fc': {'W1': jax.random.normal(next(ki), (128, 128), jnp.float32) / np.sqrt(128),
               'b1': jnp.zeros((128,), jnp.float32),
               'g1': jnp.ones((128,), jnp.float32),
               'be1': jnp.zeros((128,), jnp.float32),
               'W2': jax.random.normal(next(ki), (NUM_CLASSES, 128), jnp.float32) / np.sqrt(128),
               'b2': jnp.zeros((NUM_CLASSES,), jnp.float32)}
    }


def _forward(pointcloud, params):
    pc = jnp.transpose(pointcloud, (0, 2, 1))
    xyz = pc[..., 0:3]
    features = jnp.transpose(pc[..., 3:], (0, 2, 1))
    l_xyz = [xyz]
    l_f = [features]
    for i, (npoint, radius, ns) in enumerate(SA_CFG):
        nx, nf = sa_module(l_xyz[i], l_f[i], npoint, radius, ns, params['sa'][i])
        l_xyz.append(nx)
        l_f.append(nf)
    for i in range(-1, -5, -1):
        l_f[i - 1] = fp_module(l_xyz[i - 1], l_xyz[i], l_f[i - 1], l_f[i], params['fp'][i])
    return fc_layer(l_f[0], params['fc'])


def setup_inputs(seed: int = 0):
    key = jax.random.key(seed)
    k1, k2 = jax.random.split(key)
    pointcloud = jax.random.uniform(k1, (8, 6, 4096), dtype=jnp.float32)
    return {'pointcloud': pointcloud, 'params': make_params(k2)}


def reference(pointcloud, params):
    return _forward(pointcloud, params)

if __name__ == "__main__":
    import jax
    _d = setup_inputs()
    print(jax.jit(kernel)(*tuple(_d.values())))

</pallas_src>

<mosaic_0001>
module attributes {stable_mosaic.version = 14 : i64} {
  func.func @_lambda_(%arg0: i32, %arg1: memref<4096x6xf32, #tpu.memory_space<vmem>>, %arg2: memref<6x32xf32, #tpu.memory_space<vmem>>, %arg3: memref<4096x32xf32, #tpu.memory_space<vmem>>, %arg4: memref<8x32xf32, #tpu.memory_space<vmem>>) attributes {dimension_semantics = [#tpu.dimension_semantics<arbitrary>], iteration_bounds = array<i64: 32>, scalar_prefetch = 0 : i64, scratch_operands = 0 : i64, tpu.core_type = #tpu.core_type<tc>, window_params = [{transform_indices = @transform_0, window_bounds = array<i64: 4096, 6>}, {pipeline_mode = #tpu.pipeline_mode<synchronous>, transform_indices = @transform_1, window_bounds = array<i64: 6, 32>}, {transform_indices = @transform_2, window_bounds = array<i64: 4096, 32>}, {pipeline_mode = #tpu.pipeline_mode<synchronous>, transform_indices = @transform_3, window_bounds = array<i64: 8, 32>}]} {
    %get3A = arith.constant 0 : index
    %get3A_0 = arith.constant 0 : index
    %get3A_1 = vector.load %arg1[%get3A, %get3A_0] : memref<4096x6xf32, #tpu.memory_space<vmem>>, vector<4096x6xf32>
    %get3A_2 = arith.constant 0 : index
    %get3A_3 = arith.constant 0 : index
    %get3A_4 = vector.load %arg2[%get3A_2, %get3A_3] : memref<6x32xf32, #tpu.memory_space<vmem>>, vector<6x32xf32>
    %dot_general3A = arith.constant dense<0.000000e+00> : vector<4096x32xf32>
    %dot_general3A_5 = tpu.matmul %get3A_1, %get3A_4, %dot_general3A {dimension_numbers = #tpu.dot_dimension_numbers<[1], [0], [0], [1], [0, 0, 1, 1], [], []>, transpose_lhs_hint = false} : vector<4096x6xf32>, vector<6x32xf32>, vector<4096x32xf32> -> vector<4096x32xf32>
    %swap3A = arith.constant 0 : index
    %swap3A_6 = arith.constant 0 : index
    %swap3A_7 = vector.load %arg3[%swap3A, %swap3A_6] : memref<4096x32xf32, #tpu.memory_space<vmem>>, vector<4096x32xf32>
    tpu.vector_store %arg3[%swap3A, %swap3A_6], %dot_general3A_5 {strides = array<i32>} : memref<4096x32xf32, #tpu.memory_space<vmem>>, vector<4096x32xf32>,
    %reduce_sum3A = arith.constant dense<0.000000e+00> : vector<32xf32>
    %reduce_sum3A_8 = vector.multi_reduction <add>, %dot_general3A_5, %reduce_sum3A [0] : vector<4096x32xf32> to vector<32xf32>
    %broadcast_in_dim3A = vector.shape_cast %reduce_sum3A_8 : vector<32xf32> to vector<1x32xf32>
    %mul3A = arith.mulf %dot_general3A_5, %dot_general3A_5 : vector<4096x32xf32>
    %reduce_sum3A_9 = arith.constant dense<0.000000e+00> : vector<32xf32>
    %reduce_sum3A_10 = vector.multi_reduction <add>, %mul3A, %reduce_sum3A_9 [0] : vector<4096x32xf32> to vector<32xf32>
    %broadcast_in_dim3A_11 = vector.shape_cast %reduce_sum3A_10 : vector<32xf32> to vector<1x32xf32>
    %broadcast_in_dim3A_12 = arith.constant 0.000000e+00 : f32
    %broadcast_in_dim3A_13 = vector.broadcast %broadcast_in_dim3A_12 : f32 to vector<6x32xf32>
    %concatenate3A = tpu.concatenate %broadcast_in_dim3A, %broadcast_in_dim3A_11, %broadcast_in_dim3A_13 in 0 : vector<1x32xf32>, vector<1x32xf32>, vector<6x32xf32> -> vector<8x32xf32>
    %eq3A = arith.constant 0 : i32
    %eq3A_14 = arith.cmpi eq, %arg0, %eq3A : i32
    %convert_element_type3A = arith.extui %eq3A_14 : i1 to i32
    %cond3A = arith.constant 0 : i32
    %cond3A_15 = arith.cmpi ne, %convert_element_type3A, %cond3A : i32
    scf.if %cond3A_15 {
      %broadcast_in_dim3A_22 = arith.constant 0.000000e+00 : f32
      %broadcast_in_dim3A_23 = vector.broadcast %broadcast_in_dim3A_22 : f32 to vector<8x32xf32>
      %swap3A_24 = arith.constant 0 : index
      %swap3A_25 = arith.constant 0 : index
      %swap3A_26 = vector.load %arg4[%swap3A_24, %swap3A_25] : memref<8x32xf32, #tpu.memory_space<vmem>>, vector<8x32xf32>
      tpu.vector_store %arg4[%swap3A_24, %swap3A_25], %broadcast_in_dim3A_23 {strides = array<i32>} : memref<8x32xf32, #tpu.memory_space<vmem>>, vector<8x32xf32>,
    } else {
    }
    %get3A_16 = arith.constant 0 : index
    %get3A_17 = arith.constant 0 : index
    %get3A_18 = vector.load %arg4[%get3A_16, %get3A_17] : memref<8x32xf32, #tpu.memory_space<vmem>>, vector<8x32xf32>
    %add3A = arith.addf %get3A_18, %concatenate3A : vector<8x32xf32>
    %swap3A_19 = arith.constant 0 : index
    %swap3A_20 = arith.constant 0 : index
    %swap3A_21 = vector.load %arg4[%swap3A_19, %swap3A_20] : memref<8x32xf32, #tpu.memory_space<vmem>>, vector<8x32xf32>
    tpu.vector_store %arg4[%swap3A_19, %swap3A_20], %add3A {strides = array<i32>} : memref<8x32xf32, #tpu.memory_space<vmem>>, vector<8x32xf32>,
    return
  }
  func.func @transform_0(%arg0: i32) -> (i32, i32) {
    %c0_i32 = arith.constant 0 : i32
    %c0_i32_0 = arith.constant 0 : i32
    return %arg0, %c0_i32 : i32, i32
  }
  func.func @transform_1(%arg0: i32) -> (i32, i32) {
    %c0_i32 = arith.constant 0 : i32
    %c0_i32_0 = arith.constant 0 : i32
    %c0_i32_1 = arith.constant 0 : i32
    return %c0_i32, %c0_i32_0 : i32, i32
  }
  func.func @transform_2(%arg0: i32) -> (i32, i32) {
    %c0_i32 = arith.constant 0 : i32
    %c0_i32_0 = arith.constant 0 : i32
    return %arg0, %c0_i32 : i32, i32
  }
  func.func @transform_3(%arg0: i32) -> (i32, i32) {
    %c0_i32 = arith.constant 0 : i32
    %c0_i32_0 = arith.constant 0 : i32
    %c0_i32_1 = arith.constant 0 : i32
    return %c0_i32, %c0_i32_0 : i32, i32
  }
}

module attributes {stable_mosaic.version = 14 : i64} {
  func.func @kern(%arg0: i32, %arg1: memref<4096x32xf32, #tpu.memory_space<vmem>>, %arg2: memref<8x32xf32, #tpu.memory_space<vmem>>, %arg3: memref<1x32xf32, #tpu.memory_space<vmem>>, %arg4: memref<1x32xf32, #tpu.memory_space<vmem>>, %arg5: memref<32x32xf32, #tpu.memory_space<vmem>>, %arg6: memref<4096x32xf32, #tpu.memory_space<vmem>>, %arg7: memref<8x32xf32, #tpu.memory_space<vmem>>) attributes {dimension_semantics = [#tpu.dimension_semantics<arbitrary>], iteration_bounds = array<i64: 32>, scalar_prefetch = 0 : i64, scratch_operands = 0 : i64, tpu.core_type = #tpu.core_type<tc>, window_params = [{transform_indices = @transform_0, window_bounds = array<i64: 4096, 32>}, {pipeline_mode = #tpu.pipeline_mode<synchronous>, transform_indices = @transform_1, window_bounds = array<i64: 8, 32>}, {pipeline_mode = #tpu.pipeline_mode<synchronous>, transform_indices = @transform_2, window_bounds = array<i64: 1, 32>}, {pipeline_mode = #tpu.pipeline_mode<synchronous>, transform_indices = @transform_3, window_bounds = array<i64: 1, 32>}, {pipeline_mode = #tpu.pipeline_mode<synchronous>, transform_indices = @transform_4, window_bounds = array<i64: 32, 32>}, {transform_indices = @transform_5, window_bounds = array<i64: 4096, 32>}, {pipeline_mode = #tpu.pipeline_mode<synchronous>, transform_indices = @transform_6, window_bounds = array<i64: 8, 32>}]} {
    %get3A = arith.constant 0 : index
    %get3A_0 = arith.constant 0 : index
    %get3A_1 = vector.load %arg2[%get3A, %get3A_0] : memref<8x32xf32, #tpu.memory_space<vmem>>, vector<1x32xf32>
    %div3A = arith.constant 1.310720e+05 : f32
    %div3A_2 = vector.broadcast %div3A : f32 to vector<1x32xf32>
    %div3A_3 = arith.divf %get3A_1, %div3A_2 : vector<1x32xf32>
    %get3A_4 = arith.constant 1 : index
    %get3A_5 = arith.constant 0 : index
    %get3A_6 = vector.load %arg2[%get3A_4, %get3A_5] : memref<8x32xf32, #tpu.memory_space<vmem>>, vector<1x32xf32>
    %div3A_7 = arith.constant 1.310720e+05 : f32
    %div3A_8 = vector.broadcast %div3A_7 : f32 to vector<1x32xf32>
    %div3A_9 = arith.divf %get3A_6, %div3A_8 : vector<1x32xf32>
    %mul3A = arith.mulf %div3A_3, %div3A_3 : vector<1x32xf32>
    %sub3A = arith.subf %div3A_9, %mul3A : vector<1x32xf32>
    %get3A_10 = arith.constant 0 : index
    %get3A_11 = arith.constant 0 : index
    %get3A_12 = vector.load %arg3[%get3A_10, %get3A_11] : memref<1x32xf32, #tpu.memory_space<vmem>>, vector<1x32xf32>
    %add3A = arith.constant 9.99999974E-6 : f32
    %add3A_13 = vector.broadcast %add3A : f32 to vector<1x32xf32>
    %add3A_14 = arith.addf %sub3A, %add3A_13 : vector<1x32xf32>
    %rsqrt3A = math.rsqrt %add3A_14 : vector<1x32xf32>
    %mul3A_15 = arith.mulf %get3A_12, %rsqrt3A : vector<1x32xf32>
    %get3A_16 = arith.constant 0 : index
    %get3A_17 = arith.constant 0 : index
    %get3A_18 = vector.load %arg4[%get3A_16, %get3A_17] : memref<1x32xf32, #tpu.memory_space<vmem>>, vector<1x32xf32>
    %mul3A_19 = arith.mulf %div3A_3, %mul3A_15 : vector<1x32xf32>
    %sub3A_20 = arith.subf %get3A_18, %mul3A_19 : vector<1x32xf32>
    %get3A_21 = arith.constant 0 : index
    %get3A_22 = arith.constant 0 : index
    %get3A_23 = vector.load %arg1[%get3A_21, %get3A_22] : memref<4096x32xf32, #tpu.memory_space<vmem>>, vector<4096x32xf32>
    %mul3A_24 = vector.broadcast %mul3A_15 : vector<1x32xf32> to vector<4096x32xf32>
    %mul3A_25 = arith.mulf %get3A_23, %mul3A_24 : vector<4096x32xf32>
    %add3A_26 = vector.broadcast %sub3A_20 : vector<1x32xf32> to vector<4096x32xf32>
    %add3A_27 = arith.addf %mul3A_25, %add3A_26 : vector<4096x32xf32>
    %max3A = arith.constant 0.000000e+00 : f32
    %max3A_28 = vector.broadcast %max3A : f32 to vector<4096x32xf32>
    %max3A_29 = arith.maximumf %add3A_27, %max3A_28 : vector<4096x32xf32>
    %get3A_30 = arith.constant 0 : index
    %get3A_31 = arith.constant 0 : index
    %get3A_32 = vector.load %arg5[%get3A_30, %get3A_31] : memref<32x32xf32, #tpu.memory_space<vmem>>, vector<32x32xf32>
    %dot_general3A = arith.constant dense<0.000000e+00> : vector<4096x32xf32>
    %dot_general3A_33 = tpu.matmul %max3A_29, %get3A_32, %dot_general3A {dimension_numbers = #tpu.dot_dimension_numbers<[1], [0], [0], [1], [0, 0, 1, 1], [], []>, transpose_lhs_hint = false} : vector<4096x32xf32>, vector<32x32xf32>, vector<4096x32xf32> -> vector<4096x32xf32>
    %swap3A = arith.constant 0 : index
    %swap3A_34 = arith.constant 0 : index
    %swap3A_35 = vector.load %arg6[%swap3A, %swap3A_34] : memref<4096x32xf32, #tpu.memory_space<vmem>>, vector<4096x32xf32>
    tpu.vector_store %arg6[%swap3A, %swap3A_34], %dot_general3A_33 {strides = array<i32>} : memref<4096x32xf32, #tpu.memory_space<vmem>>, vector<4096x32xf32>,
    %reduce_sum3A = arith.constant dense<0.000000e+00> : vector<32xf32>
    %reduce_sum3A_36 = vector.multi_reduction <add>, %dot_general3A_33, %reduce_sum3A [0] : vector<4096x32xf32> to vector<32xf32>
    %broadcast_in_dim3A = vector.shape_cast %reduce_sum3A_36 : vector<32xf32> to vector<1x32xf32>
    %mul3A_37 = arith.mulf %dot_general3A_33, %dot_general3A_33 : vector<4096x32xf32>
    %reduce_sum3A_38 = arith.constant dense<0.000000e+00> : vector<32xf32>
    %reduce_sum3A_39 = vector.multi_reduction <add>, %mul3A_37, %reduce_sum3A_38 [0] : vector<4096x32xf32> to vector<32xf32>
    %broadcast_in_dim3A_40 = vector.shape_cast %reduce_sum3A_39 : vector<32xf32> to vector<1x32xf32>
    %broadcast_in_dim3A_41 = arith.constant 0.000000e+00 : f32
    %broadcast_in_dim3A_42 = vector.broadcast %broadcast_in_dim3A_41 : f32 to vector<6x32xf32>
    %concatenate3A = tpu.concatenate %broadcast_in_dim3A, %broadcast_in_dim3A_40, %broadcast_in_dim3A_42 in 0 : vector<1x32xf32>, vector<1x32xf32>, vector<6x32xf32> -> vector<8x32xf32>
    %eq3A = arith.constant 0 : i32
    %eq3A_43 = arith.cmpi eq, %arg0, %eq3A : i32
    %convert_element_type3A = arith.extui %eq3A_43 : i1 to i32
    %cond3A = arith.constant 0 : i32
    %cond3A_44 = arith.cmpi ne, %convert_element_type3A, %cond3A : i32
    scf.if %cond3A_44 {
      %broadcast_in_dim3A_52 = arith.constant 0.000000e+00 : f32
      %broadcast_in_dim3A_53 = vector.broadcast %broadcast_in_dim3A_52 : f32 to vector<8x32xf32>
      %swap3A_54 = arith.constant 0 : index
      %swap3A_55 = arith.constant 0 : index
      %swap3A_56 = vector.load %arg7[%swap3A_54, %swap3A_55] : memref<8x32xf32, #tpu.memory_space<vmem>>, vector<8x32xf32>
      tpu.vector_store %arg7[%swap3A_54, %swap3A_55], %broadcast_in_dim3A_53 {strides = array<i32>} : memref<8x32xf32, #tpu.memory_space<vmem>>, vector<8x32xf32>,
    } else {
    }
    %get3A_45 = arith.constant 0 : index
    %get3A_46 = arith.constant 0 : index
    %get3A_47 = vector.load %arg7[%get3A_45, %get3A_46] : memref<8x32xf32, #tpu.memory_space<vmem>>, vector<8x32xf32>
    %add3A_48 = arith.addf %get3A_47, %concatenate3A : vector<8x32xf32>
    %swap3A_49 = arith.constant 0 : index
    %swap3A_50 = arith.constant 0 : index
    %swap3A_51 = vector.load %arg7[%swap3A_49, %swap3A_50] : memref<8x32xf32, #tpu.memory_space<vmem>>, vector<8x32xf32>
    tpu.vector_store %arg7[%swap3A_49, %swap3A_50], %add3A_48 {strides = array<i32>} : memref<8x32xf32, #tpu.memory_space<vmem>>, vector<8x32xf32>,
    return
  }
  func.func @transform_0(%arg0: i32) -> (i32, i32) {
    %c0_i32 = arith.constant 0 : i32
    %c0_i32_0 = arith.constant 0 : i32
    return %arg0, %c0_i32 : i32, i32
  }
  func.func @transform_1(%arg0: i32) -> (i32, i32) {
    %c0_i32 = arith.constant 0 : i32
    %c0_i32_0 = arith.constant 0 : i32
    %c0_i32_1 = arith.constant 0 : i32
    return %c0_i32, %c0_i32_0 : i32, i32
  }
  func.func @transform_2(%arg0: i32) -> (i32, i32) {
    %c0_i32 = arith.constant 0 : i32
    %c0_i32_0 = arith.constant 0 : i32
    %c0_i32_1 = arith.constant 0 : i32
    return %c0_i32, %c0_i32_0 : i32, i32
  }
  func.func @transform_3(%arg0: i32) -> (i32, i32) {
    %c0_i32 = arith.constant 0 : i32
    %c0_i32_0 = arith.constant 0 : i32
    %c0_i32_1 = arith.constant 0 : i32
    return %c0_i32, %c0_i32_0 : i32, i32
  }
  func.func @transform_4(%arg0: i32) -> (i32, i32) {
    %c0_i32 = arith.constant 0 : i32
    %c0_i32_0 = arith.constant 0 : i32
    %c0_i32_1 = arith.constant 0 : i32
    return %c0_i32, %c0_i32_0 : i32, i32
  }
  func.func @transform_5(%arg0: i32) -> (i32, i32) {
    %c0_i32 = arith.constant 0 : i32
    %c0_i32_0 = arith.constant 0 : i32
    return %arg0, %c0_i32 : i32, i32
  }
  func.func @transform_6(%arg0: i32) -> (i32, i32) {
    %c0_i32 = arith.constant 0 : i32
    %c0_i32_0 = arith.constant 0 : i32
    %c0_i32_1 = arith.constant 0 : i32
    return %c0_i32, %c0_i32_0 : i32, i32
  }
}

module attributes {stable_mosaic.version = 14 : i64} {
  func.func @kern(%arg0: i32, %arg1: memref<4096x32xf32, #tpu.memory_space<vmem>>, %arg2: memref<8x32xf32, #tpu.memory_space<vmem>>, %arg3: memref<1x32xf32, #tpu.memory_space<vmem>>, %arg4: memref<1x32xf32, #tpu.memory_space<vmem>>, %arg5: memref<32x64xf32, #tpu.memory_space<vmem>>, %arg6: memref<4096x64xf32, #tpu.memory_space<vmem>>, %arg7: memref<8x64xf32, #tpu.memory_space<vmem>>) attributes {dimension_semantics = [#tpu.dimension_semantics<arbitrary>], iteration_bounds = array<i64: 32>, scalar_prefetch = 0 : i64, scratch_operands = 0 : i64, tpu.core_type = #tpu.core_type<tc>, window_params = [{transform_indices = @transform_0, window_bounds = array<i64: 4096, 32>}, {pipeline_mode = #tpu.pipeline_mode<synchronous>, transform_indices = @transform_1, window_bounds = array<i64: 8, 32>}, {pipeline_mode = #tpu.pipeline_mode<synchronous>, transform_indices = @transform_2, window_bounds = array<i64: 1, 32>}, {pipeline_mode = #tpu.pipeline_mode<synchronous>, transform_indices = @transform_3, window_bounds = array<i64: 1, 32>}, {pipeline_mode = #tpu.pipeline_mode<synchronous>, transform_indices = @transform_4, window_bounds = array<i64: 32, 64>}, {transform_indices = @transform_5, window_bounds = array<i64: 4096, 64>}, {pipeline_mode = #tpu.pipeline_mode<synchronous>, transform_indices = @transform_6, window_bounds = array<i64: 8, 64>}]} {
    %get3A = arith.constant 0 : index
    %get3A_0 = arith.constant 0 : index
    %get3A_1 = vector.load %arg2[%get3A, %get3A_0] : memref<8x32xf32, #tpu.memory_space<vmem>>, vector<1x32xf32>
    %div3A = arith.constant 1.310720e+05 : f32
    %div3A_2 = vector.broadcast %div3A : f32 to vector<1x32xf32>
    %div3A_3 = arith.divf %get3A_1, %div3A_2 : vector<1x32xf32>
    %get3A_4 = arith.constant 1 : index
    %get3A_5 = arith.constant 0 : index
    %get3A_6 = vector.load %arg2[%get3A_4, %get3A_5] : memref<8x32xf32, #tpu.memory_space<vmem>>, vector<1x32xf32>
    %div3A_7 = arith.constant 1.310720e+05 : f32
    %div3A_8 = vector.broadcast %div3A_7 : f32 to vector<1x32xf32>
    %div3A_9 = arith.divf %get3A_6, %div3A_8 : vector<1x32xf32>
    %mul3A = arith.mulf %div3A_3, %div3A_3 : vector<1x32xf32>
    %sub3A = arith.subf %div3A_9, %mul3A : vector<1x32xf32>
    %get3A_10 = arith.constant 0 : index
    %get3A_11 = arith.constant 0 : index
    %get3A_12 = vector.load %arg3[%get3A_10, %get3A_11] : memref<1x32xf32, #tpu.memory_space<vmem>>, vector<1x32xf32>
    %add3A = arith.constant 9.99999974E-6 : f32
    %add3A_13 = vector.broadcast %add3A : f32 to vector<1x32xf32>
    %add3A_14 = arith.addf %sub3A, %add3A_13 : vector<1x32xf32>
    %rsqrt3A = math.rsqrt %add3A_14 : vector<1x32xf32>
    %mul3A_15 = arith.mulf %get3A_12, %rsqrt3A : vector<1x32xf32>
    %get3A_16 = arith.constant 0 : index
    %get3A_17 = arith.constant 0 : index
    %get3A_18 = vector.load %arg4[%get3A_16, %get3A_17] : memref<1x32xf32, #tpu.memory_space<vmem>>, vector<1x32xf32>
    %mul3A_19 = arith.mulf %div3A_3, %mul3A_15 : vector<1x32xf32>
    %sub3A_20 = arith.subf %get3A_18, %mul3A_19 : vector<1x32xf32>
    %get3A_21 = arith.constant 0 : index
    %get3A_22 = arith.constant 0 : index
    %get3A_23 = vector.load %arg1[%get3A_21, %get3A_22] : memref<4096x32xf32, #tpu.memory_space<vmem>>, vector<4096x32xf32>
    %mul3A_24 = vector.broadcast %mul3A_15 : vector<1x32xf32> to vector<4096x32xf32>
    %mul3A_25 = arith.mulf %get3A_23, %mul3A_24 : vector<4096x32xf32>
    %add3A_26 = vector.broadcast %sub3A_20 : vector<1x32xf32> to vector<4096x32xf32>
    %add3A_27 = arith.addf %mul3A_25, %add3A_26 : vector<4096x32xf32>
    %max3A = arith.constant 0.000000e+00 : f32
    %max3A_28 = vector.broadcast %max3A : f32 to vector<4096x32xf32>
    %max3A_29 = arith.maximumf %add3A_27, %max3A_28 : vector<4096x32xf32>
    %get3A_30 = arith.constant 0 : index
    %get3A_31 = arith.constant 0 : index
    %get3A_32 = vector.load %arg5[%get3A_30, %get3A_31] : memref<32x64xf32, #tpu.memory_space<vmem>>, vector<32x64xf32>
    %dot_general3A = arith.constant dense<0.000000e+00> : vector<4096x64xf32>
    %dot_general3A_33 = tpu.matmul %max3A_29, %get3A_32, %dot_general3A {dimension_numbers = #tpu.dot_dimension_numbers<[1], [0], [0], [1], [0, 0, 1, 1], [], []>, transpose_lhs_hint = false} : vector<4096x32xf32>, vector<32x64xf32>, vector<4096x64xf32> -> vector<4096x64xf32>
    %swap3A = arith.constant 0 : index
    %swap3A_34 = arith.constant 0 : index
    %swap3A_35 = vector.load %arg6[%swap3A, %swap3A_34] : memref<4096x64xf32, #tpu.memory_space<vmem>>, vector<4096x64xf32>
    tpu.vector_store %arg6[%swap3A, %swap3A_34], %dot_general3A_33 {strides = array<i32>} : memref<4096x64xf32, #tpu.memory_space<vmem>>, vector<4096x64xf32>,
    %reduce_sum3A = arith.constant dense<0.000000e+00> : vector<64xf32>
    %reduce_sum3A_36 = vector.multi_reduction <add>, %dot_general3A_33, %reduce_sum3A [0] : vector<4096x64xf32> to vector<64xf32>
    %broadcast_in_dim3A = vector.shape_cast %reduce_sum3A_36 : vector<64xf32> to vector<1x64xf32>
    %mul3A_37 = arith.mulf %dot_general3A_33, %dot_general3A_33 : vector<4096x64xf32>
    %reduce_sum3A_38 = arith.constant dense<0.000000e+00> : vector<64xf32>
    %reduce_sum3A_39 = vector.multi_reduction <add>, %mul3A_37, %reduce_sum3A_38 [0] : vector<4096x64xf32> to vector<64xf32>
    %broadcast_in_dim3A_40 = vector.shape_cast %reduce_sum3A_39 : vector<64xf32> to vector<1x64xf32>
    %broadcast_in_dim3A_41 = arith.constant 0.000000e+00 : f32
    %broadcast_in_dim3A_42 = vector.broadcast %broadcast_in_dim3A_41 : f32 to vector<6x64xf32>
    %concatenate3A = tpu.concatenate %broadcast_in_dim3A, %broadcast_in_dim3A_40, %broadcast_in_dim3A_42 in 0 : vector<1x64xf32>, vector<1x64xf32>, vector<6x64xf32> -> vector<8x64xf32>
    %eq3A = arith.constant 0 : i32
    %eq3A_43 = arith.cmpi eq, %arg0, %eq3A : i32
    %convert_element_type3A = arith.extui %eq3A_43 : i1 to i32
    %cond3A = arith.constant 0 : i32
    %cond3A_44 = arith.cmpi ne, %convert_element_type3A, %cond3A : i32
    scf.if %cond3A_44 {
      %broadcast_in_dim3A_52 = arith.constant 0.000000e+00 : f32
      %broadcast_in_dim3A_53 = vector.broadcast %broadcast_in_dim3A_52 : f32 to vector<8x64xf32>
      %swap3A_54 = arith.constant 0 : index
      %swap3A_55 = arith.constant 0 : index
      %swap3A_56 = vector.load %arg7[%swap3A_54, %swap3A_55] : memref<8x64xf32, #tpu.memory_space<vmem>>, vector<8x64xf32>
      tpu.vector_store %arg7[%swap3A_54, %swap3A_55], %broadcast_in_dim3A_53 {strides = array<i32>} : memref<8x64xf32, #tpu.memory_space<vmem>>, vector<8x64xf32>,
    } else {
    }
    %get3A_45 = arith.constant 0 : index
    %get3A_46 = arith.constant 0 : index
    %get3A_47 = vector.load %arg7[%get3A_45, %get3A_46] : memref<8x64xf32, #tpu.memory_space<vmem>>, vector<8x64xf32>
    %add3A_48 = arith.addf %get3A_47, %concatenate3A : vector<8x64xf32>
    %swap3A_49 = arith.constant 0 : index
    %swap3A_50 = arith.constant 0 : index
    %swap3A_51 = vector.load %arg7[%swap3A_49, %swap3A_50] : memref<8x64xf32, #tpu.memory_space<vmem>>, vector<8x64xf32>
    tpu.vector_store %arg7[%swap3A_49, %swap3A_50], %add3A_48 {strides = array<i32>} : memref<8x64xf32, #tpu.memory_space<vmem>>, vector<8x64xf32>,
    return
  }
  func.func @transform_0(%arg0: i32) -> (i32, i32) {
    %c0_i32 = arith.constant 0 : i32
    %c0_i32_0 = arith.constant 0 : i32
    return %arg0, %c0_i32 : i32, i32
  }
  func.func @transform_1(%arg0: i32) -> (i32, i32) {
    %c0_i32 = arith.constant 0 : i32
    %c0_i32_0 = arith.constant 0 : i32
    %c0_i32_1 = arith.constant 0 : i32
    return %c0_i32, %c0_i32_0 : i32, i32
  }
  func.func @transform_2(%arg0: i32) -> (i32, i32) {
    %c0_i32 = arith.constant 0 : i32
    %c0_i32_0 = arith.constant 0 : i32
    %c0_i32_1 = arith.constant 0 : i32
    return %c0_i32, %c0_i32_0 : i32, i32
  }
  func.func @transform_3(%arg0: i32) -> (i32, i32) {
    %c0_i32 = arith.constant 0 : i32
    %c0_i32_0 = arith.constant 0 : i32
    %c0_i32_1 = arith.constant 0 : i32
    return %c0_i32, %c0_i32_0 : i32, i32
  }
  func.func @transform_4(%arg0: i32) -> (i32, i32) {
    %c0_i32 = arith.constant 0 : i32
    %c0_i32_0 = arith.constant 0 : i32
    %c0_i32_1 = arith.constant 0 : i32
    return %c0_i32, %c0_i32_0 : i32, i32
  }
  func.func @transform_5(%arg0: i32) -> (i32, i32) {
    %c0_i32 = arith.constant 0 : i32
    %c0_i32_0 = arith.constant 0 : i32
    return %arg0, %c0_i32 : i32, i32
  }
  func.func @transform_6(%arg0: i32) -> (i32, i32) {
    %c0_i32 = arith.constant 0 : i32
    %c0_i32_0 = arith.constant 0 : i32
    %c0_i32_1 = arith.constant 0 : i32
    return %c0_i32, %c0_i32_0 : i32, i32
  }
}

module attributes {stable_mosaic.version = 14 : i64} {
  func.func @_norm_relu_pool_kernel(%arg0: i32, %arg1: memref<1024x32x64xf32, #tpu.memory_space<vmem>>, %arg2: memref<8x64xf32, #tpu.memory_space<vmem>>, %arg3: memref<1x64xf32, #tpu.memory_space<vmem>>, %arg4: memref<1x64xf32, #tpu.memory_space<vmem>>, %arg5: memref<1024x64xf32, #tpu.memory_space<vmem>>) attributes {dimension_semantics = [#tpu.dimension_semantics<arbitrary>], iteration_bounds = array<i64: 4>, scalar_prefetch = 0 : i64, scratch_operands = 0 : i64, tpu.core_type = #tpu.core_type<tc>, window_params = [{transform_indices = @transform_0, window_bounds = array<i64: 1024, 32, 64>}, {pipeline_mode = #tpu.pipeline_mode<synchronous>, transform_indices = @transform_1, window_bounds = array<i64: 8, 64>}, {pipeline_mode = #tpu.pipeline_mode<synchronous>, transform_indices = @transform_2, window_bounds = array<i64: 1, 64>}, {pipeline_mode = #tpu.pipeline_mode<synchronous>, transform_indices = @transform_3, window_bounds = array<i64: 1, 64>}, {transform_indices = @transform_4, window_bounds = array<i64: 1024, 64>}]} {
    %get3A = arith.constant 0 : index
    %get3A_0 = arith.constant 0 : index
    %get3A_1 = vector.load %arg2[%get3A, %get3A_0] : memref<8x64xf32, #tpu.memory_space<vmem>>, vector<1x64xf32>
    %div3A = arith.constant 1.310720e+05 : f32
    %div3A_2 = vector.broadcast %div3A : f32 to vector<1x64xf32>
    %div3A_3 = arith.divf %get3A_1, %div3A_2 : vector<1x64xf32>
    %get3A_4 = arith.constant 1 : index
    %get3A_5 = arith.constant 0 : index
    %get3A_6 = vector.load %arg2[%get3A_4, %get3A_5] : memref<8x64xf32, #tpu.memory_space<vmem>>, vector<1x64xf32>
    %div3A_7 = arith.constant 1.310720e+05 : f32
    %div3A_8 = vector.broadcast %div3A_7 : f32 to vector<1x64xf32>
    %div3A_9 = arith.divf %get3A_6, %div3A_8 : vector<1x64xf32>
    %mul3A = arith.mulf %div3A_3, %div3A_3 : vector<1x64xf32>
    %sub3A = arith.subf %div3A_9, %mul3A : vector<1x64xf32>
    %get3A_10 = arith.constant 0 : index
    %get3A_11 = arith.constant 0 : index
    %get3A_12 = vector.load %arg3[%get3A_10, %get3A_11] : memref<1x64xf32, #tpu.memory_space<vmem>>, vector<1x64xf32>
    %add3A = arith.constant 9.99999974E-6 : f32
    %add3A_13 = vector.broadcast %add3A : f32 to vector<1x64xf32>
    %add3A_14 = arith.addf %sub3A, %add3A_13 : vector<1x64xf32>
    %rsqrt3A = math.rsqrt %add3A_14 : vector<1x64xf32>
    %mul3A_15 = arith.mulf %get3A_12, %rsqrt3A : vector<1x64xf32>
    %get3A_16 = arith.constant 0 : index
    %get3A_17 = arith.constant 0 : index
    %get3A_18 = vector.load %arg4[%get3A_16, %get3A_17] : memref<1x64xf32, #tpu.memory_space<vmem>>, vector<1x64xf32>
    %mul3A_19 = arith.mulf %div3A_3, %mul3A_15 : vector<1x64xf32>
    %sub3A_20 = arith.subf %get3A_18, %mul3A_19 : vector<1x64xf32>
    %get3A_21 = arith.constant 0 : index
    %get3A_22 = arith.constant 0 : index
    %get3A_23 = arith.constant 0 : index
    %get3A_24 = vector.load %arg1[%get3A_21, %get3A_22, %get3A_23] : memref<1024x32x64xf32, #tpu.memory_space<vmem>>, vector<1024x32x64xf32>
    %broadcast_in_dim3A = vector.shape_cast %mul3A_15 : vector<1x64xf32> to vector<1x1x64xf32>
    %mul3A_25 = vector.broadcast %broadcast_in_dim3A : vector<1x1x64xf32> to vector<1024x32x64xf32>
    %mul3A_26 = arith.mulf %get3A_24, %mul3A_25 : vector<1024x32x64xf32>
    %broadcast_in_dim3A_27 = vector.shape_cast %sub3A_20 : vector<1x64xf32> to vector<1x1x64xf32>
    %add3A_28 = vector.broadcast %broadcast_in_dim3A_27 : vector<1x1x64xf32> to vector<1024x32x64xf32>
    %add3A_29 = arith.addf %mul3A_26, %add3A_28 : vector<1024x32x64xf32>
    %max3A = arith.constant 0.000000e+00 : f32
    %max3A_30 = vector.broadcast %max3A : f32 to vector<1024x32x64xf32>
    %max3A_31 = arith.maximumf %add3A_29, %max3A_30 : vector<1024x32x64xf32>
    %reduce_max3A = arith.constant dense<0xFF800000> : vector<1024x64xf32>
    %reduce_max3A_32 = vector.multi_reduction <maximumf>, %max3A_31, %reduce_max3A [1] : vector<1024x32x64xf32> to vector<1024x64xf32>
    %swap3A = arith.constant 0 : index
    %swap3A_33 = arith.constant 0 : index
    %swap3A_34 = vector.load %arg5[%swap3A, %swap3A_33] : memref<1024x64xf32, #tpu.memory_space<vmem>>, vector<1024x64xf32>
    tpu.vector_store %arg5[%swap3A, %swap3A_33], %reduce_max3A_32 {strides = array<i32>} : memref<1024x64xf32, #tpu.memory_space<vmem>>, vector<1024x64xf32>,
    return
  }
  func.func @transform_0(%arg0: i32) -> (i32, i32, i32) {
    %c0_i32 = arith.constant 0 : i32
    %c0_i32_0 = arith.constant 0 : i32
    %c0_i32_1 = arith.constant 0 : i32
    return %arg0, %c0_i32, %c0_i32_0 : i32, i32, i32
  }
  func.func @transform_1(%arg0: i32) -> (i32, i32) {
    %c0_i32 = arith.constant 0 : i32
    %c0_i32_0 = arith.constant 0 : i32
    %c0_i32_1 = arith.constant 0 : i32
    return %c0_i32, %c0_i32_0 : i32, i32
  }
  func.func @transform_2(%arg0: i32) -> (i32, i32) {
    %c0_i32 = arith.constant 0 : i32
    %c0_i32_0 = arith.constant 0 : i32
    %c0_i32_1 = arith.constant 0 : i32
    return %c0_i32, %c0_i32_0 : i32, i32
  }
  func.func @transform_3(%arg0: i32) -> (i32, i32) {
    %c0_i32 = arith.constant 0 : i32
    %c0_i32_0 = arith.constant 0 : i32
    %c0_i32_1 = arith.constant 0 : i32
    return %c0_i32, %c0_i32_0 : i32, i32
  }
  func.func @transform_4(%arg0: i32) -> (i32, i32) {
    %c0_i32 = arith.constant 0 : i32
    %c0_i32_0 = arith.constant 0 : i32
    return %arg0, %c0_i32 : i32, i32
  }
}

module attributes {stable_mosaic.version = 14 : i64} {
  func.func @_lambda_(%arg0: i32, %arg1: memref<4096x67xf32, #tpu.memory_space<vmem>>, %arg2: memref<67x64xf32, #tpu.memory_space<vmem>>, %arg3: memref<4096x64xf32, #tpu.memory_space<vmem>>, %arg4: memref<8x64xf32, #tpu.memory_space<vmem>>) attributes {dimension_semantics = [#tpu.dimension_semantics<arbitrary>], iteration_bounds = array<i64: 16>, scalar_prefetch = 0 : i64, scratch_operands = 0 : i64, tpu.core_type = #tpu.core_type<tc>, window_params = [{transform_indices = @transform_0, window_bounds = array<i64: 4096, 67>}, {pipeline_mode = #tpu.pipeline_mode<synchronous>, transform_indices = @transform_1, window_bounds = array<i64: 67, 64>}, {transform_indices = @transform_2, window_bounds = array<i64: 4096, 64>}, {pipeline_mode = #tpu.pipeline_mode<synchronous>, transform_indices = @transform_3, window_bounds = array<i64: 8, 64>}]} {
    %get3A = arith.constant 0 : index
    %get3A_0 = arith.constant 0 : index
    %get3A_1 = vector.load %arg1[%get3A, %get3A_0] : memref<4096x67xf32, #tpu.memory_space<vmem>>, vector<4096x67xf32>
    %get3A_2 = arith.constant 0 : index
    %get3A_3 = arith.constant 0 : index
    %get3A_4 = vector.load %arg2[%get3A_2, %get3A_3] : memref<67x64xf32, #tpu.memory_space<vmem>>, vector<67x64xf32>
    %dot_general3A = arith.constant dense<0.000000e+00> : vector<4096x64xf32>
    %dot_general3A_5 = tpu.matmul %get3A_1, %get3A_4, %dot_general3A {dimension_numbers = #tpu.dot_dimension_numbers<[1], [0], [0], [1], [0, 0, 1, 1], [], []>, transpose_lhs_hint = false} : vector<4096x67xf32>, vector<67x64xf32>, vector<4096x64xf32> -> vector<4096x64xf32>
    %swap3A = arith.constant 0 : index
    %swap3A_6 = arith.constant 0 : index
    %swap3A_7 = vector.load %arg3[%swap3A, %swap3A_6] : memref<4096x64xf32, #tpu.memory_space<vmem>>, vector<4096x64xf32>
    tpu.vector_store %arg3[%swap3A, %swap3A_6], %dot_general3A_5 {strides = array<i32>} : memref<4096x64xf32, #tpu.memory_space<vmem>>, vector<4096x64xf32>,
    %reduce_sum3A = arith.constant dense<0.000000e+00> : vector<64xf32>
    %reduce_sum3A_8 = vector.multi_reduction <add>, %dot_general3A_5, %reduce_sum3A [0] : vector<4096x64xf32> to vector<64xf32>
    %broadcast_in_dim3A = vector.shape_cast %reduce_sum3A_8 : vector<64xf32> to vector<1x64xf32>
    %mul3A = arith.mulf %dot_general3A_5, %dot_general3A_5 : vector<4096x64xf32>
    %reduce_sum3A_9 = arith.constant dense<0.000000e+00> : vector<64xf32>
    %reduce_sum3A_10 = vector.multi_reduction <add>, %mul3A, %reduce_sum3A_9 [0] : vector<4096x64xf32> to vector<64xf32>
    %broadcast_in_dim3A_11 = vector.shape_cast %reduce_sum3A_10 : vector<64xf32> to vector<1x64xf32>
    %broadcast_in_dim3A_12 = arith.constant 0.000000e+00 : f32
    %broadcast_in_dim3A_13 = vector.broadcast %broadcast_in_dim3A_12 : f32 to vector<6x64xf32>
    %concatenate3A = tpu.concatenate %broadcast_in_dim3A, %broadcast_in_dim3A_11, %broadcast_in_dim3A_13 in 0 : vector<1x64xf32>, vector<1x64xf32>, vector<6x64xf32> -> vector<8x64xf32>
    %eq3A = arith.constant 0 : i32
    %eq3A_14 = arith.cmpi eq, %arg0, %eq3A : i32
    %convert_element_type3A = arith.extui %eq3A_14 : i1 to i32
    %cond3A = arith.constant 0 : i32
    %cond3A_15 = arith.cmpi ne, %convert_element_type3A, %cond3A : i32
    scf.if %cond3A_15 {
      %broadcast_in_dim3A_22 = arith.constant 0.000000e+00 : f32
      %broadcast_in_dim3A_23 = vector.broadcast %broadcast_in_dim3A_22 : f32 to vector<8x64xf32>
      %swap3A_24 = arith.constant 0 : index
      %swap3A_25 = arith.constant 0 : index
      %swap3A_26 = vector.load %arg4[%swap3A_24, %swap3A_25] : memref<8x64xf32, #tpu.memory_space<vmem>>, vector<8x64xf32>
      tpu.vector_store %arg4[%swap3A_24, %swap3A_25], %broadcast_in_dim3A_23 {strides = array<i32>} : memref<8x64xf32, #tpu.memory_space<vmem>>, vector<8x64xf32>,
    } else {
    }
    %get3A_16 = arith.constant 0 : index
    %get3A_17 = arith.constant 0 : index
    %get3A_18 = vector.load %arg4[%get3A_16, %get3A_17] : memref<8x64xf32, #tpu.memory_space<vmem>>, vector<8x64xf32>
    %add3A = arith.addf %get3A_18, %concatenate3A : vector<8x64xf32>
    %swap3A_19 = arith.constant 0 : index
    %swap3A_20 = arith.constant 0 : index
    %swap3A_21 = vector.load %arg4[%swap3A_19, %swap3A_20] : memref<8x64xf32, #tpu.memory_space<vmem>>, vector<8x64xf32>
    tpu.vector_store %arg4[%swap3A_19, %swap3A_20], %add3A {strides = array<i32>} : memref<8x64xf32, #tpu.memory_space<vmem>>, vector<8x64xf32>,
    return
  }
  func.func @transform_0(%arg0: i32) -> (i32, i32) {
    %c0_i32 = arith.constant 0 : i32
    %c0_i32_0 = arith.constant 0 : i32
    return %arg0, %c0_i32 : i32, i32
  }
  func.func @transform_1(%arg0: i32) -> (i32, i32) {
    %c0_i32 = arith.constant 0 : i32
    %c0_i32_0 = arith.constant 0 : i32
    %c0_i32_1 = arith.constant 0 : i32
    return %c0_i32, %c0_i32_0 : i32, i32
  }
  func.func @transform_2(%arg0: i32) -> (i32, i32) {
    %c0_i32 = arith.constant 0 : i32
    %c0_i32_0 = arith.constant 0 : i32
    return %arg0, %c0_i32 : i32, i32
  }
  func.func @transform_3(%arg0: i32) -> (i32, i32) {
    %c0_i32 = arith.constant 0 : i32
    %c0_i32_0 = arith.constant 0 : i32
    %c0_i32_1 = arith.constant 0 : i32
    return %c0_i32, %c0_i32_0 : i32, i32
  }
}

module attributes {stable_mosaic.version = 14 : i64} {
  func.func @kern(%arg0: i32, %arg1: memref<4096x64xf32, #tpu.memory_space<vmem>>, %arg2: memref<8x64xf32, #tpu.memory_space<vmem>>, %arg3: memref<1x64xf32, #tpu.memory_space<vmem>>, %arg4: memref<1x64xf32, #tpu.memory_space<vmem>>, %arg5: memref<64x64xf32, #tpu.memory_space<vmem>>, %arg6: memref<4096x64xf32, #tpu.memory_space<vmem>>, %arg7: memref<8x64xf32, #tpu.memory_space<vmem>>) attributes {dimension_semantics = [#tpu.dimension_semantics<arbitrary>], iteration_bounds = array<i64: 16>, scalar_prefetch = 0 : i64, scratch_operands = 0 : i64, tpu.core_type = #tpu.core_type<tc>, window_params = [{transform_indices = @transform_0, window_bounds = array<i64: 4096, 64>}, {pipeline_mode = #tpu.pipeline_mode<synchronous>, transform_indices = @transform_1, window_bounds = array<i64: 8, 64>}, {pipeline_mode = #tpu.pipeline_mode<synchronous>, transform_indices = @transform_2, window_bounds = array<i64: 1, 64>}, {pipeline_mode = #tpu.pipeline_mode<synchronous>, transform_indices = @transform_3, window_bounds = array<i64: 1, 64>}, {pipeline_mode = #tpu.pipeline_mode<synchronous>, transform_indices = @transform_4, window_bounds = array<i64: 64, 64>}, {transform_indices = @transform_5, window_bounds = array<i64: 4096, 64>}, {pipeline_mode = #tpu.pipeline_mode<synchronous>, transform_indices = @transform_6, window_bounds = array<i64: 8, 64>}]} {
    %get3A = arith.constant 0 : index
    %get3A_0 = arith.constant 0 : index
    %get3A_1 = vector.load %arg2[%get3A, %get3A_0] : memref<8x64xf32, #tpu.memory_space<vmem>>, vector<1x64xf32>
    %div3A = arith.constant 6.553600e+04 : f32
    %div3A_2 = vector.broadcast %div3A : f32 to vector<1x64xf32>
    %div3A_3 = arith.divf %get3A_1, %div3A_2 : vector<1x64xf32>
    %get3A_4 = arith.constant 1 : index
    %get3A_5 = arith.constant 0 : index
    %get3A_6 = vector.load %arg2[%get3A_4, %get3A_5] : memref<8x64xf32, #tpu.memory_space<vmem>>, vector<1x64xf32>
    %div3A_7 = arith.constant 6.553600e+04 : f32
    %div3A_8 = vector.broadcast %div3A_7 : f32 to vector<1x64xf32>
    %div3A_9 = arith.divf %get3A_6, %div3A_8 : vector<1x64xf32>
    %mul3A = arith.mulf %div3A_3, %div3A_3 : vector<1x64xf32>
    %sub3A = arith.subf %div3A_9, %mul3A : vector<1x64xf32>
    %get3A_10 = arith.constant 0 : index
    %get3A_11 = arith.constant 0 : index
    %get3A_12 = vector.load %arg3[%get3A_10, %get3A_11] : memref<1x64xf32, #tpu.memory_space<vmem>>, vector<1x64xf32>
    %add3A = arith.constant 9.99999974E-6 : f32
    %add3A_13 = vector.broadcast %add3A : f32 to vector<1x64xf32>
    %add3A_14 = arith.addf %sub3A, %add3A_13 : vector<1x64xf32>
    %rsqrt3A = math.rsqrt %add3A_14 : vector<1x64xf32>
    %mul3A_15 = arith.mulf %get3A_12, %rsqrt3A : vector<1x64xf32>
    %get3A_16 = arith.constant 0 : index
    %get3A_17 = arith.constant 0 : index
    %get3A_18 = vector.load %arg4[%get3A_16, %get3A_17] : memref<1x64xf32, #tpu.memory_space<vmem>>, vector<1x64xf32>
    %mul3A_19 = arith.mulf %div3A_3, %mul3A_15 : vector<1x64xf32>
    %sub3A_20 = arith.subf %get3A_18, %mul3A_19 : vector<1x64xf32>
    %get3A_21 = arith.constant 0 : index
    %get3A_22 = arith.constant 0 : index
    %get3A_23 = vector.load %arg1[%get3A_21, %get3A_22] : memref<4096x64xf32, #tpu.memory_space<vmem>>, vector<4096x64xf32>
    %mul3A_24 = vector.broadcast %mul3A_15 : vector<1x64xf32> to vector<4096x64xf32>
    %mul3A_25 = arith.mulf %get3A_23, %mul3A_24 : vector<4096x64xf32>
    %add3A_26 = vector.broadcast %sub3A_20 : vector<1x64xf32> to vector<4096x64xf32>
    %add3A_27 = arith.addf %mul3A_25, %add3A_26 : vector<4096x64xf32>
    %max3A = arith.constant 0.000000e+00 : f32
    %max3A_28 = vector.broadcast %max3A : f32 to vector<4096x64xf32>
    %max3A_29 = arith.maximumf %add3A_27, %max3A_28 : vector<4096x64xf32>
    %get3A_30 = arith.constant 0 : index
    %get3A_31 = arith.constant 0 : index
    %get3A_32 = vector.load %arg5[%get3A_30, %get3A_31] : memref<64x64xf32, #tpu.memory_space<vmem>>, vector<64x64xf32>
    %dot_general3A = arith.constant dense<0.000000e+00> : vector<4096x64xf32>
    %dot_general3A_33 = tpu.matmul %max3A_29, %get3A_32, %dot_general3A {dimension_numbers = #tpu.dot_dimension_numbers<[1], [0], [0], [1], [0, 0, 1, 1], [], []>, transpose_lhs_hint = false} : vector<4096x64xf32>, vector<64x64xf32>, vector<4096x64xf32> -> vector<4096x64xf32>
    %swap3A = arith.constant 0 : index
    %swap3A_34 = arith.constant 0 : index
    %swap3A_35 = vector.load %arg6[%swap3A, %swap3A_34] : memref<4096x64xf32, #tpu.memory_space<vmem>>, vector<4096x64xf32>
    tpu.vector_store %arg6[%swap3A, %swap3A_34], %dot_general3A_33 {strides = array<i32>} : memref<4096x64xf32, #tpu.memory_space<vmem>>, vector<4096x64xf32>,
    %reduce_sum3A = arith.constant dense<0.000000e+00> : vector<64xf32>
    %reduce_sum3A_36 = vector.multi_reduction <add>, %dot_general3A_33, %reduce_sum3A [0] : vector<4096x64xf32> to vector<64xf32>
    %broadcast_in_dim3A = vector.shape_cast %reduce_sum3A_36 : vector<64xf32> to vector<1x64xf32>
    %mul3A_37 = arith.mulf %dot_general3A_33, %dot_general3A_33 : vector<4096x64xf32>
    %reduce_sum3A_38 = arith.constant dense<0.000000e+00> : vector<64xf32>
    %reduce_sum3A_39 = vector.multi_reduction <add>, %mul3A_37, %reduce_sum3A_38 [0] : vector<4096x64xf32> to vector<64xf32>
    %broadcast_in_dim3A_40 = vector.shape_cast %reduce_sum3A_39 : vector<64xf32> to vector<1x64xf32>
    %broadcast_in_dim3A_41 = arith.constant 0.000000e+00 : f32
    %broadcast_in_dim3A_42 = vector.broadcast %broadcast_in_dim3A_41 : f32 to vector<6x64xf32>
    %concatenate3A = tpu.concatenate %broadcast_in_dim3A, %broadcast_in_dim3A_40, %broadcast_in_dim3A_42 in 0 : vector<1x64xf32>, vector<1x64xf32>, vector<6x64xf32> -> vector<8x64xf32>
    %eq3A = arith.constant 0 : i32
    %eq3A_43 = arith.cmpi eq, %arg0, %eq3A : i32
    %convert_element_type3A = arith.extui %eq3A_43 : i1 to i32
    %cond3A = arith.constant 0 : i32
    %cond3A_44 = arith.cmpi ne, %convert_element_type3A, %cond3A : i32
    scf.if %cond3A_44 {
      %broadcast_in_dim3A_52 = arith.constant 0.000000e+00 : f32
      %broadcast_in_dim3A_53 = vector.broadcast %broadcast_in_dim3A_52 : f32 to vector<8x64xf32>
      %swap3A_54 = arith.constant 0 : index
      %swap3A_55 = arith.constant 0 : index
      %swap3A_56 = vector.load %arg7[%swap3A_54, %swap3A_55] : memref<8x64xf32, #tpu.memory_space<vmem>>, vector<8x64xf32>
      tpu.vector_store %arg7[%swap3A_54, %swap3A_55], %broadcast_in_dim3A_53 {strides = array<i32>} : memref<8x64xf32, #tpu.memory_space<vmem>>, vector<8x64xf32>,
    } else {
    }
    %get3A_45 = arith.constant 0 : index
    %get3A_46 = arith.constant 0 : index
    %get3A_47 = vector.load %arg7[%get3A_45, %get3A_46] : memref<8x64xf32, #tpu.memory_space<vmem>>, vector<8x64xf32>
    %add3A_48 = arith.addf %get3A_47, %concatenate3A : vector<8x64xf32>
    %swap3A_49 = arith.constant 0 : index
    %swap3A_50 = arith.constant 0 : index
    %swap3A_51 = vector.load %arg7[%swap3A_49, %swap3A_50] : memref<8x64xf32, #tpu.memory_space<vmem>>, vector<8x64xf32>
    tpu.vector_store %arg7[%swap3A_49, %swap3A_50], %add3A_48 {strides = array<i32>} : memref<8x64xf32, #tpu.memory_space<vmem>>, vector<8x64xf32>,
    return
  }
  func.func @transform_0(%arg0: i32) -> (i32, i32) {
    %c0_i32 = arith.constant 0 : i32
    %c0_i32_0 = arith.constant 0 : i32
    return %arg0, %c0_i32 : i32, i32
  }
  func.func @transform_1(%arg0: i32) -> (i32, i32) {
    %c0_i32 = arith.constant 0 : i32
    %c0_i32_0 = arith.constant 0 : i32
    %c0_i32_1 = arith.constant 0 : i32
    return %c0_i32, %c0_i32_0 : i32, i32
  }
  func.func @transform_2(%arg0: i32) -> (i32, i32) {
    %c0_i32 = arith.constant 0 : i32
    %c0_i32_0 = arith.constant 0 : i32
    %c0_i32_1 = arith.constant 0 : i32
    return %c0_i32, %c0_i32_0 : i32, i32
  }
  func.func @transform_3(%arg0: i32) -> (i32, i32) {
    %c0_i32 = arith.constant 0 : i32
    %c0_i32_0 = arith.constant 0 : i32
    %c0_i32_1 = arith.constant 0 : i32
    return %c0_i32, %c0_i32_0 : i32, i32
  }
  func.func @transform_4(%arg0: i32) -> (i32, i32) {
    %c0_i32 = arith.constant 0 : i32
    %c0_i32_0 = arith.constant 0 : i32
    %c0_i32_1 = arith.constant 0 : i32
    return %c0_i32, %c0_i32_0 : i32, i32
  }
  func.func @transform_5(%arg0: i32) -> (i32, i32) {
    %c0_i32 = arith.constant 0 : i32
    %c0_i32_0 = arith.constant 0 : i32
    return %arg0, %c0_i32 : i32, i32
  }
  func.func @transform_6(%arg0: i32) -> (i32, i32) {
    %c0_i32 = arith.constant 0 : i32
    %c0_i32_0 = arith.constant 0 : i32
    %c0_i32_1 = arith.constant 0 : i32
    return %c0_i32, %c0_i32_0 : i32, i32
  }
}

module attributes {stable_mosaic.version = 14 : i64} {
  func.func @kern(%arg0: i32, %arg1: memref<4096x64xf32, #tpu.memory_space<vmem>>, %arg2: memref<8x64xf32, #tpu.memory_space<vmem>>, %arg3: memref<1x64xf32, #tpu.memory_space<vmem>>, %arg4: memref<1x64xf32, #tpu.memory_space<vmem>>, %arg5: memref<64x128xf32, #tpu.memory_space<vmem>>, %arg6: memref<4096x128xf32, #tpu.memory_space<vmem>>, %arg7: memref<8x128xf32, #tpu.memory_space<vmem>>) attributes {dimension_semantics = [#tpu.dimension_semantics<arbitrary>], iteration_bounds = array<i64: 16>, scalar_prefetch = 0 : i64, scratch_operands = 0 : i64, tpu.core_type = #tpu.core_type<tc>, window_params = [{transform_indices = @transform_0, window_bounds = array<i64: 4096, 64>}, {pipeline_mode = #tpu.pipeline_mode<synchronous>, transform_indices = @transform_1, window_bounds = array<i64: 8, 64>}, {pipeline_mode = #tpu.pipeline_mode<synchronous>, transform_indices = @transform_2, window_bounds = array<i64: 1, 64>}, {pipeline_mode = #tpu.pipeline_mode<synchronous>, transform_indices = @transform_3, window_bounds = array<i64: 1, 64>}, {pipeline_mode = #tpu.pipeline_mode<synchronous>, transform_indices = @transform_4, window_bounds = array<i64: 64, 128>}, {transform_indices = @transform_5, window_bounds = array<i64: 4096, 128>}, {pipeline_mode = #tpu.pipeline_mode<synchronous>, transform_indices = @transform_6, window_bounds = array<i64: 8, 128>}]} {
    %get3A = arith.constant 0 : index
    %get3A_0 = arith.constant 0 : index
    %get3A_1 = vector.load %arg2[%get3A, %get3A_0] : memref<8x64xf32, #tpu.memory_space<vmem>>, vector<1x64xf32>
    %div3A = arith.constant 6.553600e+04 : f32
    %div3A_2 = vector.broadcast %div3A : f32 to vector<1x64xf32>
    %div3A_3 = arith.divf %get3A_1, %div3A_2 : vector<1x64xf32>
    %get3A_4 = arith.constant 1 : index
    %get3A_5 = arith.constant 0 : index
    %get3A_6 = vector.load %arg2[%get3A_4, %get3A_5] : memref<8x64xf32, #tpu.memory_space<vmem>>, vector<1x64xf32>
    %div3A_7 = arith.constant 6.553600e+04 : f32
    %div3A_8 = vector.broadcast %div3A_7 : f32 to vector<1x64xf32>
    %div3A_9 = arith.divf %get3A_6, %div3A_8 : vector<1x64xf32>
    %mul3A = arith.mulf %div3A_3, %div3A_3 : vector<1x64xf32>
    %sub3A = arith.subf %div3A_9, %mul3A : vector<1x64xf32>
    %get3A_10 = arith.constant 0 : index
    %get3A_11 = arith.constant 0 : index
    %get3A_12 = vector.load %arg3[%get3A_10, %get3A_11] : memref<1x64xf32, #tpu.memory_space<vmem>>, vector<1x64xf32>
    %add3A = arith.constant 9.99999974E-6 : f32
    %add3A_13 = vector.broadcast %add3A : f32 to vector<1x64xf32>
    %add3A_14 = arith.addf %sub3A, %add3A_13 : vector<1x64xf32>
    %rsqrt3A = math.rsqrt %add3A_14 : vector<1x64xf32>
    %mul3A_15 = arith.mulf %get3A_12, %rsqrt3A : vector<1x64xf32>
    %get3A_16 = arith.constant 0 : index
    %get3A_17 = arith.constant 0 : index
    %get3A_18 = vector.load %arg4[%get3A_16, %get3A_17] : memref<1x64xf32, #tpu.memory_space<vmem>>, vector<1x64xf32>
    %mul3A_19 = arith.mulf %div3A_3, %mul3A_15 : vector<1x64xf32>
    %sub3A_20 = arith.subf %get3A_18, %mul3A_19 : vector<1x64xf32>
    %get3A_21 = arith.constant 0 : index
    %get3A_22 = arith.constant 0 : index
    %get3A_23 = vector.load %arg1[%get3A_21, %get3A_22] : memref<4096x64xf32, #tpu.memory_space<vmem>>, vector<4096x64xf32>
    %mul3A_24 = vector.broadcast %mul3A_15 : vector<1x64xf32> to vector<4096x64xf32>
    %mul3A_25 = arith.mulf %get3A_23, %mul3A_24 : vector<4096x64xf32>
    %add3A_26 = vector.broadcast %sub3A_20 : vector<1x64xf32> to vector<4096x64xf32>
    %add3A_27 = arith.addf %mul3A_25, %add3A_26 : vector<4096x64xf32>
    %max3A = arith.constant 0.000000e+00 : f32
    %max3A_28 = vector.broadcast %max3A : f32 to vector<4096x64xf32>
    %max3A_29 = arith.maximumf %add3A_27, %max3A_28 : vector<4096x64xf32>
    %get3A_30 = arith.constant 0 : index
    %get3A_31 = arith.constant 0 : index
    %get3A_32 = vector.load %arg5[%get3A_30, %get3A_31] : memref<64x128xf32, #tpu.memory_space<vmem>>, vector<64x128xf32>
    %dot_general3A = arith.constant dense<0.000000e+00> : vector<4096x128xf32>
    %dot_general3A_33 = tpu.matmul %max3A_29, %get3A_32, %dot_general3A {dimension_numbers = #tpu.dot_dimension_numbers<[1], [0], [0], [1], [0, 0, 1, 1], [], []>, transpose_lhs_hint = false} : vector<4096x64xf32>, vector<64x128xf32>, vector<4096x128xf32> -> vector<4096x128xf32>
    %swap3A = arith.constant 0 : index
    %swap3A_34 = arith.constant 0 : index
    %swap3A_35 = vector.load %arg6[%swap3A, %swap3A_34] : memref<4096x128xf32, #tpu.memory_space<vmem>>, vector<4096x128xf32>
    tpu.vector_store %arg6[%swap3A, %swap3A_34], %dot_general3A_33 {strides = array<i32>} : memref<4096x128xf32, #tpu.memory_space<vmem>>, vector<4096x128xf32>,
    %reduce_sum3A = arith.constant dense<0.000000e+00> : vector<128xf32>
    %reduce_sum3A_36 = vector.multi_reduction <add>, %dot_general3A_33, %reduce_sum3A [0] : vector<4096x128xf32> to vector<128xf32>
    %broadcast_in_dim3A = vector.shape_cast %reduce_sum3A_36 : vector<128xf32> to vector<1x128xf32>
    %mul3A_37 = arith.mulf %dot_general3A_33, %dot_general3A_33 : vector<4096x128xf32>
    %reduce_sum3A_38 = arith.constant dense<0.000000e+00> : vector<128xf32>
    %reduce_sum3A_39 = vector.multi_reduction <add>, %mul3A_37, %reduce_sum3A_38 [0] : vector<4096x128xf32> to vector<128xf32>
    %broadcast_in_dim3A_40 = vector.shape_cast %reduce_sum3A_39 : vector<128xf32> to vector<1x128xf32>
    %broadcast_in_dim3A_41 = arith.constant 0.000000e+00 : f32
    %broadcast_in_dim3A_42 = vector.broadcast %broadcast_in_dim3A_41 : f32 to vector<6x128xf32>
    %concatenate3A = tpu.concatenate %broadcast_in_dim3A, %broadcast_in_dim3A_40, %broadcast_in_dim3A_42 in 0 : vector<1x128xf32>, vector<1x128xf32>, vector<6x128xf32> -> vector<8x128xf32>
    %eq3A = arith.constant 0 : i32
    %eq3A_43 = arith.cmpi eq, %arg0, %eq3A : i32
    %convert_element_type3A = arith.extui %eq3A_43 : i1 to i32
    %cond3A = arith.constant 0 : i32
    %cond3A_44 = arith.cmpi ne, %convert_element_type3A, %cond3A : i32
    scf.if %cond3A_44 {
      %broadcast_in_dim3A_52 = arith.constant 0.000000e+00 : f32
      %broadcast_in_dim3A_53 = vector.broadcast %broadcast_in_dim3A_52 : f32 to vector<8x128xf32>
      %swap3A_54 = arith.constant 0 : index
      %swap3A_55 = arith.constant 0 : index
      %swap3A_56 = vector.load %arg7[%swap3A_54, %swap3A_55] : memref<8x128xf32, #tpu.memory_space<vmem>>, vector<8x128xf32>
      tpu.vector_store %arg7[%swap3A_54, %swap3A_55], %broadcast_in_dim3A_53 {strides = array<i32>} : memref<8x128xf32, #tpu.memory_space<vmem>>, vector<8x128xf32>,
    } else {
    }
    %get3A_45 = arith.constant 0 : index
    %get3A_46 = arith.constant 0 : index
    %get3A_47 = vector.load %arg7[%get3A_45, %get3A_46] : memref<8x128xf32, #tpu.memory_space<vmem>>, vector<8x128xf32>
    %add3A_48 = arith.addf %get3A_47, %concatenate3A : vector<8x128xf32>
    %swap3A_49 = arith.constant 0 : index
    %swap3A_50 = arith.constant 0 : index
    %swap3A_51 = vector.load %arg7[%swap3A_49, %swap3A_50] : memref<8x128xf32, #tpu.memory_space<vmem>>, vector<8x128xf32>
    tpu.vector_store %arg7[%swap3A_49, %swap3A_50], %add3A_48 {strides = array<i32>} : memref<8x128xf32, #tpu.memory_space<vmem>>, vector<8x128xf32>,
    return
  }
  func.func @transform_0(%arg0: i32) -> (i32, i32) {
    %c0_i32 = arith.constant 0 : i32
    %c0_i32_0 = arith.constant 0 : i32
    return %arg0, %c0_i32 : i32, i32
  }
  func.func @transform_1(%arg0: i32) -> (i32, i32) {
    %c0_i32 = arith.constant 0 : i32
    %c0_i32_0 = arith.constant 0 : i32
    %c0_i32_1 = arith.constant 0 : i32
    return %c0_i32, %c0_i32_0 : i32, i32
  }
  func.func @transform_2(%arg0: i32) -> (i32, i32) {
    %c0_i32 = arith.constant 0 : i32
    %c0_i32_0 = arith.constant 0 : i32
    %c0_i32_1 = arith.constant 0 : i32
    return %c0_i32, %c0_i32_0 : i32, i32
  }
  func.func @transform_3(%arg0: i32) -> (i32, i32) {
    %c0_i32 = arith.constant 0 : i32
    %c0_i32_0 = arith.constant 0 : i32
    %c0_i32_1 = arith.constant 0 : i32
    return %c0_i32, %c0_i32_0 : i32, i32
  }
  func.func @transform_4(%arg0: i32) -> (i32, i32) {
    %c0_i32 = arith.constant 0 : i32
    %c0_i32_0 = arith.constant 0 : i32
    %c0_i32_1 = arith.constant 0 : i32
    return %c0_i32, %c0_i32_0 : i32, i32
  }
  func.func @transform_5(%arg0: i32) -> (i32, i32) {
    %c0_i32 = arith.constant 0 : i32
    %c0_i32_0 = arith.constant 0 : i32
    return %arg0, %c0_i32 : i32, i32
  }
  func.func @transform_6(%arg0: i32) -> (i32, i32) {
    %c0_i32 = arith.constant 0 : i32
    %c0_i32_0 = arith.constant 0 : i32
    %c0_i32_1 = arith.constant 0 : i32
    return %c0_i32, %c0_i32_0 : i32, i32
  }
}

module attributes {stable_mosaic.version = 14 : i64} {
  func.func @_norm_relu_pool_kernel(%arg0: i32, %arg1: memref<1024x32x128xf32, #tpu.memory_space<vmem>>, %arg2: memref<8x128xf32, #tpu.memory_space<vmem>>, %arg3: memref<1x128xf32, #tpu.memory_space<vmem>>, %arg4: memref<1x128xf32, #tpu.memory_space<vmem>>, %arg5: memref<1024x128xf32, #tpu.memory_space<vmem>>) attributes {dimension_semantics = [#tpu.dimension_semantics<arbitrary>], iteration_bounds = array<i64: 2>, scalar_prefetch = 0 : i64, scratch_operands = 0 : i64, tpu.core_type = #tpu.core_type<tc>, window_params = [{transform_indices = @transform_0, window_bounds = array<i64: 1024, 32, 128>}, {pipeline_mode = #tpu.pipeline_mode<synchronous>, transform_indices = @transform_1, window_bounds = array<i64: 8, 128>}, {pipeline_mode = #tpu.pipeline_mode<synchronous>, transform_indices = @transform_2, window_bounds = array<i64: 1, 128>}, {pipeline_mode = #tpu.pipeline_mode<synchronous>, transform_indices = @transform_3, window_bounds = array<i64: 1, 128>}, {transform_indices = @transform_4, window_bounds = array<i64: 1024, 128>}]} {
    %get3A = arith.constant 0 : index
    %get3A_0 = arith.constant 0 : index
    %get3A_1 = vector.load %arg2[%get3A, %get3A_0] : memref<8x128xf32, #tpu.memory_space<vmem>>, vector<1x128xf32>
    %div3A = arith.constant 6.553600e+04 : f32
    %div3A_2 = vector.broadcast %div3A : f32 to vector<1x128xf32>
    %div3A_3 = arith.divf %get3A_1, %div3A_2 : vector<1x128xf32>
    %get3A_4 = arith.constant 1 : index
    %get3A_5 = arith.constant 0 : index
    %get3A_6 = vector.load %arg2[%get3A_4, %get3A_5] : memref<8x128xf32, #tpu.memory_space<vmem>>, vector<1x128xf32>
    %div3A_7 = arith.constant 6.553600e+04 : f32
    %div3A_8 = vector.broadcast %div3A_7 : f32 to vector<1x128xf32>
    %div3A_9 = arith.divf %get3A_6, %div3A_8 : vector<1x128xf32>
    %mul3A = arith.mulf %div3A_3, %div3A_3 : vector<1x128xf32>
    %sub3A = arith.subf %div3A_9, %mul3A : vector<1x128xf32>
    %get3A_10 = arith.constant 0 : index
    %get3A_11 = arith.constant 0 : index
    %get3A_12 = vector.load %arg3[%get3A_10, %get3A_11] : memref<1x128xf32, #tpu.memory_space<vmem>>, vector<1x128xf32>
    %add3A = arith.constant 9.99999974E-6 : f32
    %add3A_13 = vector.broadcast %add3A : f32 to vector<1x128xf32>
    %add3A_14 = arith.addf %sub3A, %add3A_13 : vector<1x128xf32>
    %rsqrt3A = math.rsqrt %add3A_14 : vector<1x128xf32>
    %mul3A_15 = arith.mulf %get3A_12, %rsqrt3A : vector<1x128xf32>
    %get3A_16 = arith.constant 0 : index
    %get3A_17 = arith.constant 0 : index
    %get3A_18 = vector.load %arg4[%get3A_16, %get3A_17] : memref<1x128xf32, #tpu.memory_space<vmem>>, vector<1x128xf32>
    %mul3A_19 = arith.mulf %div3A_3, %mul3A_15 : vector<1x128xf32>
    %sub3A_20 = arith.subf %get3A_18, %mul3A_19 : vector<1x128xf32>
    %get3A_21 = arith.constant 0 : index
    %get3A_22 = arith.constant 0 : index
    %get3A_23 = arith.constant 0 : index
    %get3A_24 = vector.load %arg1[%get3A_21, %get3A_22, %get3A_23] : memref<1024x32x128xf32, #tpu.memory_space<vmem>>, vector<1024x32x128xf32>
    %broadcast_in_dim3A = vector.shape_cast %mul3A_15 : vector<1x128xf32> to vector<1x1x128xf32>
    %mul3A_25 = vector.broadcast %broadcast_in_dim3A : vector<1x1x128xf32> to vector<1024x32x128xf32>
    %mul3A_26 = arith.mulf %get3A_24, %mul3A_25 : vector<1024x32x128xf32>
    %broadcast_in_dim3A_27 = vector.shape_cast %sub3A_20 : vector<1x128xf32> to vector<1x1x128xf32>
    %add3A_28 = vector.broadcast %broadcast_in_dim3A_27 : vector<1x1x128xf32> to vector<1024x32x128xf32>
    %add3A_29 = arith.addf %mul3A_26, %add3A_28 : vector<1024x32x128xf32>
    %max3A = arith.constant 0.000000e+00 : f32
    %max3A_30 = vector.broadcast %max3A : f32 to vector<1024x32x128xf32>
    %max3A_31 = arith.maximumf %add3A_29, %max3A_30 : vector<1024x32x128xf32>
    %reduce_max3A = arith.constant dense<0xFF800000> : vector<1024x128xf32>
    %reduce_max3A_32 = vector.multi_reduction <maximumf>, %max3A_31, %reduce_max3A [1] : vector<1024x32x128xf32> to vector<1024x128xf32>
    %swap3A = arith.constant 0 : index
    %swap3A_33 = arith.constant 0 : index
    %swap3A_34 = vector.load %arg5[%swap3A, %swap3A_33] : memref<1024x128xf32, #tpu.memory_space<vmem>>, vector<1024x128xf32>
    tpu.vector_store %arg5[%swap3A, %swap3A_33], %reduce_max3A_32 {strides = array<i32>} : memref<1024x128xf32, #tpu.memory_space<vmem>>, vector<1024x128xf32>,
    return
  }
  func.func @transform_0(%arg0: i32) -> (i32, i32, i32) {
    %c0_i32 = arith.constant 0 : i32
    %c0_i32_0 = arith.constant 0 : i32
    %c0_i32_1 = arith.constant 0 : i32
    return %arg0, %c0_i32, %c0_i32_0 : i32, i32, i32
  }
  func.func @transform_1(%arg0: i32) -> (i32, i32) {
    %c0_i32 = arith.constant 0 : i32
    %c0_i32_0 = arith.constant 0 : i32
    %c0_i32_1 = arith.constant 0 : i32
    return %c0_i32, %c0_i32_0 : i32, i32
  }
  func.func @transform_2(%arg0: i32) -> (i32, i32) {
    %c0_i32 = arith.constant 0 : i32
    %c0_i32_0 = arith.constant 0 : i32
    %c0_i32_1 = arith.constant 0 : i32
    return %c0_i32, %c0_i32_0 : i32, i32
  }
  func.func @transform_3(%arg0: i32) -> (i32, i32) {
    %c0_i32 = arith.constant 0 : i32
    %c0_i32_0 = arith.constant 0 : i32
    %c0_i32_1 = arith.constant 0 : i32
    return %c0_i32, %c0_i32_0 : i32, i32
  }
  func.func @transform_4(%arg0: i32) -> (i32, i32) {
    %c0_i32 = arith.constant 0 : i32
    %c0_i32_0 = arith.constant 0 : i32
    return %arg0, %c0_i32 : i32, i32
  }
}

module attributes {stable_mosaic.version = 14 : i64} {
  func.func @_lambda_(%arg0: i32, %arg1: memref<4096x131xf32, #tpu.memory_space<vmem>>, %arg2: memref<131x128xf32, #tpu.memory_space<vmem>>, %arg3: memref<4096x128xf32, #tpu.memory_space<vmem>>, %arg4: memref<8x128xf32, #tpu.memory_space<vmem>>) attributes {dimension_semantics = [#tpu.dimension_semantics<arbitrary>], iteration_bounds = array<i64: 4>, scalar_prefetch = 0 : i64, scratch_operands = 0 : i64, tpu.core_type = #tpu.core_type<tc>, window_params = [{transform_indices = @transform_0, window_bounds = array<i64: 4096, 131>}, {pipeline_mode = #tpu.pipeline_mode<synchronous>, transform_indices = @transform_1, window_bounds = array<i64: 131, 128>}, {transform_indices = @transform_2, window_bounds = array<i64: 4096, 128>}, {pipeline_mode = #tpu.pipeline_mode<synchronous>, transform_indices = @transform_3, window_bounds = array<i64: 8, 128>}]} {
    %get3A = arith.constant 0 : index
    %get3A_0 = arith.constant 0 : index
    %get3A_1 = vector.load %arg1[%get3A, %get3A_0] : memref<4096x131xf32, #tpu.memory_space<vmem>>, vector<4096x131xf32>
    %get3A_2 = arith.constant 0 : index
    %get3A_3 = arith.constant 0 : index
    %get3A_4 = vector.load %arg2[%get3A_2, %get3A_3] : memref<131x128xf32, #tpu.memory_space<vmem>>, vector<131x128xf32>
    %dot_general3A = arith.constant dense<0.000000e+00> : vector<4096x128xf32>
    %dot_general3A_5 = tpu.matmul %get3A_1, %get3A_4, %dot_general3A {dimension_numbers = #tpu.dot_dimension_numbers<[1], [0], [0], [1], [0, 0, 1, 1], [], []>, transpose_lhs_hint = false} : vector<4096x131xf32>, vector<131x128xf32>, vector<4096x128xf32> -> vector<4096x128xf32>
    %swap3A = arith.constant 0 : index
    %swap3A_6 = arith.constant 0 : index
    %swap3A_7 = vector.load %arg3[%swap3A, %swap3A_6] : memref<4096x128xf32, #tpu.memory_space<vmem>>, vector<4096x128xf32>
    tpu.vector_store %arg3[%swap3A, %swap3A_6], %dot_general3A_5 {strides = array<i32>} : memref<4096x128xf32, #tpu.memory_space<vmem>>, vector<4096x128xf32>,
    %reduce_sum3A = arith.constant dense<0.000000e+00> : vector<128xf32>
    %reduce_sum3A_8 = vector.multi_reduction <add>, %dot_general3A_5, %reduce_sum3A [0] : vector<4096x128xf32> to vector<128xf32>
    %broadcast_in_dim3A = vector.shape_cast %reduce_sum3A_8 : vector<128xf32> to vector<1x128xf32>
    %mul3A = arith.mulf %dot_general3A_5, %dot_general3A_5 : vector<4096x128xf32>
    %reduce_sum3A_9 = arith.constant dense<0.000000e+00> : vector<128xf32>
    %reduce_sum3A_10 = vector.multi_reduction <add>, %mul3A, %reduce_sum3A_9 [0] : vector<4096x128xf32> to vector<128xf32>
    %broadcast_in_dim3A_11 = vector.shape_cast %reduce_sum3A_10 : vector<128xf32> to vector<1x128xf32>
    %broadcast_in_dim3A_12 = arith.constant 0.000000e+00 : f32
    %broadcast_in_dim3A_13 = vector.broadcast %broadcast_in_dim3A_12 : f32 to vector<6x128xf32>
    %concatenate3A = tpu.concatenate %broadcast_in_dim3A, %broadcast_in_dim3A_11, %broadcast_in_dim3A_13 in 0 : vector<1x128xf32>, vector<1x128xf32>, vector<6x128xf32> -> vector<8x128xf32>
    %eq3A = arith.constant 0 : i32
    %eq3A_14 = arith.cmpi eq, %arg0, %eq3A : i32
    %convert_element_type3A = arith.extui %eq3A_14 : i1 to i32
    %cond3A = arith.constant 0 : i32
    %cond3A_15 = arith.cmpi ne, %convert_element_type3A, %cond3A : i32
    scf.if %cond3A_15 {
      %broadcast_in_dim3A_22 = arith.constant 0.000000e+00 : f32
      %broadcast_in_dim3A_23 = vector.broadcast %broadcast_in_dim3A_22 : f32 to vector<8x128xf32>
      %swap3A_24 = arith.constant 0 : index
      %swap3A_25 = arith.constant 0 : index
      %swap3A_26 = vector.load %arg4[%swap3A_24, %swap3A_25] : memref<8x128xf32, #tpu.memory_space<vmem>>, vector<8x128xf32>
      tpu.vector_store %arg4[%swap3A_24, %swap3A_25], %broadcast_in_dim3A_23 {strides = array<i32>} : memref<8x128xf32, #tpu.memory_space<vmem>>, vector<8x128xf32>,
    } else {
    }
    %get3A_16 = arith.constant 0 : index
    %get3A_17 = arith.constant 0 : index
    %get3A_18 = vector.load %arg4[%get3A_16, %get3A_17] : memref<8x128xf32, #tpu.memory_space<vmem>>, vector<8x128xf32>
    %add3A = arith.addf %get3A_18, %concatenate3A : vector<8x128xf32>
    %swap3A_19 = arith.constant 0 : index
    %swap3A_20 = arith.constant 0 : index
    %swap3A_21 = vector.load %arg4[%swap3A_19, %swap3A_20] : memref<8x128xf32, #tpu.memory_space<vmem>>, vector<8x128xf32>
    tpu.vector_store %arg4[%swap3A_19, %swap3A_20], %add3A {strides = array<i32>} : memref<8x128xf32, #tpu.memory_space<vmem>>, vector<8x128xf32>,
    return
  }
  func.func @transform_0(%arg0: i32) -> (i32, i32) {
    %c0_i32 = arith.constant 0 : i32
    %c0_i32_0 = arith.constant 0 : i32
    return %arg0, %c0_i32 : i32, i32
  }
  func.func @transform_1(%arg0: i32) -> (i32, i32) {
    %c0_i32 = arith.constant 0 : i32
    %c0_i32_0 = arith.constant 0 : i32
    %c0_i32_1 = arith.constant 0 : i32
    return %c0_i32, %c0_i32_0 : i32, i32
  }
  func.func @transform_2(%arg0: i32) -> (i32, i32) {
    %c0_i32 = arith.constant 0 : i32
    %c0_i32_0 = arith.constant 0 : i32
    return %arg0, %c0_i32 : i32, i32
  }
  func.func @transform_3(%arg0: i32) -> (i32, i32) {
    %c0_i32 = arith.constant 0 : i32
    %c0_i32_0 = arith.constant 0 : i32
    %c0_i32_1 = arith.constant 0 : i32
    return %c0_i32, %c0_i32_0 : i32, i32
  }
}

module attributes {stable_mosaic.version = 14 : i64} {
  func.func @kern(%arg0: i32, %arg1: memref<4096x128xf32, #tpu.memory_space<vmem>>, %arg2: memref<8x128xf32, #tpu.memory_space<vmem>>, %arg3: memref<1x128xf32, #tpu.memory_space<vmem>>, %arg4: memref<1x128xf32, #tpu.memory_space<vmem>>, %arg5: memref<128x128xf32, #tpu.memory_space<vmem>>, %arg6: memref<4096x128xf32, #tpu.memory_space<vmem>>, %arg7: memref<8x128xf32, #tpu.memory_space<vmem>>) attributes {dimension_semantics = [#tpu.dimension_semantics<arbitrary>], iteration_bounds = array<i64: 4>, scalar_prefetch = 0 : i64, scratch_operands = 0 : i64, tpu.core_type = #tpu.core_type<tc>, window_params = [{transform_indices = @transform_0, window_bounds = array<i64: 4096, 128>}, {pipeline_mode = #tpu.pipeline_mode<synchronous>, transform_indices = @transform_1, window_bounds = array<i64: 8, 128>}, {pipeline_mode = #tpu.pipeline_mode<synchronous>, transform_indices = @transform_2, window_bounds = array<i64: 1, 128>}, {pipeline_mode = #tpu.pipeline_mode<synchronous>, transform_indices = @transform_3, window_bounds = array<i64: 1, 128>}, {pipeline_mode = #tpu.pipeline_mode<synchronous>, transform_indices = @transform_4, window_bounds = array<i64: 128, 128>}, {transform_indices = @transform_5, window_bounds = array<i64: 4096, 128>}, {pipeline_mode = #tpu.pipeline_mode<synchronous>, transform_indices = @transform_6, window_bounds = array<i64: 8, 128>}]} {
    %get3A = arith.constant 0 : index
    %get3A_0 = arith.constant 0 : index
    %get3A_1 = vector.load %arg2[%get3A, %get3A_0] : memref<8x128xf32, #tpu.memory_space<vmem>>, vector<1x128xf32>
    %div3A = arith.constant 1.638400e+04 : f32
    %div3A_2 = vector.broadcast %div3A : f32 to vector<1x128xf32>
    %div3A_3 = arith.divf %get3A_1, %div3A_2 : vector<1x128xf32>
    %get3A_4 = arith.constant 1 : index
    %get3A_5 = arith.constant 0 : index
    %get3A_6 = vector.load %arg2[%get3A_4, %get3A_5] : memref<8x128xf32, #tpu.memory_space<vmem>>, vector<1x128xf32>
    %div3A_7 = arith.constant 1.638400e+04 : f32
    %div3A_8 = vector.broadcast %div3A_7 : f32 to vector<1x128xf32>
    %div3A_9 = arith.divf %get3A_6, %div3A_8 : vector<1x128xf32>
    %mul3A = arith.mulf %div3A_3, %div3A_3 : vector<1x128xf32>
    %sub3A = arith.subf %div3A_9, %mul3A : vector<1x128xf32>
    %get3A_10 = arith.constant 0 : index
    %get3A_11 = arith.constant 0 : index
    %get3A_12 = vector.load %arg3[%get3A_10, %get3A_11] : memref<1x128xf32, #tpu.memory_space<vmem>>, vector<1x128xf32>
    %add3A = arith.constant 9.99999974E-6 : f32
    %add3A_13 = vector.broadcast %add3A : f32 to vector<1x128xf32>
    %add3A_14 = arith.addf %sub3A, %add3A_13 : vector<1x128xf32>
    %rsqrt3A = math.rsqrt %add3A_14 : vector<1x128xf32>
    %mul3A_15 = arith.mulf %get3A_12, %rsqrt3A : vector<1x128xf32>
    %get3A_16 = arith.constant 0 : index
    %get3A_17 = arith.constant 0 : index
    %get3A_18 = vector.load %arg4[%get3A_16, %get3A_17] : memref<1x128xf32, #tpu.memory_space<vmem>>, vector<1x128xf32>
    %mul3A_19 = arith.mulf %div3A_3, %mul3A_15 : vector<1x128xf32>
    %sub3A_20 = arith.subf %get3A_18, %mul3A_19 : vector<1x128xf32>
    %get3A_21 = arith.constant 0 : index
    %get3A_22 = arith.constant 0 : index
    %get3A_23 = vector.load %arg1[%get3A_21, %get3A_22] : memref<4096x128xf32, #tpu.memory_space<vmem>>, vector<4096x128xf32>
    %mul3A_24 = vector.broadcast %mul3A_15 : vector<1x128xf32> to vector<4096x128xf32>
    %mul3A_25 = arith.mulf %get3A_23, %mul3A_24 : vector<4096x128xf32>
    %add3A_26 = vector.broadcast %sub3A_20 : vector<1x128xf32> to vector<4096x128xf32>
    %add3A_27 = arith.addf %mul3A_25, %add3A_26 : vector<4096x128xf32>
    %max3A = arith.constant 0.000000e+00 : f32
    %max3A_28 = vector.broadcast %max3A : f32 to vector<4096x128xf32>
    %max3A_29 = arith.maximumf %add3A_27, %max3A_28 : vector<4096x128xf32>
    %get3A_30 = arith.constant 0 : index
    %get3A_31 = arith.constant 0 : index
    %get3A_32 = vector.load %arg5[%get3A_30, %get3A_31] : memref<128x128xf32, #tpu.memory_space<vmem>>, vector<128x128xf32>
    %dot_general3A = arith.constant dense<0.000000e+00> : vector<4096x128xf32>
    %dot_general3A_33 = tpu.matmul %max3A_29, %get3A_32, %dot_general3A {dimension_numbers = #tpu.dot_dimension_numbers<[1], [0], [0], [1], [0, 0, 1, 1], [], []>, transpose_lhs_hint = false} : vector<4096x128xf32>, vector<128x128xf32>, vector<4096x128xf32> -> vector<4096x128xf32>
    %swap3A = arith.constant 0 : index
    %swap3A_34 = arith.constant 0 : index
    %swap3A_35 = vector.load %arg6[%swap3A, %swap3A_34] : memref<4096x128xf32, #tpu.memory_space<vmem>>, vector<4096x128xf32>
    tpu.vector_store %arg6[%swap3A, %swap3A_34], %dot_general3A_33 {strides = array<i32>} : memref<4096x128xf32, #tpu.memory_space<vmem>>, vector<4096x128xf32>,
    %reduce_sum3A = arith.constant dense<0.000000e+00> : vector<128xf32>
    %reduce_sum3A_36 = vector.multi_reduction <add>, %dot_general3A_33, %reduce_sum3A [0] : vector<4096x128xf32> to vector<128xf32>
    %broadcast_in_dim3A = vector.shape_cast %reduce_sum3A_36 : vector<128xf32> to vector<1x128xf32>
    %mul3A_37 = arith.mulf %dot_general3A_33, %dot_general3A_33 : vector<4096x128xf32>
    %reduce_sum3A_38 = arith.constant dense<0.000000e+00> : vector<128xf32>
    %reduce_sum3A_39 = vector.multi_reduction <add>, %mul3A_37, %reduce_sum3A_38 [0] : vector<4096x128xf32> to vector<128xf32>
    %broadcast_in_dim3A_40 = vector.shape_cast %reduce_sum3A_39 : vector<128xf32> to vector<1x128xf32>
    %broadcast_in_dim3A_41 = arith.constant 0.000000e+00 : f32
    %broadcast_in_dim3A_42 = vector.broadcast %broadcast_in_dim3A_41 : f32 to vector<6x128xf32>
    %concatenate3A = tpu.concatenate %broadcast_in_dim3A, %broadcast_in_dim3A_40, %broadcast_in_dim3A_42 in 0 : vector<1x128xf32>, vector<1x128xf32>, vector<6x128xf32> -> vector<8x128xf32>
    %eq3A = arith.constant 0 : i32
    %eq3A_43 = arith.cmpi eq, %arg0, %eq3A : i32
    %convert_element_type3A = arith.extui %eq3A_43 : i1 to i32
    %cond3A = arith.constant 0 : i32
    %cond3A_44 = arith.cmpi ne, %convert_element_type3A, %cond3A : i32
    scf.if %cond3A_44 {
      %broadcast_in_dim3A_52 = arith.constant 0.000000e+00 : f32
      %broadcast_in_dim3A_53 = vector.broadcast %broadcast_in_dim3A_52 : f32 to vector<8x128xf32>
      %swap3A_54 = arith.constant 0 : index
      %swap3A_55 = arith.constant 0 : index
      %swap3A_56 = vector.load %arg7[%swap3A_54, %swap3A_55] : memref<8x128xf32, #tpu.memory_space<vmem>>, vector<8x128xf32>
      tpu.vector_store %arg7[%swap3A_54, %swap3A_55], %broadcast_in_dim3A_53 {strides = array<i32>} : memref<8x128xf32, #tpu.memory_space<vmem>>, vector<8x128xf32>,
    } else {
    }
    %get3A_45 = arith.constant 0 : index
    %get3A_46 = arith.constant 0 : index
    %get3A_47 = vector.load %arg7[%get3A_45, %get3A_46] : memref<8x128xf32, #tpu.memory_space<vmem>>, vector<8x128xf32>
    %add3A_48 = arith.addf %get3A_47, %concatenate3A : vector<8x128xf32>
    %swap3A_49 = arith.constant 0 : index
    %swap3A_50 = arith.constant 0 : index
    %swap3A_51 = vector.load %arg7[%swap3A_49, %swap3A_50] : memref<8x128xf32, #tpu.memory_space<vmem>>, vector<8x128xf32>
    tpu.vector_store %arg7[%swap3A_49, %swap3A_50], %add3A_48 {strides = array<i32>} : memref<8x128xf32, #tpu.memory_space<vmem>>, vector<8x128xf32>,
    return
  }
  func.func @transform_0(%arg0: i32) -> (i32, i32) {
    %c0_i32 = arith.constant 0 : i32
    %c0_i32_0 = arith.constant 0 : i32
    return %arg0, %c0_i32 : i32, i32
  }
  func.func @transform_1(%arg0: i32) -> (i32, i32) {
    %c0_i32 = arith.constant 0 : i32
    %c0_i32_0 = arith.constant 0 : i32
    %c0_i32_1 = arith.constant 0 : i32
    return %c0_i32, %c0_i32_0 : i32, i32
  }
  func.func @transform_2(%arg0: i32) -> (i32, i32) {
    %c0_i32 = arith.constant 0 : i32
    %c0_i32_0 = arith.constant 0 : i32
    %c0_i32_1 = arith.constant 0 : i32
    return %c0_i32, %c0_i32_0 : i32, i32
  }
  func.func @transform_3(%arg0: i32) -> (i32, i32) {
    %c0_i32 = arith.constant 0 : i32
    %c0_i32_0 = arith.constant 0 : i32
    %c0_i32_1 = arith.constant 0 : i32
    return %c0_i32, %c0_i32_0 : i32, i32
  }
  func.func @transform_4(%arg0: i32) -> (i32, i32) {
    %c0_i32 = arith.constant 0 : i32
    %c0_i32_0 = arith.constant 0 : i32
    %c0_i32_1 = arith.constant 0 : i32
    return %c0_i32, %c0_i32_0 : i32, i32
  }
  func.func @transform_5(%arg0: i32) -> (i32, i32) {
    %c0_i32 = arith.constant 0 : i32
    %c0_i32_0 = arith.constant 0 : i32
    return %arg0, %c0_i32 : i32, i32
  }
  func.func @transform_6(%arg0: i32) -> (i32, i32) {
    %c0_i32 = arith.constant 0 : i32
    %c0_i32_0 = arith.constant 0 : i32
    %c0_i32_1 = arith.constant 0 : i32
    return %c0_i32, %c0_i32_0 : i32, i32
  }
}

module attributes {stable_mosaic.version = 14 : i64} {
  func.func @kern(%arg0: i32, %arg1: memref<4096x128xf32, #tpu.memory_space<vmem>>, %arg2: memref<8x128xf32, #tpu.memory_space<vmem>>, %arg3: memref<1x128xf32, #tpu.memory_space<vmem>>, %arg4: memref<1x128xf32, #tpu.memory_space<vmem>>, %arg5: memref<128x256xf32, #tpu.memory_space<vmem>>, %arg6: memref<4096x256xf32, #tpu.memory_space<vmem>>, %arg7: memref<8x256xf32, #tpu.memory_space<vmem>>) attributes {dimension_semantics = [#tpu.dimension_semantics<arbitrary>], iteration_bounds = array<i64: 4>, scalar_prefetch = 0 : i64, scratch_operands = 0 : i64, tpu.core_type = #tpu.core_type<tc>, window_params = [{transform_indices = @transform_0, window_bounds = array<i64: 4096, 128>}, {pipeline_mode = #tpu.pipeline_mode<synchronous>, transform_indices = @transform_1, window_bounds = array<i64: 8, 128>}, {pipeline_mode = #tpu.pipeline_mode<synchronous>, transform_indices = @transform_2, window_bounds = array<i64: 1, 128>}, {pipeline_mode = #tpu.pipeline_mode<synchronous>, transform_indices = @transform_3, window_bounds = array<i64: 1, 128>}, {pipeline_mode = #tpu.pipeline_mode<synchronous>, transform_indices = @transform_4, window_bounds = array<i64: 128, 256>}, {transform_indices = @transform_5, window_bounds = array<i64: 4096, 256>}, {pipeline_mode = #tpu.pipeline_mode<synchronous>, transform_indices = @transform_6, window_bounds = array<i64: 8, 256>}]} {
    %get3A = arith.constant 0 : index
    %get3A_0 = arith.constant 0 : index
    %get3A_1 = vector.load %arg2[%get3A, %get3A_0] : memref<8x128xf32, #tpu.memory_space<vmem>>, vector<1x128xf32>
    %div3A = arith.constant 1.638400e+04 : f32
    %div3A_2 = vector.broadcast %div3A : f32 to vector<1x128xf32>
    %div3A_3 = arith.divf %get3A_1, %div3A_2 : vector<1x128xf32>
    %get3A_4 = arith.constant 1 : index
    %get3A_5 = arith.constant 0 : index
    %get3A_6 = vector.load %arg2[%get3A_4, %get3A_5] : memref<8x128xf32, #tpu.memory_space<vmem>>, vector<1x128xf32>
    %div3A_7 = arith.constant 1.638400e+04 : f32
    %div3A_8 = vector.broadcast %div3A_7 : f32 to vector<1x128xf32>
    %div3A_9 = arith.divf %get3A_6, %div3A_8 : vector<1x128xf32>
    %mul3A = arith.mulf %div3A_3, %div3A_3 : vector<1x128xf32>
    %sub3A = arith.subf %div3A_9, %mul3A : vector<1x128xf32>
    %get3A_10 = arith.constant 0 : index
    %get3A_11 = arith.constant 0 : index
    %get3A_12 = vector.load %arg3[%get3A_10, %get3A_11] : memref<1x128xf32, #tpu.memory_space<vmem>>, vector<1x128xf32>
    %add3A = arith.constant 9.99999974E-6 : f32
    %add3A_13 = vector.broadcast %add3A : f32 to vector<1x128xf32>
    %add3A_14 = arith.addf %sub3A, %add3A_13 : vector<1x128xf32>
    %rsqrt3A = math.rsqrt %add3A_14 : vector<1x128xf32>
    %mul3A_15 = arith.mulf %get3A_12, %rsqrt3A : vector<1x128xf32>
    %get3A_16 = arith.constant 0 : index
    %get3A_17 = arith.constant 0 : index
    %get3A_18 = vector.load %arg4[%get3A_16, %get3A_17] : memref<1x128xf32, #tpu.memory_space<vmem>>, vector<1x128xf32>
    %mul3A_19 = arith.mulf %div3A_3, %mul3A_15 : vector<1x128xf32>
    %sub3A_20 = arith.subf %get3A_18, %mul3A_19 : vector<1x128xf32>
    %get3A_21 = arith.constant 0 : index
    %get3A_22 = arith.constant 0 : index
    %get3A_23 = vector.load %arg1[%get3A_21, %get3A_22] : memref<4096x128xf32, #tpu.memory_space<vmem>>, vector<4096x128xf32>
    %mul3A_24 = vector.broadcast %mul3A_15 : vector<1x128xf32> to vector<4096x128xf32>
    %mul3A_25 = arith.mulf %get3A_23, %mul3A_24 : vector<4096x128xf32>
    %add3A_26 = vector.broadcast %sub3A_20 : vector<1x128xf32> to vector<4096x128xf32>
    %add3A_27 = arith.addf %mul3A_25, %add3A_26 : vector<4096x128xf32>
    %max3A = arith.constant 0.000000e+00 : f32
    %max3A_28 = vector.broadcast %max3A : f32 to vector<4096x128xf32>
    %max3A_29 = arith.maximumf %add3A_27, %max3A_28 : vector<4096x128xf32>
    %get3A_30 = arith.constant 0 : index
    %get3A_31 = arith.constant 0 : index
    %get3A_32 = vector.load %arg5[%get3A_30, %get3A_31] : memref<128x256xf32, #tpu.memory_space<vmem>>, vector<128x256xf32>
    %dot_general3A = arith.constant dense<0.000000e+00> : vector<4096x256xf32>
    %dot_general3A_33 = tpu.matmul %max3A_29, %get3A_32, %dot_general3A {dimension_numbers = #tpu.dot_dimension_numbers<[1], [0], [0], [1], [0, 0, 1, 1], [], []>, transpose_lhs_hint = false} : vector<4096x128xf32>, vector<128x256xf32>, vector<4096x256xf32> -> vector<4096x256xf32>
    %swap3A = arith.constant 0 : index
    %swap3A_34 = arith.constant 0 : index
    %swap3A_35 = vector.load %arg6[%swap3A, %swap3A_34] : memref<4096x256xf32, #tpu.memory_space<vmem>>, vector<4096x256xf32>
    tpu.vector_store %arg6[%swap3A, %swap3A_34], %dot_general3A_33 {strides = array<i32>} : memref<4096x256xf32, #tpu.memory_space<vmem>>, vector<4096x256xf32>,
    %reduce_sum3A = arith.constant dense<0.000000e+00> : vector<256xf32>
    %reduce_sum3A_36 = vector.multi_reduction <add>, %dot_general3A_33, %reduce_sum3A [0] : vector<4096x256xf32> to vector<256xf32>
    %broadcast_in_dim3A = vector.shape_cast %reduce_sum3A_36 : vector<256xf32> to vector<1x256xf32>
    %mul3A_37 = arith.mulf %dot_general3A_33, %dot_general3A_33 : vector<4096x256xf32>
    %reduce_sum3A_38 = arith.constant dense<0.000000e+00> : vector<256xf32>
    %reduce_sum3A_39 = vector.multi_reduction <add>, %mul3A_37, %reduce_sum3A_38 [0] : vector<4096x256xf32> to vector<256xf32>
    %broadcast_in_dim3A_40 = vector.shape_cast %reduce_sum3A_39 : vector<256xf32> to vector<1x256xf32>
    %broadcast_in_dim3A_41 = arith.constant 0.000000e+00 : f32
    %broadcast_in_dim3A_42 = vector.broadcast %broadcast_in_dim3A_41 : f32 to vector<6x256xf32>
    %concatenate3A = tpu.concatenate %broadcast_in_dim3A, %broadcast_in_dim3A_40, %broadcast_in_dim3A_42 in 0 : vector<1x256xf32>, vector<1x256xf32>, vector<6x256xf32> -> vector<8x256xf32>
    %eq3A = arith.constant 0 : i32
    %eq3A_43 = arith.cmpi eq, %arg0, %eq3A : i32
    %convert_element_type3A = arith.extui %eq3A_43 : i1 to i32
    %cond3A = arith.constant 0 : i32
    %cond3A_44 = arith.cmpi ne, %convert_element_type3A, %cond3A : i32
    scf.if %cond3A_44 {
      %broadcast_in_dim3A_52 = arith.constant 0.000000e+00 : f32
      %broadcast_in_dim3A_53 = vector.broadcast %broadcast_in_dim3A_52 : f32 to vector<8x256xf32>
      %swap3A_54 = arith.constant 0 : index
      %swap3A_55 = arith.constant 0 : index
      %swap3A_56 = vector.load %arg7[%swap3A_54, %swap3A_55] : memref<8x256xf32, #tpu.memory_space<vmem>>, vector<8x256xf32>
      tpu.vector_store %arg7[%swap3A_54, %swap3A_55], %broadcast_in_dim3A_53 {strides = array<i32>} : memref<8x256xf32, #tpu.memory_space<vmem>>, vector<8x256xf32>,
    } else {
    }
    %get3A_45 = arith.constant 0 : index
    %get3A_46 = arith.constant 0 : index
    %get3A_47 = vector.load %arg7[%get3A_45, %get3A_46] : memref<8x256xf32, #tpu.memory_space<vmem>>, vector<8x256xf32>
    %add3A_48 = arith.addf %get3A_47, %concatenate3A : vector<8x256xf32>
    %swap3A_49 = arith.constant 0 : index
    %swap3A_50 = arith.constant 0 : index
    %swap3A_51 = vector.load %arg7[%swap3A_49, %swap3A_50] : memref<8x256xf32, #tpu.memory_space<vmem>>, vector<8x256xf32>
    tpu.vector_store %arg7[%swap3A_49, %swap3A_50], %add3A_48 {strides = array<i32>} : memref<8x256xf32, #tpu.memory_space<vmem>>, vector<8x256xf32>,
    return
  }
  func.func @transform_0(%arg0: i32) -> (i32, i32) {
    %c0_i32 = arith.constant 0 : i32
    %c0_i32_0 = arith.constant 0 : i32
    return %arg0, %c0_i32 : i32, i32
  }
  func.func @transform_1(%arg0: i32) -> (i32, i32) {
    %c0_i32 = arith.constant 0 : i32
    %c0_i32_0 = arith.constant 0 : i32
    %c0_i32_1 = arith.constant 0 : i32
    return %c0_i32, %c0_i32_0 : i32, i32
  }
  func.func @transform_2(%arg0: i32) -> (i32, i32) {
    %c0_i32 = arith.constant 0 : i32
    %c0_i32_0 = arith.constant 0 : i32
    %c0_i32_1 = arith.constant 0 : i32
    return %c0_i32, %c0_i32_0 : i32, i32
  }
  func.func @transform_3(%arg0: i32) -> (i32, i32) {
    %c0_i32 = arith.constant 0 : i32
    %c0_i32_0 = arith.constant 0 : i32
    %c0_i32_1 = arith.constant 0 : i32
    return %c0_i32, %c0_i32_0 : i32, i32
  }
  func.func @transform_4(%arg0: i32) -> (i32, i32) {
    %c0_i32 = arith.constant 0 : i32
    %c0_i32_0 = arith.constant 0 : i32
    %c0_i32_1 = arith.constant 0 : i32
    return %c0_i32, %c0_i32_0 : i32, i32
  }
  func.func @transform_5(%arg0: i32) -> (i32, i32) {
    %c0_i32 = arith.constant 0 : i32
    %c0_i32_0 = arith.constant 0 : i32
    return %arg0, %c0_i32 : i32, i32
  }
  func.func @transform_6(%arg0: i32) -> (i32, i32) {
    %c0_i32 = arith.constant 0 : i32
    %c0_i32_0 = arith.constant 0 : i32
    %c0_i32_1 = arith.constant 0 : i32
    return %c0_i32, %c0_i32_0 : i32, i32
  }
}

module attributes {stable_mosaic.version = 14 : i64} {
  func.func @_norm_relu_pool_kernel(%arg0: i32, %arg1: memref<512x32x256xf32, #tpu.memory_space<vmem>>, %arg2: memref<8x256xf32, #tpu.memory_space<vmem>>, %arg3: memref<1x256xf32, #tpu.memory_space<vmem>>, %arg4: memref<1x256xf32, #tpu.memory_space<vmem>>, %arg5: memref<512x256xf32, #tpu.memory_space<vmem>>) attributes {dimension_semantics = [#tpu.dimension_semantics<arbitrary>], iteration_bounds = array<i64: 1>, scalar_prefetch = 0 : i64, scratch_operands = 0 : i64, tpu.core_type = #tpu.core_type<tc>, window_params = [{transform_indices = @transform_0, window_bounds = array<i64: 512, 32, 256>}, {pipeline_mode = #tpu.pipeline_mode<synchronous>, transform_indices = @transform_1, window_bounds = array<i64: 8, 256>}, {pipeline_mode = #tpu.pipeline_mode<synchronous>, transform_indices = @transform_2, window_bounds = array<i64: 1, 256>}, {pipeline_mode = #tpu.pipeline_mode<synchronous>, transform_indices = @transform_3, window_bounds = array<i64: 1, 256>}, {transform_indices = @transform_4, window_bounds = array<i64: 512, 256>}]} {
    %get3A = arith.constant 0 : index
    %get3A_0 = arith.constant 0 : index
    %get3A_1 = vector.load %arg2[%get3A, %get3A_0] : memref<8x256xf32, #tpu.memory_space<vmem>>, vector<1x256xf32>
    %div3A = arith.constant 1.638400e+04 : f32
    %div3A_2 = vector.broadcast %div3A : f32 to vector<1x256xf32>
    %div3A_3 = arith.divf %get3A_1, %div3A_2 : vector<1x256xf32>
    %get3A_4 = arith.constant 1 : index
    %get3A_5 = arith.constant 0 : index
    %get3A_6 = vector.load %arg2[%get3A_4, %get3A_5] : memref<8x256xf32, #tpu.memory_space<vmem>>, vector<1x256xf32>
    %div3A_7 = arith.constant 1.638400e+04 : f32
    %div3A_8 = vector.broadcast %div3A_7 : f32 to vector<1x256xf32>
    %div3A_9 = arith.divf %get3A_6, %div3A_8 : vector<1x256xf32>
    %mul3A = arith.mulf %div3A_3, %div3A_3 : vector<1x256xf32>
    %sub3A = arith.subf %div3A_9, %mul3A : vector<1x256xf32>
    %get3A_10 = arith.constant 0 : index
    %get3A_11 = arith.constant 0 : index
    %get3A_12 = vector.load %arg3[%get3A_10, %get3A_11] : memref<1x256xf32, #tpu.memory_space<vmem>>, vector<1x256xf32>
    %add3A = arith.constant 9.99999974E-6 : f32
    %add3A_13 = vector.broadcast %add3A : f32 to vector<1x256xf32>
    %add3A_14 = arith.addf %sub3A, %add3A_13 : vector<1x256xf32>
    %rsqrt3A = math.rsqrt %add3A_14 : vector<1x256xf32>
    %mul3A_15 = arith.mulf %get3A_12, %rsqrt3A : vector<1x256xf32>
    %get3A_16 = arith.constant 0 : index
    %get3A_17 = arith.constant 0 : index
    %get3A_18 = vector.load %arg4[%get3A_16, %get3A_17] : memref<1x256xf32, #tpu.memory_space<vmem>>, vector<1x256xf32>
    %mul3A_19 = arith.mulf %div3A_3, %mul3A_15 : vector<1x256xf32>
    %sub3A_20 = arith.subf %get3A_18, %mul3A_19 : vector<1x256xf32>
    %get3A_21 = arith.constant 0 : index
    %get3A_22 = arith.constant 0 : index
    %get3A_23 = arith.constant 0 : index
    %get3A_24 = vector.load %arg1[%get3A_21, %get3A_22, %get3A_23] : memref<512x32x256xf32, #tpu.memory_space<vmem>>, vector<512x32x256xf32>
    %broadcast_in_dim3A = vector.shape_cast %mul3A_15 : vector<1x256xf32> to vector<1x1x256xf32>
    %mul3A_25 = vector.broadcast %broadcast_in_dim3A : vector<1x1x256xf32> to vector<512x32x256xf32>
    %mul3A_26 = arith.mulf %get3A_24, %mul3A_25 : vector<512x32x256xf32>
    %broadcast_in_dim3A_27 = vector.shape_cast %sub3A_20 : vector<1x256xf32> to vector<1x1x256xf32>
    %add3A_28 = vector.broadcast %broadcast_in_dim3A_27 : vector<1x1x256xf32> to vector<512x32x256xf32>
    %add3A_29 = arith.addf %mul3A_26, %add3A_28 : vector<512x32x256xf32>
    %max3A = arith.constant 0.000000e+00 : f32
    %max3A_30 = vector.broadcast %max3A : f32 to vector<512x32x256xf32>
    %max3A_31 = arith.maximumf %add3A_29, %max3A_30 : vector<512x32x256xf32>
    %reduce_max3A = arith.constant dense<0xFF800000> : vector<512x256xf32>
    %reduce_max3A_32 = vector.multi_reduction <maximumf>, %max3A_31, %reduce_max3A [1] : vector<512x32x256xf32> to vector<512x256xf32>
    %swap3A = arith.constant 0 : index
    %swap3A_33 = arith.constant 0 : index
    %swap3A_34 = vector.load %arg5[%swap3A, %swap3A_33] : memref<512x256xf32, #tpu.memory_space<vmem>>, vector<512x256xf32>
    tpu.vector_store %arg5[%swap3A, %swap3A_33], %reduce_max3A_32 {strides = array<i32>} : memref<512x256xf32, #tpu.memory_space<vmem>>, vector<512x256xf32>,
    return
  }
  func.func @transform_0(%arg0: i32) -> (i32, i32, i32) {
    %c0_i32 = arith.constant 0 : i32
    %c0_i32_0 = arith.constant 0 : i32
    %c0_i32_1 = arith.constant 0 : i32
    return %arg0, %c0_i32, %c0_i32_0 : i32, i32, i32
  }
  func.func @transform_1(%arg0: i32) -> (i32, i32) {
    %c0_i32 = arith.constant 0 : i32
    %c0_i32_0 = arith.constant 0 : i32
    %c0_i32_1 = arith.constant 0 : i32
    return %c0_i32, %c0_i32_0 : i32, i32
  }
  func.func @transform_2(%arg0: i32) -> (i32, i32) {
    %c0_i32 = arith.constant 0 : i32
    %c0_i32_0 = arith.constant 0 : i32
    %c0_i32_1 = arith.constant 0 : i32
    return %c0_i32, %c0_i32_0 : i32, i32
  }
  func.func @transform_3(%arg0: i32) -> (i32, i32) {
    %c0_i32 = arith.constant 0 : i32
    %c0_i32_0 = arith.constant 0 : i32
    %c0_i32_1 = arith.constant 0 : i32
    return %c0_i32, %c0_i32_0 : i32, i32
  }
  func.func @transform_4(%arg0: i32) -> (i32, i32) {
    %c0_i32 = arith.constant 0 : i32
    %c0_i32_0 = arith.constant 0 : i32
    return %arg0, %c0_i32 : i32, i32
  }
}

module attributes {stable_mosaic.version = 14 : i64} {
  func.func @_lambda_(%arg0: i32, %arg1: memref<4096x259xf32, #tpu.memory_space<vmem>>, %arg2: memref<259x256xf32, #tpu.memory_space<vmem>>, %arg3: memref<4096x256xf32, #tpu.memory_space<vmem>>, %arg4: memref<8x256xf32, #tpu.memory_space<vmem>>) attributes {dimension_semantics = [#tpu.dimension_semantics<arbitrary>], iteration_bounds = array<i64: 1>, scalar_prefetch = 0 : i64, scratch_operands = 0 : i64, tpu.core_type = #tpu.core_type<tc>, window_params = [{transform_indices = @transform_0, window_bounds = array<i64: 4096, 259>}, {pipeline_mode = #tpu.pipeline_mode<synchronous>, transform_indices = @transform_1, window_bounds = array<i64: 259, 256>}, {transform_indices = @transform_2, window_bounds = array<i64: 4096, 256>}, {pipeline_mode = #tpu.pipeline_mode<synchronous>, transform_indices = @transform_3, window_bounds = array<i64: 8, 256>}]} {
    %get3A = arith.constant 0 : index
    %get3A_0 = arith.constant 0 : index
    %get3A_1 = vector.load %arg1[%get3A, %get3A_0] : memref<4096x259xf32, #tpu.memory_space<vmem>>, vector<4096x259xf32>
    %get3A_2 = arith.constant 0 : index
    %get3A_3 = arith.constant 0 : index
    %get3A_4 = vector.load %arg2[%get3A_2, %get3A_3] : memref<259x256xf32, #tpu.memory_space<vmem>>, vector<259x256xf32>
    %dot_general3A = arith.constant dense<0.000000e+00> : vector<4096x256xf32>
    %dot_general3A_5 = tpu.matmul %get3A_1, %get3A_4, %dot_general3A {dimension_numbers = #tpu.dot_dimension_numbers<[1], [0], [0], [1], [0, 0, 1, 1], [], []>, transpose_lhs_hint = false} : vector<4096x259xf32>, vector<259x256xf32>, vector<4096x256xf32> -> vector<4096x256xf32>
    %swap3A = arith.constant 0 : index
    %swap3A_6 = arith.constant 0 : index
    %swap3A_7 = vector.load %arg3[%swap3A, %swap3A_6] : memref<4096x256xf32, #tpu.memory_space<vmem>>, vector<4096x256xf32>
    tpu.vector_store %arg3[%swap3A, %swap3A_6], %dot_general3A_5 {strides = array<i32>} : memref<4096x256xf32, #tpu.memory_space<vmem>>, vector<4096x256xf32>,
    %reduce_sum3A = arith.constant dense<0.000000e+00> : vector<256xf32>
    %reduce_sum3A_8 = vector.multi_reduction <add>, %dot_general3A_5, %reduce_sum3A [0] : vector<4096x256xf32> to vector<256xf32>
    %broadcast_in_dim3A = vector.shape_cast %reduce_sum3A_8 : vector<256xf32> to vector<1x256xf32>
    %mul3A = arith.mulf %dot_general3A_5, %dot_general3A_5 : vector<4096x256xf32>
    %reduce_sum3A_9 = arith.constant dense<0.000000e+00> : vector<256xf32>
    %reduce_sum3A_10 = vector.multi_reduction <add>, %mul3A, %reduce_sum3A_9 [0] : vector<4096x256xf32> to vector<256xf32>
    %broadcast_in_dim3A_11 = vector.shape_cast %reduce_sum3A_10 : vector<256xf32> to vector<1x256xf32>
    %broadcast_in_dim3A_12 = arith.constant 0.000000e+00 : f32
    %broadcast_in_dim3A_13 = vector.broadcast %broadcast_in_dim3A_12 : f32 to vector<6x256xf32>
    %concatenate3A = tpu.concatenate %broadcast_in_dim3A, %broadcast_in_dim3A_11, %broadcast_in_dim3A_13 in 0 : vector<1x256xf32>, vector<1x256xf32>, vector<6x256xf32> -> vector<8x256xf32>
    %eq3A = arith.constant 0 : i32
    %eq3A_14 = arith.cmpi eq, %arg0, %eq3A : i32
    %convert_element_type3A = arith.extui %eq3A_14 : i1 to i32
    %cond3A = arith.constant 0 : i32
    %cond3A_15 = arith.cmpi ne, %convert_element_type3A, %cond3A : i32
    scf.if %cond3A_15 {
      %broadcast_in_dim3A_22 = arith.constant 0.000000e+00 : f32
      %broadcast_in_dim3A_23 = vector.broadcast %broadcast_in_dim3A_22 : f32 to vector<8x256xf32>
      %swap3A_24 = arith.constant 0 : index
      %swap3A_25 = arith.constant 0 : index
      %swap3A_26 = vector.load %arg4[%swap3A_24, %swap3A_25] : memref<8x256xf32, #tpu.memory_space<vmem>>, vector<8x256xf32>
      tpu.vector_store %arg4[%swap3A_24, %swap3A_25], %broadcast_in_dim3A_23 {strides = array<i32>} : memref<8x256xf32, #tpu.memory_space<vmem>>, vector<8x256xf32>,
    } else {
    }
    %get3A_16 = arith.constant 0 : index
    %get3A_17 = arith.constant 0 : index
    %get3A_18 = vector.load %arg4[%get3A_16, %get3A_17] : memref<8x256xf32, #tpu.memory_space<vmem>>, vector<8x256xf32>
    %add3A = arith.addf %get3A_18, %concatenate3A : vector<8x256xf32>
    %swap3A_19 = arith.constant 0 : index
    %swap3A_20 = arith.constant 0 : index
    %swap3A_21 = vector.load %arg4[%swap3A_19, %swap3A_20] : memref<8x256xf32, #tpu.memory_space<vmem>>, vector<8x256xf32>
    tpu.vector_store %arg4[%swap3A_19, %swap3A_20], %add3A {strides = array<i32>} : memref<8x256xf32, #tpu.memory_space<vmem>>, vector<8x256xf32>,
    return
  }
  func.func @transform_0(%arg0: i32) -> (i32, i32) {
    %c0_i32 = arith.constant 0 : i32
    %c0_i32_0 = arith.constant 0 : i32
    return %arg0, %c0_i32 : i32, i32
  }
  func.func @transform_1(%arg0: i32) -> (i32, i32) {
    %c0_i32 = arith.constant 0 : i32
    %c0_i32_0 = arith.constant 0 : i32
    %c0_i32_1 = arith.constant 0 : i32
    return %c0_i32, %c0_i32_0 : i32, i32
  }
  func.func @transform_2(%arg0: i32) -> (i32, i32) {
    %c0_i32 = arith.constant 0 : i32
    %c0_i32_0 = arith.constant 0 : i32
    return %arg0, %c0_i32 : i32, i32
  }
  func.func @transform_3(%arg0: i32) -> (i32, i32) {
    %c0_i32 = arith.constant 0 : i32
    %c0_i32_0 = arith.constant 0 : i32
    %c0_i32_1 = arith.constant 0 : i32
    return %c0_i32, %c0_i32_0 : i32, i32
  }
}

module attributes {stable_mosaic.version = 14 : i64} {
  func.func @kern(%arg0: i32, %arg1: memref<4096x256xf32, #tpu.memory_space<vmem>>, %arg2: memref<8x256xf32, #tpu.memory_space<vmem>>, %arg3: memref<1x256xf32, #tpu.memory_space<vmem>>, %arg4: memref<1x256xf32, #tpu.memory_space<vmem>>, %arg5: memref<256x256xf32, #tpu.memory_space<vmem>>, %arg6: memref<4096x256xf32, #tpu.memory_space<vmem>>, %arg7: memref<8x256xf32, #tpu.memory_space<vmem>>) attributes {dimension_semantics = [#tpu.dimension_semantics<arbitrary>], iteration_bounds = array<i64: 1>, scalar_prefetch = 0 : i64, scratch_operands = 0 : i64, tpu.core_type = #tpu.core_type<tc>, window_params = [{transform_indices = @transform_0, window_bounds = array<i64: 4096, 256>}, {pipeline_mode = #tpu.pipeline_mode<synchronous>, transform_indices = @transform_1, window_bounds = array<i64: 8, 256>}, {pipeline_mode = #tpu.pipeline_mode<synchronous>, transform_indices = @transform_2, window_bounds = array<i64: 1, 256>}, {pipeline_mode = #tpu.pipeline_mode<synchronous>, transform_indices = @transform_3, window_bounds = array<i64: 1, 256>}, {pipeline_mode = #tpu.pipeline_mode<synchronous>, transform_indices = @transform_4, window_bounds = array<i64: 256, 256>}, {transform_indices = @transform_5, window_bounds = array<i64: 4096, 256>}, {pipeline_mode = #tpu.pipeline_mode<synchronous>, transform_indices = @transform_6, window_bounds = array<i64: 8, 256>}]} {
    %get3A = arith.constant 0 : index
    %get3A_0 = arith.constant 0 : index
    %get3A_1 = vector.load %arg2[%get3A, %get3A_0] : memref<8x256xf32, #tpu.memory_space<vmem>>, vector<1x256xf32>
    %div3A = arith.constant 4.096000e+03 : f32
    %div3A_2 = vector.broadcast %div3A : f32 to vector<1x256xf32>
    %div3A_3 = arith.divf %get3A_1, %div3A_2 : vector<1x256xf32>
    %get3A_4 = arith.constant 1 : index
    %get3A_5 = arith.constant 0 : index
    %get3A_6 = vector.load %arg2[%get3A_4, %get3A_5] : memref<8x256xf32, #tpu.memory_space<vmem>>, vector<1x256xf32>
    %div3A_7 = arith.constant 4.096000e+03 : f32
    %div3A_8 = vector.broadcast %div3A_7 : f32 to vector<1x256xf32>
    %div3A_9 = arith.divf %get3A_6, %div3A_8 : vector<1x256xf32>
    %mul3A = arith.mulf %div3A_3, %div3A_3 : vector<1x256xf32>
    %sub3A = arith.subf %div3A_9, %mul3A : vector<1x256xf32>
    %get3A_10 = arith.constant 0 : index
    %get3A_11 = arith.constant 0 : index
    %get3A_12 = vector.load %arg3[%get3A_10, %get3A_11] : memref<1x256xf32, #tpu.memory_space<vmem>>, vector<1x256xf32>
    %add3A = arith.constant 9.99999974E-6 : f32
    %add3A_13 = vector.broadcast %add3A : f32 to vector<1x256xf32>
    %add3A_14 = arith.addf %sub3A, %add3A_13 : vector<1x256xf32>
    %rsqrt3A = math.rsqrt %add3A_14 : vector<1x256xf32>
    %mul3A_15 = arith.mulf %get3A_12, %rsqrt3A : vector<1x256xf32>
    %get3A_16 = arith.constant 0 : index
    %get3A_17 = arith.constant 0 : index
    %get3A_18 = vector.load %arg4[%get3A_16, %get3A_17] : memref<1x256xf32, #tpu.memory_space<vmem>>, vector<1x256xf32>
    %mul3A_19 = arith.mulf %div3A_3, %mul3A_15 : vector<1x256xf32>
    %sub3A_20 = arith.subf %get3A_18, %mul3A_19 : vector<1x256xf32>
    %get3A_21 = arith.constant 0 : index
    %get3A_22 = arith.constant 0 : index
    %get3A_23 = vector.load %arg1[%get3A_21, %get3A_22] : memref<4096x256xf32, #tpu.memory_space<vmem>>, vector<4096x256xf32>
    %mul3A_24 = vector.broadcast %mul3A_15 : vector<1x256xf32> to vector<4096x256xf32>
    %mul3A_25 = arith.mulf %get3A_23, %mul3A_24 : vector<4096x256xf32>
    %add3A_26 = vector.broadcast %sub3A_20 : vector<1x256xf32> to vector<4096x256xf32>
    %add3A_27 = arith.addf %mul3A_25, %add3A_26 : vector<4096x256xf32>
    %max3A = arith.constant 0.000000e+00 : f32
    %max3A_28 = vector.broadcast %max3A : f32 to vector<4096x256xf32>
    %max3A_29 = arith.maximumf %add3A_27, %max3A_28 : vector<4096x256xf32>
    %get3A_30 = arith.constant 0 : index
    %get3A_31 = arith.constant 0 : index
    %get3A_32 = vector.load %arg5[%get3A_30, %get3A_31] : memref<256x256xf32, #tpu.memory_space<vmem>>, vector<256x256xf32>
    %dot_general3A = arith.constant dense<0.000000e+00> : vector<4096x256xf32>
    %dot_general3A_33 = tpu.matmul %max3A_29, %get3A_32, %dot_general3A {dimension_numbers = #tpu.dot_dimension_numbers<[1], [0], [0], [1], [0, 0, 1, 1], [], []>, transpose_lhs_hint = false} : vector<4096x256xf32>, vector<256x256xf32>, vector<4096x256xf32> -> vector<4096x256xf32>
    %swap3A = arith.constant 0 : index
    %swap3A_34 = arith.constant 0 : index
    %swap3A_35 = vector.load %arg6[%swap3A, %swap3A_34] : memref<4096x256xf32, #tpu.memory_space<vmem>>, vector<4096x256xf32>
    tpu.vector_store %arg6[%swap3A, %swap3A_34], %dot_general3A_33 {strides = array<i32>} : memref<4096x256xf32, #tpu.memory_space<vmem>>, vector<4096x256xf32>,
    %reduce_sum3A = arith.constant dense<0.000000e+00> : vector<256xf32>
    %reduce_sum3A_36 = vector.multi_reduction <add>, %dot_general3A_33, %reduce_sum3A [0] : vector<4096x256xf32> to vector<256xf32>
    %broadcast_in_dim3A = vector.shape_cast %reduce_sum3A_36 : vector<256xf32> to vector<1x256xf32>
    %mul3A_37 = arith.mulf %dot_general3A_33, %dot_general3A_33 : vector<4096x256xf32>
    %reduce_sum3A_38 = arith.constant dense<0.000000e+00> : vector<256xf32>
    %reduce_sum3A_39 = vector.multi_reduction <add>, %mul3A_37, %reduce_sum3A_38 [0] : vector<4096x256xf32> to vector<256xf32>
    %broadcast_in_dim3A_40 = vector.shape_cast %reduce_sum3A_39 : vector<256xf32> to vector<1x256xf32>
    %broadcast_in_dim3A_41 = arith.constant 0.000000e+00 : f32
    %broadcast_in_dim3A_42 = vector.broadcast %broadcast_in_dim3A_41 : f32 to vector<6x256xf32>
    %concatenate3A = tpu.concatenate %broadcast_in_dim3A, %broadcast_in_dim3A_40, %broadcast_in_dim3A_42 in 0 : vector<1x256xf32>, vector<1x256xf32>, vector<6x256xf32> -> vector<8x256xf32>
    %eq3A = arith.constant 0 : i32
    %eq3A_43 = arith.cmpi eq, %arg0, %eq3A : i32
    %convert_element_type3A = arith.extui %eq3A_43 : i1 to i32
    %cond3A = arith.constant 0 : i32
    %cond3A_44 = arith.cmpi ne, %convert_element_type3A, %cond3A : i32
    scf.if %cond3A_44 {
      %broadcast_in_dim3A_52 = arith.constant 0.000000e+00 : f32
      %broadcast_in_dim3A_53 = vector.broadcast %broadcast_in_dim3A_52 : f32 to vector<8x256xf32>
      %swap3A_54 = arith.constant 0 : index
      %swap3A_55 = arith.constant 0 : index
      %swap3A_56 = vector.load %arg7[%swap3A_54, %swap3A_55] : memref<8x256xf32, #tpu.memory_space<vmem>>, vector<8x256xf32>
      tpu.vector_store %arg7[%swap3A_54, %swap3A_55], %broadcast_in_dim3A_53 {strides = array<i32>} : memref<8x256xf32, #tpu.memory_space<vmem>>, vector<8x256xf32>,
    } else {
    }
    %get3A_45 = arith.constant 0 : index
    %get3A_46 = arith.constant 0 : index
    %get3A_47 = vector.load %arg7[%get3A_45, %get3A_46] : memref<8x256xf32, #tpu.memory_space<vmem>>, vector<8x256xf32>
    %add3A_48 = arith.addf %get3A_47, %concatenate3A : vector<8x256xf32>
    %swap3A_49 = arith.constant 0 : index
    %swap3A_50 = arith.constant 0 : index
    %swap3A_51 = vector.load %arg7[%swap3A_49, %swap3A_50] : memref<8x256xf32, #tpu.memory_space<vmem>>, vector<8x256xf32>
    tpu.vector_store %arg7[%swap3A_49, %swap3A_50], %add3A_48 {strides = array<i32>} : memref<8x256xf32, #tpu.memory_space<vmem>>, vector<8x256xf32>,
    return
  }
  func.func @transform_0(%arg0: i32) -> (i32, i32) {
    %c0_i32 = arith.constant 0 : i32
    %c0_i32_0 = arith.constant 0 : i32
    return %arg0, %c0_i32 : i32, i32
  }
  func.func @transform_1(%arg0: i32) -> (i32, i32) {
    %c0_i32 = arith.constant 0 : i32
    %c0_i32_0 = arith.constant 0 : i32
    %c0_i32_1 = arith.constant 0 : i32
    return %c0_i32, %c0_i32_0 : i32, i32
  }
  func.func @transform_2(%arg0: i32) -> (i32, i32) {
    %c0_i32 = arith.constant 0 : i32
    %c0_i32_0 = arith.constant 0 : i32
    %c0_i32_1 = arith.constant 0 : i32
    return %c0_i32, %c0_i32_0 : i32, i32
  }
  func.func @transform_3(%arg0: i32) -> (i32, i32) {
    %c0_i32 = arith.constant 0 : i32
    %c0_i32_0 = arith.constant 0 : i32
    %c0_i32_1 = arith.constant 0 : i32
    return %c0_i32, %c0_i32_0 : i32, i32
  }
  func.func @transform_4(%arg0: i32) -> (i32, i32) {
    %c0_i32 = arith.constant 0 : i32
    %c0_i32_0 = arith.constant 0 : i32
    %c0_i32_1 = arith.constant 0 : i32
    return %c0_i32, %c0_i32_0 : i32, i32
  }
  func.func @transform_5(%arg0: i32) -> (i32, i32) {
    %c0_i32 = arith.constant 0 : i32
    %c0_i32_0 = arith.constant 0 : i32
    return %arg0, %c0_i32 : i32, i32
  }
  func.func @transform_6(%arg0: i32) -> (i32, i32) {
    %c0_i32 = arith.constant 0 : i32
    %c0_i32_0 = arith.constant 0 : i32
    %c0_i32_1 = arith.constant 0 : i32
    return %c0_i32, %c0_i32_0 : i32, i32
  }
}

module attributes {stable_mosaic.version = 14 : i64} {
  func.func @kern(%arg0: i32, %arg1: memref<4096x256xf32, #tpu.memory_space<vmem>>, %arg2: memref<8x256xf32, #tpu.memory_space<vmem>>, %arg3: memref<1x256xf32, #tpu.memory_space<vmem>>, %arg4: memref<1x256xf32, #tpu.memory_space<vmem>>, %arg5: memref<256x512xf32, #tpu.memory_space<vmem>>, %arg6: memref<4096x512xf32, #tpu.memory_space<vmem>>, %arg7: memref<8x512xf32, #tpu.memory_space<vmem>>) attributes {dimension_semantics = [#tpu.dimension_semantics<arbitrary>], iteration_bounds = array<i64: 1>, scalar_prefetch = 0 : i64, scratch_operands = 0 : i64, tpu.core_type = #tpu.core_type<tc>, window_params = [{transform_indices = @transform_0, window_bounds = array<i64: 4096, 256>}, {pipeline_mode = #tpu.pipeline_mode<synchronous>, transform_indices = @transform_1, window_bounds = array<i64: 8, 256>}, {pipeline_mode = #tpu.pipeline_mode<synchronous>, transform_indices = @transform_2, window_bounds = array<i64: 1, 256>}, {pipeline_mode = #tpu.pipeline_mode<synchronous>, transform_indices = @transform_3, window_bounds = array<i64: 1, 256>}, {pipeline_mode = #tpu.pipeline_mode<synchronous>, transform_indices = @transform_4, window_bounds = array<i64: 256, 512>}, {transform_indices = @transform_5, window_bounds = array<i64: 4096, 512>}, {pipeline_mode = #tpu.pipeline_mode<synchronous>, transform_indices = @transform_6, window_bounds = array<i64: 8, 512>}]} {
    %get3A = arith.constant 0 : index
    %get3A_0 = arith.constant 0 : index
    %get3A_1 = vector.load %arg2[%get3A, %get3A_0] : memref<8x256xf32, #tpu.memory_space<vmem>>, vector<1x256xf32>
    %div3A = arith.constant 4.096000e+03 : f32
    %div3A_2 = vector.broadcast %div3A : f32 to vector<1x256xf32>
    %div3A_3 = arith.divf %get3A_1, %div3A_2 : vector<1x256xf32>
    %get3A_4 = arith.constant 1 : index
    %get3A_5 = arith.constant 0 : index
    %get3A_6 = vector.load %arg2[%get3A_4, %get3A_5] : memref<8x256xf32, #tpu.memory_space<vmem>>, vector<1x256xf32>
    %div3A_7 = arith.constant 4.096000e+03 : f32
    %div3A_8 = vector.broadcast %div3A_7 : f32 to vector<1x256xf32>
    %div3A_9 = arith.divf %get3A_6, %div3A_8 : vector<1x256xf32>
    %mul3A = arith.mulf %div3A_3, %div3A_3 : vector<1x256xf32>
    %sub3A = arith.subf %div3A_9, %mul3A : vector<1x256xf32>
    %get3A_10 = arith.constant 0 : index
    %get3A_11 = arith.constant 0 : index
    %get3A_12 = vector.load %arg3[%get3A_10, %get3A_11] : memref<1x256xf32, #tpu.memory_space<vmem>>, vector<1x256xf32>
    %add3A = arith.constant 9.99999974E-6 : f32
    %add3A_13 = vector.broadcast %add3A : f32 to vector<1x256xf32>
    %add3A_14 = arith.addf %sub3A, %add3A_13 : vector<1x256xf32>
    %rsqrt3A = math.rsqrt %add3A_14 : vector<1x256xf32>
    %mul3A_15 = arith.mulf %get3A_12, %rsqrt3A : vector<1x256xf32>
    %get3A_16 = arith.constant 0 : index
    %get3A_17 = arith.constant 0 : index
    %get3A_18 = vector.load %arg4[%get3A_16, %get3A_17] : memref<1x256xf32, #tpu.memory_space<vmem>>, vector<1x256xf32>
    %mul3A_19 = arith.mulf %div3A_3, %mul3A_15 : vector<1x256xf32>
    %sub3A_20 = arith.subf %get3A_18, %mul3A_19 : vector<1x256xf32>
    %get3A_21 = arith.constant 0 : index
    %get3A_22 = arith.constant 0 : index
    %get3A_23 = vector.load %arg1[%get3A_21, %get3A_22] : memref<4096x256xf32, #tpu.memory_space<vmem>>, vector<4096x256xf32>
    %mul3A_24 = vector.broadcast %mul3A_15 : vector<1x256xf32> to vector<4096x256xf32>
    %mul3A_25 = arith.mulf %get3A_23, %mul3A_24 : vector<4096x256xf32>
    %add3A_26 = vector.broadcast %sub3A_20 : vector<1x256xf32> to vector<4096x256xf32>
    %add3A_27 = arith.addf %mul3A_25, %add3A_26 : vector<4096x256xf32>
    %max3A = arith.constant 0.000000e+00 : f32
    %max3A_28 = vector.broadcast %max3A : f32 to vector<4096x256xf32>
    %max3A_29 = arith.maximumf %add3A_27, %max3A_28 : vector<4096x256xf32>
    %get3A_30 = arith.constant 0 : index
    %get3A_31 = arith.constant 0 : index
    %get3A_32 = vector.load %arg5[%get3A_30, %get3A_31] : memref<256x512xf32, #tpu.memory_space<vmem>>, vector<256x512xf32>
    %dot_general3A = arith.constant dense<0.000000e+00> : vector<4096x512xf32>
    %dot_general3A_33 = tpu.matmul %max3A_29, %get3A_32, %dot_general3A {dimension_numbers = #tpu.dot_dimension_numbers<[1], [0], [0], [1], [0, 0, 1, 1], [], []>, transpose_lhs_hint = false} : vector<4096x256xf32>, vector<256x512xf32>, vector<4096x512xf32> -> vector<4096x512xf32>
    %swap3A = arith.constant 0 : index
    %swap3A_34 = arith.constant 0 : index
    %swap3A_35 = vector.load %arg6[%swap3A, %swap3A_34] : memref<4096x512xf32, #tpu.memory_space<vmem>>, vector<4096x512xf32>
    tpu.vector_store %arg6[%swap3A, %swap3A_34], %dot_general3A_33 {strides = array<i32>} : memref<4096x512xf32, #tpu.memory_space<vmem>>, vector<4096x512xf32>,
    %reduce_sum3A = arith.constant dense<0.000000e+00> : vector<512xf32>
    %reduce_sum3A_36 = vector.multi_reduction <add>, %dot_general3A_33, %reduce_sum3A [0] : vector<4096x512xf32> to vector<512xf32>
    %broadcast_in_dim3A = vector.shape_cast %reduce_sum3A_36 : vector<512xf32> to vector<1x512xf32>
    %mul3A_37 = arith.mulf %dot_general3A_33, %dot_general3A_33 : vector<4096x512xf32>
    %reduce_sum3A_38 = arith.constant dense<0.000000e+00> : vector<512xf32>
    %reduce_sum3A_39 = vector.multi_reduction <add>, %mul3A_37, %reduce_sum3A_38 [0] : vector<4096x512xf32> to vector<512xf32>
    %broadcast_in_dim3A_40 = vector.shape_cast %reduce_sum3A_39 : vector<512xf32> to vector<1x512xf32>
    %broadcast_in_dim3A_41 = arith.constant 0.000000e+00 : f32
    %broadcast_in_dim3A_42 = vector.broadcast %broadcast_in_dim3A_41 : f32 to vector<6x512xf32>
    %concatenate3A = tpu.concatenate %broadcast_in_dim3A, %broadcast_in_dim3A_40, %broadcast_in_dim3A_42 in 0 : vector<1x512xf32>, vector<1x512xf32>, vector<6x512xf32> -> vector<8x512xf32>
    %eq3A = arith.constant 0 : i32
    %eq3A_43 = arith.cmpi eq, %arg0, %eq3A : i32
    %convert_element_type3A = arith.extui %eq3A_43 : i1 to i32
    %cond3A = arith.constant 0 : i32
    %cond3A_44 = arith.cmpi ne, %convert_element_type3A, %cond3A : i32
    scf.if %cond3A_44 {
      %broadcast_in_dim3A_52 = arith.constant 0.000000e+00 : f32
      %broadcast_in_dim3A_53 = vector.broadcast %broadcast_in_dim3A_52 : f32 to vector<8x512xf32>
      %swap3A_54 = arith.constant 0 : index
      %swap3A_55 = arith.constant 0 : index
      %swap3A_56 = vector.load %arg7[%swap3A_54, %swap3A_55] : memref<8x512xf32, #tpu.memory_space<vmem>>, vector<8x512xf32>
      tpu.vector_store %arg7[%swap3A_54, %swap3A_55], %broadcast_in_dim3A_53 {strides = array<i32>} : memref<8x512xf32, #tpu.memory_space<vmem>>, vector<8x512xf32>,
    } else {
    }
    %get3A_45 = arith.constant 0 : index
    %get3A_46 = arith.constant 0 : index
    %get3A_47 = vector.load %arg7[%get3A_45, %get3A_46] : memref<8x512xf32, #tpu.memory_space<vmem>>, vector<8x512xf32>
    %add3A_48 = arith.addf %get3A_47, %concatenate3A : vector<8x512xf32>
    %swap3A_49 = arith.constant 0 : index
    %swap3A_50 = arith.constant 0 : index
    %swap3A_51 = vector.load %arg7[%swap3A_49, %swap3A_50] : memref<8x512xf32, #tpu.memory_space<vmem>>, vector<8x512xf32>
    tpu.vector_store %arg7[%swap3A_49, %swap3A_50], %add3A_48 {strides = array<i32>} : memref<8x512xf32, #tpu.memory_space<vmem>>, vector<8x512xf32>,
    return
  }
  func.func @transform_0(%arg0: i32) -> (i32, i32) {
    %c0_i32 = arith.constant 0 : i32
    %c0_i32_0 = arith.constant 0 : i32
    return %arg0, %c0_i32 : i32, i32
  }
  func.func @transform_1(%arg0: i32) -> (i32, i32) {
    %c0_i32 = arith.constant 0 : i32
    %c0_i32_0 = arith.constant 0 : i32
    %c0_i32_1 = arith.constant 0 : i32
    return %c0_i32, %c0_i32_0 : i32, i32
  }
  func.func @transform_2(%arg0: i32) -> (i32, i32) {
    %c0_i32 = arith.constant 0 : i32
    %c0_i32_0 = arith.constant 0 : i32
    %c0_i32_1 = arith.constant 0 : i32
    return %c0_i32, %c0_i32_0 : i32, i32
  }
  func.func @transform_3(%arg0: i32) -> (i32, i32) {
    %c0_i32 = arith.constant 0 : i32
    %c0_i32_0 = arith.constant 0 : i32
    %c0_i32_1 = arith.constant 0 : i32
    return %c0_i32, %c0_i32_0 : i32, i32
  }
  func.func @transform_4(%arg0: i32) -> (i32, i32) {
    %c0_i32 = arith.constant 0 : i32
    %c0_i32_0 = arith.constant 0 : i32
    %c0_i32_1 = arith.constant 0 : i32
    return %c0_i32, %c0_i32_0 : i32, i32
  }
  func.func @transform_5(%arg0: i32) -> (i32, i32) {
    %c0_i32 = arith.constant 0 : i32
    %c0_i32_0 = arith.constant 0 : i32
    return %arg0, %c0_i32 : i32, i32
  }
  func.func @transform_6(%arg0: i32) -> (i32, i32) {
    %c0_i32 = arith.constant 0 : i32
    %c0_i32_0 = arith.constant 0 : i32
    %c0_i32_1 = arith.constant 0 : i32
    return %c0_i32, %c0_i32_0 : i32, i32
  }
}

module attributes {stable_mosaic.version = 14 : i64} {
  func.func @_norm_relu_pool_kernel(%arg0: i32, %arg1: memref<128x32x512xf32, #tpu.memory_space<vmem>>, %arg2: memref<8x512xf32, #tpu.memory_space<vmem>>, %arg3: memref<1x512xf32, #tpu.memory_space<vmem>>, %arg4: memref<1x512xf32, #tpu.memory_space<vmem>>, %arg5: memref<128x512xf32, #tpu.memory_space<vmem>>) attributes {dimension_semantics = [#tpu.dimension_semantics<arbitrary>], iteration_bounds = array<i64: 1>, scalar_prefetch = 0 : i64, scratch_operands = 0 : i64, tpu.core_type = #tpu.core_type<tc>, window_params = [{transform_indices = @transform_0, window_bounds = array<i64: 128, 32, 512>}, {pipeline_mode = #tpu.pipeline_mode<synchronous>, transform_indices = @transform_1, window_bounds = array<i64: 8, 512>}, {pipeline_mode = #tpu.pipeline_mode<synchronous>, transform_indices = @transform_2, window_bounds = array<i64: 1, 512>}, {pipeline_mode = #tpu.pipeline_mode<synchronous>, transform_indices = @transform_3, window_bounds = array<i64: 1, 512>}, {transform_indices = @transform_4, window_bounds = array<i64: 128, 512>}]} {
    %get3A = arith.constant 0 : index
    %get3A_0 = arith.constant 0 : index
    %get3A_1 = vector.load %arg2[%get3A, %get3A_0] : memref<8x512xf32, #tpu.memory_space<vmem>>, vector<1x512xf32>
    %div3A = arith.constant 4.096000e+03 : f32
    %div3A_2 = vector.broadcast %div3A : f32 to vector<1x512xf32>
    %div3A_3 = arith.divf %get3A_1, %div3A_2 : vector<1x512xf32>
    %get3A_4 = arith.constant 1 : index
    %get3A_5 = arith.constant 0 : index
    %get3A_6 = vector.load %arg2[%get3A_4, %get3A_5] : memref<8x512xf32, #tpu.memory_space<vmem>>, vector<1x512xf32>
    %div3A_7 = arith.constant 4.096000e+03 : f32
    %div3A_8 = vector.broadcast %div3A_7 : f32 to vector<1x512xf32>
    %div3A_9 = arith.divf %get3A_6, %div3A_8 : vector<1x512xf32>
    %mul3A = arith.mulf %div3A_3, %div3A_3 : vector<1x512xf32>
    %sub3A = arith.subf %div3A_9, %mul3A : vector<1x512xf32>
    %get3A_10 = arith.constant 0 : index
    %get3A_11 = arith.constant 0 : index
    %get3A_12 = vector.load %arg3[%get3A_10, %get3A_11] : memref<1x512xf32, #tpu.memory_space<vmem>>, vector<1x512xf32>
    %add3A = arith.constant 9.99999974E-6 : f32
    %add3A_13 = vector.broadcast %add3A : f32 to vector<1x512xf32>
    %add3A_14 = arith.addf %sub3A, %add3A_13 : vector<1x512xf32>
    %rsqrt3A = math.rsqrt %add3A_14 : vector<1x512xf32>
    %mul3A_15 = arith.mulf %get3A_12, %rsqrt3A : vector<1x512xf32>
    %get3A_16 = arith.constant 0 : index
    %get3A_17 = arith.constant 0 : index
    %get3A_18 = vector.load %arg4[%get3A_16, %get3A_17] : memref<1x512xf32, #tpu.memory_space<vmem>>, vector<1x512xf32>
    %mul3A_19 = arith.mulf %div3A_3, %mul3A_15 : vector<1x512xf32>
    %sub3A_20 = arith.subf %get3A_18, %mul3A_19 : vector<1x512xf32>
    %get3A_21 = arith.constant 0 : index
    %get3A_22 = arith.constant 0 : index
    %get3A_23 = arith.constant 0 : index
    %get3A_24 = vector.load %arg1[%get3A_21, %get3A_22, %get3A_23] : memref<128x32x512xf32, #tpu.memory_space<vmem>>, vector<128x32x512xf32>
    %broadcast_in_dim3A = vector.shape_cast %mul3A_15 : vector<1x512xf32> to vector<1x1x512xf32>
    %mul3A_25 = vector.broadcast %broadcast_in_dim3A : vector<1x1x512xf32> to vector<128x32x512xf32>
    %mul3A_26 = arith.mulf %get3A_24, %mul3A_25 : vector<128x32x512xf32>
    %broadcast_in_dim3A_27 = vector.shape_cast %sub3A_20 : vector<1x512xf32> to vector<1x1x512xf32>
    %add3A_28 = vector.broadcast %broadcast_in_dim3A_27 : vector<1x1x512xf32> to vector<128x32x512xf32>
    %add3A_29 = arith.addf %mul3A_26, %add3A_28 : vector<128x32x512xf32>
    %max3A = arith.constant 0.000000e+00 : f32
    %max3A_30 = vector.broadcast %max3A : f32 to vector<128x32x512xf32>
    %max3A_31 = arith.maximumf %add3A_29, %max3A_30 : vector<128x32x512xf32>
    %reduce_max3A = arith.constant dense<0xFF800000> : vector<128x512xf32>
    %reduce_max3A_32 = vector.multi_reduction <maximumf>, %max3A_31, %reduce_max3A [1] : vector<128x32x512xf32> to vector<128x512xf32>
    %swap3A = arith.constant 0 : index
    %swap3A_33 = arith.constant 0 : index
    %swap3A_34 = vector.load %arg5[%swap3A, %swap3A_33] : memref<128x512xf32, #tpu.memory_space<vmem>>, vector<128x512xf32>
    tpu.vector_store %arg5[%swap3A, %swap3A_33], %reduce_max3A_32 {strides = array<i32>} : memref<128x512xf32, #tpu.memory_space<vmem>>, vector<128x512xf32>,
    return
  }
  func.func @transform_0(%arg0: i32) -> (i32, i32, i32) {
    %c0_i32 = arith.constant 0 : i32
    %c0_i32_0 = arith.constant 0 : i32
    %c0_i32_1 = arith.constant 0 : i32
    return %arg0, %c0_i32, %c0_i32_0 : i32, i32, i32
  }
  func.func @transform_1(%arg0: i32) -> (i32, i32) {
    %c0_i32 = arith.constant 0 : i32
    %c0_i32_0 = arith.constant 0 : i32
    %c0_i32_1 = arith.constant 0 : i32
    return %c0_i32, %c0_i32_0 : i32, i32
  }
  func.func @transform_2(%arg0: i32) -> (i32, i32) {
    %c0_i32 = arith.constant 0 : i32
    %c0_i32_0 = arith.constant 0 : i32
    %c0_i32_1 = arith.constant 0 : i32
    return %c0_i32, %c0_i32_0 : i32, i32
  }
  func.func @transform_3(%arg0: i32) -> (i32, i32) {
    %c0_i32 = arith.constant 0 : i32
    %c0_i32_0 = arith.constant 0 : i32
    %c0_i32_1 = arith.constant 0 : i32
    return %c0_i32, %c0_i32_0 : i32, i32
  }
  func.func @transform_4(%arg0: i32) -> (i32, i32) {
    %c0_i32 = arith.constant 0 : i32
    %c0_i32_0 = arith.constant 0 : i32
    return %arg0, %c0_i32 : i32, i32
  }
}

module attributes {stable_mosaic.version = 14 : i64} {
  func.func @_lambda_(%arg0: i32, %arg1: memref<512x768xf32, #tpu.memory_space<vmem>>, %arg2: memref<768x256xf32, #tpu.memory_space<vmem>>, %arg3: memref<512x256xf32, #tpu.memory_space<vmem>>, %arg4: memref<8x256xf32, #tpu.memory_space<vmem>>) attributes {dimension_semantics = [#tpu.dimension_semantics<arbitrary>], iteration_bounds = array<i64: 1>, scalar_prefetch = 0 : i64, scratch_operands = 0 : i64, tpu.core_type = #tpu.core_type<tc>, window_params = [{transform_indices = @transform_0, window_bounds = array<i64: 512, 768>}, {pipeline_mode = #tpu.pipeline_mode<synchronous>, transform_indices = @transform_1, window_bounds = array<i64: 768, 256>}, {transform_indices = @transform_2, window_bounds = array<i64: 512, 256>}, {pipeline_mode = #tpu.pipeline_mode<synchronous>, transform_indices = @transform_3, window_bounds = array<i64: 8, 256>}]} {
    %get3A = arith.constant 0 : index
    %get3A_0 = arith.constant 0 : index
    %get3A_1 = vector.load %arg1[%get3A, %get3A_0] : memref<512x768xf32, #tpu.memory_space<vmem>>, vector<512x768xf32>
    %get3A_2 = arith.constant 0 : index
    %get3A_3 = arith.constant 0 : index
    %get3A_4 = vector.load %arg2[%get3A_2, %get3A_3] : memref<768x256xf32, #tpu.memory_space<vmem>>, vector<768x256xf32>
    %dot_general3A = arith.constant dense<0.000000e+00> : vector<512x256xf32>
    %dot_general3A_5 = tpu.matmul %get3A_1, %get3A_4, %dot_general3A {dimension_numbers = #tpu.dot_dimension_numbers<[1], [0], [0], [1], [0, 0, 1, 1], [], []>, transpose_lhs_hint = false} : vector<512x768xf32>, vector<768x256xf32>, vector<512x256xf32> -> vector<512x256xf32>
    %swap3A = arith.constant 0 : index
    %swap3A_6 = arith.constant 0 : index
    %swap3A_7 = vector.load %arg3[%swap3A, %swap3A_6] : memref<512x256xf32, #tpu.memory_space<vmem>>, vector<512x256xf32>
    tpu.vector_store %arg3[%swap3A, %swap3A_6], %dot_general3A_5 {strides = array<i32>} : memref<512x256xf32, #tpu.memory_space<vmem>>, vector<512x256xf32>,
    %reduce_sum3A = arith.constant dense<0.000000e+00> : vector<256xf32>
    %reduce_sum3A_8 = vector.multi_reduction <add>, %dot_general3A_5, %reduce_sum3A [0] : vector<512x256xf32> to vector<256xf32>
    %broadcast_in_dim3A = vector.shape_cast %reduce_sum3A_8 : vector<256xf32> to vector<1x256xf32>
    %mul3A = arith.mulf %dot_general3A_5, %dot_general3A_5 : vector<512x256xf32>
    %reduce_sum3A_9 = arith.constant dense<0.000000e+00> : vector<256xf32>
    %reduce_sum3A_10 = vector.multi_reduction <add>, %mul3A, %reduce_sum3A_9 [0] : vector<512x256xf32> to vector<256xf32>
    %broadcast_in_dim3A_11 = vector.shape_cast %reduce_sum3A_10 : vector<256xf32> to vector<1x256xf32>
    %broadcast_in_dim3A_12 = arith.constant 0.000000e+00 : f32
    %broadcast_in_dim3A_13 = vector.broadcast %broadcast_in_dim3A_12 : f32 to vector<6x256xf32>
    %concatenate3A = tpu.concatenate %broadcast_in_dim3A, %broadcast_in_dim3A_11, %broadcast_in_dim3A_13 in 0 : vector<1x256xf32>, vector<1x256xf32>, vector<6x256xf32> -> vector<8x256xf32>
    %eq3A = arith.constant 0 : i32
    %eq3A_14 = arith.cmpi eq, %arg0, %eq3A : i32
    %convert_element_type3A = arith.extui %eq3A_14 : i1 to i32
    %cond3A = arith.constant 0 : i32
    %cond3A_15 = arith.cmpi ne, %convert_element_type3A, %cond3A : i32
    scf.if %cond3A_15 {
      %broadcast_in_dim3A_22 = arith.constant 0.000000e+00 : f32
      %broadcast_in_dim3A_23 = vector.broadcast %broadcast_in_dim3A_22 : f32 to vector<8x256xf32>
      %swap3A_24 = arith.constant 0 : index
      %swap3A_25 = arith.constant 0 : index
      %swap3A_26 = vector.load %arg4[%swap3A_24, %swap3A_25] : memref<8x256xf32, #tpu.memory_space<vmem>>, vector<8x256xf32>
      tpu.vector_store %arg4[%swap3A_24, %swap3A_25], %broadcast_in_dim3A_23 {strides = array<i32>} : memref<8x256xf32, #tpu.memory_space<vmem>>, vector<8x256xf32>,
    } else {
    }
    %get3A_16 = arith.constant 0 : index
    %get3A_17 = arith.constant 0 : index
    %get3A_18 = vector.load %arg4[%get3A_16, %get3A_17] : memref<8x256xf32, #tpu.memory_space<vmem>>, vector<8x256xf32>
    %add3A = arith.addf %get3A_18, %concatenate3A : vector<8x256xf32>
    %swap3A_19 = arith.constant 0 : index
    %swap3A_20 = arith.constant 0 : index
    %swap3A_21 = vector.load %arg4[%swap3A_19, %swap3A_20] : memref<8x256xf32, #tpu.memory_space<vmem>>, vector<8x256xf32>
    tpu.vector_store %arg4[%swap3A_19, %swap3A_20], %add3A {strides = array<i32>} : memref<8x256xf32, #tpu.memory_space<vmem>>, vector<8x256xf32>,
    return
  }
  func.func @transform_0(%arg0: i32) -> (i32, i32) {
    %c0_i32 = arith.constant 0 : i32
    %c0_i32_0 = arith.constant 0 : i32
    return %arg0, %c0_i32 : i32, i32
  }
  func.func @transform_1(%arg0: i32) -> (i32, i32) {
    %c0_i32 = arith.constant 0 : i32
    %c0_i32_0 = arith.constant 0 : i32
    %c0_i32_1 = arith.constant 0 : i32
    return %c0_i32, %c0_i32_0 : i32, i32
  }
  func.func @transform_2(%arg0: i32) -> (i32, i32) {
    %c0_i32 = arith.constant 0 : i32
    %c0_i32_0 = arith.constant 0 : i32
    return %arg0, %c0_i32 : i32, i32
  }
  func.func @transform_3(%arg0: i32) -> (i32, i32) {
    %c0_i32 = arith.constant 0 : i32
    %c0_i32_0 = arith.constant 0 : i32
    %c0_i32_1 = arith.constant 0 : i32
    return %c0_i32, %c0_i32_0 : i32, i32
  }
}

module attributes {stable_mosaic.version = 14 : i64} {
  func.func @kern(%arg0: i32, %arg1: memref<512x256xf32, #tpu.memory_space<vmem>>, %arg2: memref<8x256xf32, #tpu.memory_space<vmem>>, %arg3: memref<1x256xf32, #tpu.memory_space<vmem>>, %arg4: memref<1x256xf32, #tpu.memory_space<vmem>>, %arg5: memref<256x256xf32, #tpu.memory_space<vmem>>, %arg6: memref<512x256xf32, #tpu.memory_space<vmem>>, %arg7: memref<8x256xf32, #tpu.memory_space<vmem>>) attributes {dimension_semantics = [#tpu.dimension_semantics<arbitrary>], iteration_bounds = array<i64: 1>, scalar_prefetch = 0 : i64, scratch_operands = 0 : i64, tpu.core_type = #tpu.core_type<tc>, window_params = [{transform_indices = @transform_0, window_bounds = array<i64: 512, 256>}, {pipeline_mode = #tpu.pipeline_mode<synchronous>, transform_indices = @transform_1, window_bounds = array<i64: 8, 256>}, {pipeline_mode = #tpu.pipeline_mode<synchronous>, transform_indices = @transform_2, window_bounds = array<i64: 1, 256>}, {pipeline_mode = #tpu.pipeline_mode<synchronous>, transform_indices = @transform_3, window_bounds = array<i64: 1, 256>}, {pipeline_mode = #tpu.pipeline_mode<synchronous>, transform_indices = @transform_4, window_bounds = array<i64: 256, 256>}, {transform_indices = @transform_5, window_bounds = array<i64: 512, 256>}, {pipeline_mode = #tpu.pipeline_mode<synchronous>, transform_indices = @transform_6, window_bounds = array<i64: 8, 256>}]} {
    %get3A = arith.constant 0 : index
    %get3A_0 = arith.constant 0 : index
    %get3A_1 = vector.load %arg2[%get3A, %get3A_0] : memref<8x256xf32, #tpu.memory_space<vmem>>, vector<1x256xf32>
    %div3A = arith.constant 5.120000e+02 : f32
    %div3A_2 = vector.broadcast %div3A : f32 to vector<1x256xf32>
    %div3A_3 = arith.divf %get3A_1, %div3A_2 : vector<1x256xf32>
    %get3A_4 = arith.constant 1 : index
    %get3A_5 = arith.constant 0 : index
    %get3A_6 = vector.load %arg2[%get3A_4, %get3A_5] : memref<8x256xf32, #tpu.memory_space<vmem>>, vector<1x256xf32>
    %div3A_7 = arith.constant 5.120000e+02 : f32
    %div3A_8 = vector.broadcast %div3A_7 : f32 to vector<1x256xf32>
    %div3A_9 = arith.divf %get3A_6, %div3A_8 : vector<1x256xf32>
    %mul3A = arith.mulf %div3A_3, %div3A_3 : vector<1x256xf32>
    %sub3A = arith.subf %div3A_9, %mul3A : vector<1x256xf32>
    %get3A_10 = arith.constant 0 : index
    %get3A_11 = arith.constant 0 : index
    %get3A_12 = vector.load %arg3[%get3A_10, %get3A_11] : memref<1x256xf32, #tpu.memory_space<vmem>>, vector<1x256xf32>
    %add3A = arith.constant 9.99999974E-6 : f32
    %add3A_13 = vector.broadcast %add3A : f32 to vector<1x256xf32>
    %add3A_14 = arith.addf %sub3A, %add3A_13 : vector<1x256xf32>
    %rsqrt3A = math.rsqrt %add3A_14 : vector<1x256xf32>
    %mul3A_15 = arith.mulf %get3A_12, %rsqrt3A : vector<1x256xf32>
    %get3A_16 = arith.constant 0 : index
    %get3A_17 = arith.constant 0 : index
    %get3A_18 = vector.load %arg4[%get3A_16, %get3A_17] : memref<1x256xf32, #tpu.memory_space<vmem>>, vector<1x256xf32>
    %mul3A_19 = arith.mulf %div3A_3, %mul3A_15 : vector<1x256xf32>
    %sub3A_20 = arith.subf %get3A_18, %mul3A_19 : vector<1x256xf32>
    %get3A_21 = arith.constant 0 : index
    %get3A_22 = arith.constant 0 : index
    %get3A_23 = vector.load %arg1[%get3A_21, %get3A_22] : memref<512x256xf32, #tpu.memory_space<vmem>>, vector<512x256xf32>
    %mul3A_24 = vector.broadcast %mul3A_15 : vector<1x256xf32> to vector<512x256xf32>
    %mul3A_25 = arith.mulf %get3A_23, %mul3A_24 : vector<512x256xf32>
    %add3A_26 = vector.broadcast %sub3A_20 : vector<1x256xf32> to vector<512x256xf32>
    %add3A_27 = arith.addf %mul3A_25, %add3A_26 : vector<512x256xf32>
    %max3A = arith.constant 0.000000e+00 : f32
    %max3A_28 = vector.broadcast %max3A : f32 to vector<512x256xf32>
    %max3A_29 = arith.maximumf %add3A_27, %max3A_28 : vector<512x256xf32>
    %get3A_30 = arith.constant 0 : index
    %get3A_31 = arith.constant 0 : index
    %get3A_32 = vector.load %arg5[%get3A_30, %get3A_31] : memref<256x256xf32, #tpu.memory_space<vmem>>, vector<256x256xf32>
    %dot_general3A = arith.constant dense<0.000000e+00> : vector<512x256xf32>
    %dot_general3A_33 = tpu.matmul %max3A_29, %get3A_32, %dot_general3A {dimension_numbers = #tpu.dot_dimension_numbers<[1], [0], [0], [1], [0, 0, 1, 1], [], []>, transpose_lhs_hint = false} : vector<512x256xf32>, vector<256x256xf32>, vector<512x256xf32> -> vector<512x256xf32>
    %swap3A = arith.constant 0 : index
    %swap3A_34 = arith.constant 0 : index
    %swap3A_35 = vector.load %arg6[%swap3A, %swap3A_34] : memref<512x256xf32, #tpu.memory_space<vmem>>, vector<512x256xf32>
    tpu.vector_store %arg6[%swap3A, %swap3A_34], %dot_general3A_33 {strides = array<i32>} : memref<512x256xf32, #tpu.memory_space<vmem>>, vector<512x256xf32>,
    %reduce_sum3A = arith.constant dense<0.000000e+00> : vector<256xf32>
    %reduce_sum3A_36 = vector.multi_reduction <add>, %dot_general3A_33, %reduce_sum3A [0] : vector<512x256xf32> to vector<256xf32>
    %broadcast_in_dim3A = vector.shape_cast %reduce_sum3A_36 : vector<256xf32> to vector<1x256xf32>
    %mul3A_37 = arith.mulf %dot_general3A_33, %dot_general3A_33 : vector<512x256xf32>
    %reduce_sum3A_38 = arith.constant dense<0.000000e+00> : vector<256xf32>
    %reduce_sum3A_39 = vector.multi_reduction <add>, %mul3A_37, %reduce_sum3A_38 [0] : vector<512x256xf32> to vector<256xf32>
    %broadcast_in_dim3A_40 = vector.shape_cast %reduce_sum3A_39 : vector<256xf32> to vector<1x256xf32>
    %broadcast_in_dim3A_41 = arith.constant 0.000000e+00 : f32
    %broadcast_in_dim3A_42 = vector.broadcast %broadcast_in_dim3A_41 : f32 to vector<6x256xf32>
    %concatenate3A = tpu.concatenate %broadcast_in_dim3A, %broadcast_in_dim3A_40, %broadcast_in_dim3A_42 in 0 : vector<1x256xf32>, vector<1x256xf32>, vector<6x256xf32> -> vector<8x256xf32>
    %eq3A = arith.constant 0 : i32
    %eq3A_43 = arith.cmpi eq, %arg0, %eq3A : i32
    %convert_element_type3A = arith.extui %eq3A_43 : i1 to i32
    %cond3A = arith.constant 0 : i32
    %cond3A_44 = arith.cmpi ne, %convert_element_type3A, %cond3A : i32
    scf.if %cond3A_44 {
      %broadcast_in_dim3A_52 = arith.constant 0.000000e+00 : f32
      %broadcast_in_dim3A_53 = vector.broadcast %broadcast_in_dim3A_52 : f32 to vector<8x256xf32>
      %swap3A_54 = arith.constant 0 : index
      %swap3A_55 = arith.constant 0 : index
      %swap3A_56 = vector.load %arg7[%swap3A_54, %swap3A_55] : memref<8x256xf32, #tpu.memory_space<vmem>>, vector<8x256xf32>
      tpu.vector_store %arg7[%swap3A_54, %swap3A_55], %broadcast_in_dim3A_53 {strides = array<i32>} : memref<8x256xf32, #tpu.memory_space<vmem>>, vector<8x256xf32>,
    } else {
    }
    %get3A_45 = arith.constant 0 : index
    %get3A_46 = arith.constant 0 : index
    %get3A_47 = vector.load %arg7[%get3A_45, %get3A_46] : memref<8x256xf32, #tpu.memory_space<vmem>>, vector<8x256xf32>
    %add3A_48 = arith.addf %get3A_47, %concatenate3A : vector<8x256xf32>
    %swap3A_49 = arith.constant 0 : index
    %swap3A_50 = arith.constant 0 : index
    %swap3A_51 = vector.load %arg7[%swap3A_49, %swap3A_50] : memref<8x256xf32, #tpu.memory_space<vmem>>, vector<8x256xf32>
    tpu.vector_store %arg7[%swap3A_49, %swap3A_50], %add3A_48 {strides = array<i32>} : memref<8x256xf32, #tpu.memory_space<vmem>>, vector<8x256xf32>,
    return
  }
  func.func @transform_0(%arg0: i32) -> (i32, i32) {
    %c0_i32 = arith.constant 0 : i32
    %c0_i32_0 = arith.constant 0 : i32
    return %arg0, %c0_i32 : i32, i32
  }
  func.func @transform_1(%arg0: i32) -> (i32, i32) {
    %c0_i32 = arith.constant 0 : i32
    %c0_i32_0 = arith.constant 0 : i32
    %c0_i32_1 = arith.constant 0 : i32
    return %c0_i32, %c0_i32_0 : i32, i32
  }
  func.func @transform_2(%arg0: i32) -> (i32, i32) {
    %c0_i32 = arith.constant 0 : i32
    %c0_i32_0 = arith.constant 0 : i32
    %c0_i32_1 = arith.constant 0 : i32
    return %c0_i32, %c0_i32_0 : i32, i32
  }
  func.func @transform_3(%arg0: i32) -> (i32, i32) {
    %c0_i32 = arith.constant 0 : i32
    %c0_i32_0 = arith.constant 0 : i32
    %c0_i32_1 = arith.constant 0 : i32
    return %c0_i32, %c0_i32_0 : i32, i32
  }
  func.func @transform_4(%arg0: i32) -> (i32, i32) {
    %c0_i32 = arith.constant 0 : i32
    %c0_i32_0 = arith.constant 0 : i32
    %c0_i32_1 = arith.constant 0 : i32
    return %c0_i32, %c0_i32_0 : i32, i32
  }
  func.func @transform_5(%arg0: i32) -> (i32, i32) {
    %c0_i32 = arith.constant 0 : i32
    %c0_i32_0 = arith.constant 0 : i32
    return %arg0, %c0_i32 : i32, i32
  }
  func.func @transform_6(%arg0: i32) -> (i32, i32) {
    %c0_i32 = arith.constant 0 : i32
    %c0_i32_0 = arith.constant 0 : i32
    %c0_i32_1 = arith.constant 0 : i32
    return %c0_i32, %c0_i32_0 : i32, i32
  }
}

module attributes {stable_mosaic.version = 14 : i64} {
  func.func @_norm_relu_kernel(%arg0: i32, %arg1: memref<512x256xf32, #tpu.memory_space<vmem>>, %arg2: memref<8x256xf32, #tpu.memory_space<vmem>>, %arg3: memref<1x256xf32, #tpu.memory_space<vmem>>, %arg4: memref<1x256xf32, #tpu.memory_space<vmem>>, %arg5: memref<512x256xf32, #tpu.memory_space<vmem>>) attributes {dimension_semantics = [#tpu.dimension_semantics<arbitrary>], iteration_bounds = array<i64: 1>, scalar_prefetch = 0 : i64, scratch_operands = 0 : i64, tpu.core_type = #tpu.core_type<tc>, window_params = [{transform_indices = @transform_0, window_bounds = array<i64: 512, 256>}, {pipeline_mode = #tpu.pipeline_mode<synchronous>, transform_indices = @transform_1, window_bounds = array<i64: 8, 256>}, {pipeline_mode = #tpu.pipeline_mode<synchronous>, transform_indices = @transform_2, window_bounds = array<i64: 1, 256>}, {pipeline_mode = #tpu.pipeline_mode<synchronous>, transform_indices = @transform_3, window_bounds = array<i64: 1, 256>}, {transform_indices = @transform_4, window_bounds = array<i64: 512, 256>}]} {
    %get3A = arith.constant 0 : index
    %get3A_0 = arith.constant 0 : index
    %get3A_1 = vector.load %arg2[%get3A, %get3A_0] : memref<8x256xf32, #tpu.memory_space<vmem>>, vector<1x256xf32>
    %div3A = arith.constant 5.120000e+02 : f32
    %div3A_2 = vector.broadcast %div3A : f32 to vector<1x256xf32>
    %div3A_3 = arith.divf %get3A_1, %div3A_2 : vector<1x256xf32>
    %get3A_4 = arith.constant 1 : index
    %get3A_5 = arith.constant 0 : index
    %get3A_6 = vector.load %arg2[%get3A_4, %get3A_5] : memref<8x256xf32, #tpu.memory_space<vmem>>, vector<1x256xf32>
    %div3A_7 = arith.constant 5.120000e+02 : f32
    %div3A_8 = vector.broadcast %div3A_7 : f32 to vector<1x256xf32>
    %div3A_9 = arith.divf %get3A_6, %div3A_8 : vector<1x256xf32>
    %mul3A = arith.mulf %div3A_3, %div3A_3 : vector<1x256xf32>
    %sub3A = arith.subf %div3A_9, %mul3A : vector<1x256xf32>
    %get3A_10 = arith.constant 0 : index
    %get3A_11 = arith.constant 0 : index
    %get3A_12 = vector.load %arg3[%get3A_10, %get3A_11] : memref<1x256xf32, #tpu.memory_space<vmem>>, vector<1x256xf32>
    %add3A = arith.constant 9.99999974E-6 : f32
    %add3A_13 = vector.broadcast %add3A : f32 to vector<1x256xf32>
    %add3A_14 = arith.addf %sub3A, %add3A_13 : vector<1x256xf32>
    %rsqrt3A = math.rsqrt %add3A_14 : vector<1x256xf32>
    %mul3A_15 = arith.mulf %get3A_12, %rsqrt3A : vector<1x256xf32>
    %get3A_16 = arith.constant 0 : index
    %get3A_17 = arith.constant 0 : index
    %get3A_18 = vector.load %arg4[%get3A_16, %get3A_17] : memref<1x256xf32, #tpu.memory_space<vmem>>, vector<1x256xf32>
    %mul3A_19 = arith.mulf %div3A_3, %mul3A_15 : vector<1x256xf32>
    %sub3A_20 = arith.subf %get3A_18, %mul3A_19 : vector<1x256xf32>
    %get3A_21 = arith.constant 0 : index
    %get3A_22 = arith.constant 0 : index
    %get3A_23 = vector.load %arg1[%get3A_21, %get3A_22] : memref<512x256xf32, #tpu.memory_space<vmem>>, vector<512x256xf32>
    %mul3A_24 = vector.broadcast %mul3A_15 : vector<1x256xf32> to vector<512x256xf32>
    %mul3A_25 = arith.mulf %get3A_23, %mul3A_24 : vector<512x256xf32>
    %add3A_26 = vector.broadcast %sub3A_20 : vector<1x256xf32> to vector<512x256xf32>
    %add3A_27 = arith.addf %mul3A_25, %add3A_26 : vector<512x256xf32>
    %max3A = arith.constant 0.000000e+00 : f32
    %max3A_28 = vector.broadcast %max3A : f32 to vector<512x256xf32>
    %max3A_29 = arith.maximumf %add3A_27, %max3A_28 : vector<512x256xf32>
    %swap3A = arith.constant 0 : index
    %swap3A_30 = arith.constant 0 : index
    %swap3A_31 = vector.load %arg5[%swap3A, %swap3A_30] : memref<512x256xf32, #tpu.memory_space<vmem>>, vector<512x256xf32>
    tpu.vector_store %arg5[%swap3A, %swap3A_30], %max3A_29 {strides = array<i32>} : memref<512x256xf32, #tpu.memory_space<vmem>>, vector<512x256xf32>,
    return
  }
  func.func @transform_0(%arg0: i32) -> (i32, i32) {
    %c0_i32 = arith.constant 0 : i32
    %c0_i32_0 = arith.constant 0 : i32
    return %arg0, %c0_i32 : i32, i32
  }
  func.func @transform_1(%arg0: i32) -> (i32, i32) {
    %c0_i32 = arith.constant 0 : i32
    %c0_i32_0 = arith.constant 0 : i32
    %c0_i32_1 = arith.constant 0 : i32
    return %c0_i32, %c0_i32_0 : i32, i32
  }
  func.func @transform_2(%arg0: i32) -> (i32, i32) {
    %c0_i32 = arith.constant 0 : i32
    %c0_i32_0 = arith.constant 0 : i32
    %c0_i32_1 = arith.constant 0 : i32
    return %c0_i32, %c0_i32_0 : i32, i32
  }
  func.func @transform_3(%arg0: i32) -> (i32, i32) {
    %c0_i32 = arith.constant 0 : i32
    %c0_i32_0 = arith.constant 0 : i32
    %c0_i32_1 = arith.constant 0 : i32
    return %c0_i32, %c0_i32_0 : i32, i32
  }
  func.func @transform_4(%arg0: i32) -> (i32, i32) {
    %c0_i32 = arith.constant 0 : i32
    %c0_i32_0 = arith.constant 0 : i32
    return %arg0, %c0_i32 : i32, i32
  }
}

module attributes {stable_mosaic.version = 14 : i64} {
  func.func @_lambda_(%arg0: i32, %arg1: memref<2048x384xf32, #tpu.memory_space<vmem>>, %arg2: memref<384x256xf32, #tpu.memory_space<vmem>>, %arg3: memref<2048x256xf32, #tpu.memory_space<vmem>>, %arg4: memref<8x256xf32, #tpu.memory_space<vmem>>) attributes {dimension_semantics = [#tpu.dimension_semantics<arbitrary>], iteration_bounds = array<i64: 1>, scalar_prefetch = 0 : i64, scratch_operands = 0 : i64, tpu.core_type = #tpu.core_type<tc>, window_params = [{transform_indices = @transform_0, window_bounds = array<i64: 2048, 384>}, {pipeline_mode = #tpu.pipeline_mode<synchronous>, transform_indices = @transform_1, window_bounds = array<i64: 384, 256>}, {transform_indices = @transform_2, window_bounds = array<i64: 2048, 256>}, {pipeline_mode = #tpu.pipeline_mode<synchronous>, transform_indices = @transform_3, window_bounds = array<i64: 8, 256>}]} {
    %get3A = arith.constant 0 : index
    %get3A_0 = arith.constant 0 : index
    %get3A_1 = vector.load %arg1[%get3A, %get3A_0] : memref<2048x384xf32, #tpu.memory_space<vmem>>, vector<2048x384xf32>
    %get3A_2 = arith.constant 0 : index
    %get3A_3 = arith.constant 0 : index
    %get3A_4 = vector.load %arg2[%get3A_2, %get3A_3] : memref<384x256xf32, #tpu.memory_space<vmem>>, vector<384x256xf32>
    %dot_general3A = arith.constant dense<0.000000e+00> : vector<2048x256xf32>
    %dot_general3A_5 = tpu.matmul %get3A_1, %get3A_4, %dot_general3A {dimension_numbers = #tpu.dot_dimension_numbers<[1], [0], [0], [1], [0, 0, 1, 1], [], []>, transpose_lhs_hint = false} : vector<2048x384xf32>, vector<384x256xf32>, vector<2048x256xf32> -> vector<2048x256xf32>
    %swap3A = arith.constant 0 : index
    %swap3A_6 = arith.constant 0 : index
    %swap3A_7 = vector.load %arg3[%swap3A, %swap3A_6] : memref<2048x256xf32, #tpu.memory_space<vmem>>, vector<2048x256xf32>
    tpu.vector_store %arg3[%swap3A, %swap3A_6], %dot_general3A_5 {strides = array<i32>} : memref<2048x256xf32, #tpu.memory_space<vmem>>, vector<2048x256xf32>,
    %reduce_sum3A = arith.constant dense<0.000000e+00> : vector<256xf32>
    %reduce_sum3A_8 = vector.multi_reduction <add>, %dot_general3A_5, %reduce_sum3A [0] : vector<2048x256xf32> to vector<256xf32>
    %broadcast_in_dim3A = vector.shape_cast %reduce_sum3A_8 : vector<256xf32> to vector<1x256xf32>
    %mul3A = arith.mulf %dot_general3A_5, %dot_general3A_5 : vector<2048x256xf32>
    %reduce_sum3A_9 = arith.constant dense<0.000000e+00> : vector<256xf32>
    %reduce_sum3A_10 = vector.multi_reduction <add>, %mul3A, %reduce_sum3A_9 [0] : vector<2048x256xf32> to vector<256xf32>
    %broadcast_in_dim3A_11 = vector.shape_cast %reduce_sum3A_10 : vector<256xf32> to vector<1x256xf32>
    %broadcast_in_dim3A_12 = arith.constant 0.000000e+00 : f32
    %broadcast_in_dim3A_13 = vector.broadcast %broadcast_in_dim3A_12 : f32 to vector<6x256xf32>
    %concatenate3A = tpu.concatenate %broadcast_in_dim3A, %broadcast_in_dim3A_11, %broadcast_in_dim3A_13 in 0 : vector<1x256xf32>, vector<1x256xf32>, vector<6x256xf32> -> vector<8x256xf32>
    %eq3A = arith.constant 0 : i32
    %eq3A_14 = arith.cmpi eq, %arg0, %eq3A : i32
    %convert_element_type3A = arith.extui %eq3A_14 : i1 to i32
    %cond3A = arith.constant 0 : i32
    %cond3A_15 = arith.cmpi ne, %convert_element_type3A, %cond3A : i32
    scf.if %cond3A_15 {
      %broadcast_in_dim3A_22 = arith.constant 0.000000e+00 : f32
      %broadcast_in_dim3A_23 = vector.broadcast %broadcast_in_dim3A_22 : f32 to vector<8x256xf32>
      %swap3A_24 = arith.constant 0 : index
      %swap3A_25 = arith.constant 0 : index
      %swap3A_26 = vector.load %arg4[%swap3A_24, %swap3A_25] : memref<8x256xf32, #tpu.memory_space<vmem>>, vector<8x256xf32>
      tpu.vector_store %arg4[%swap3A_24, %swap3A_25], %broadcast_in_dim3A_23 {strides = array<i32>} : memref<8x256xf32, #tpu.memory_space<vmem>>, vector<8x256xf32>,
    } else {
    }
    %get3A_16 = arith.constant 0 : index
    %get3A_17 = arith.constant 0 : index
    %get3A_18 = vector.load %arg4[%get3A_16, %get3A_17] : memref<8x256xf32, #tpu.memory_space<vmem>>, vector<8x256xf32>
    %add3A = arith.addf %get3A_18, %concatenate3A : vector<8x256xf32>
    %swap3A_19 = arith.constant 0 : index
    %swap3A_20 = arith.constant 0 : index
    %swap3A_21 = vector.load %arg4[%swap3A_19, %swap3A_20] : memref<8x256xf32, #tpu.memory_space<vmem>>, vector<8x256xf32>
    tpu.vector_store %arg4[%swap3A_19, %swap3A_20], %add3A {strides = array<i32>} : memref<8x256xf32, #tpu.memory_space<vmem>>, vector<8x256xf32>,
    return
  }
  func.func @transform_0(%arg0: i32) -> (i32, i32) {
    %c0_i32 = arith.constant 0 : i32
    %c0_i32_0 = arith.constant 0 : i32
    return %arg0, %c0_i32 : i32, i32
  }
  func.func @transform_1(%arg0: i32) -> (i32, i32) {
    %c0_i32 = arith.constant 0 : i32
    %c0_i32_0 = arith.constant 0 : i32
    %c0_i32_1 = arith.constant 0 : i32
    return %c0_i32, %c0_i32_0 : i32, i32
  }
  func.func @transform_2(%arg0: i32) -> (i32, i32) {
    %c0_i32 = arith.constant 0 : i32
    %c0_i32_0 = arith.constant 0 : i32
    return %arg0, %c0_i32 : i32, i32
  }
  func.func @transform_3(%arg0: i32) -> (i32, i32) {
    %c0_i32 = arith.constant 0 : i32
    %c0_i32_0 = arith.constant 0 : i32
    %c0_i32_1 = arith.constant 0 : i32
    return %c0_i32, %c0_i32_0 : i32, i32
  }
}

module attributes {stable_mosaic.version = 14 : i64} {
  func.func @kern(%arg0: i32, %arg1: memref<2048x256xf32, #tpu.memory_space<vmem>>, %arg2: memref<8x256xf32, #tpu.memory_space<vmem>>, %arg3: memref<1x256xf32, #tpu.memory_space<vmem>>, %arg4: memref<1x256xf32, #tpu.memory_space<vmem>>, %arg5: memref<256x256xf32, #tpu.memory_space<vmem>>, %arg6: memref<2048x256xf32, #tpu.memory_space<vmem>>, %arg7: memref<8x256xf32, #tpu.memory_space<vmem>>) attributes {dimension_semantics = [#tpu.dimension_semantics<arbitrary>], iteration_bounds = array<i64: 1>, scalar_prefetch = 0 : i64, scratch_operands = 0 : i64, tpu.core_type = #tpu.core_type<tc>, window_params = [{transform_indices = @transform_0, window_bounds = array<i64: 2048, 256>}, {pipeline_mode = #tpu.pipeline_mode<synchronous>, transform_indices = @transform_1, window_bounds = array<i64: 8, 256>}, {pipeline_mode = #tpu.pipeline_mode<synchronous>, transform_indices = @transform_2, window_bounds = array<i64: 1, 256>}, {pipeline_mode = #tpu.pipeline_mode<synchronous>, transform_indices = @transform_3, window_bounds = array<i64: 1, 256>}, {pipeline_mode = #tpu.pipeline_mode<synchronous>, transform_indices = @transform_4, window_bounds = array<i64: 256, 256>}, {transform_indices = @transform_5, window_bounds = array<i64: 2048, 256>}, {pipeline_mode = #tpu.pipeline_mode<synchronous>, transform_indices = @transform_6, window_bounds = array<i64: 8, 256>}]} {
    %get3A = arith.constant 0 : index
    %get3A_0 = arith.constant 0 : index
    %get3A_1 = vector.load %arg2[%get3A, %get3A_0] : memref<8x256xf32, #tpu.memory_space<vmem>>, vector<1x256xf32>
    %div3A = arith.constant 2.048000e+03 : f32
    %div3A_2 = vector.broadcast %div3A : f32 to vector<1x256xf32>
    %div3A_3 = arith.divf %get3A_1, %div3A_2 : vector<1x256xf32>
    %get3A_4 = arith.constant 1 : index
    %get3A_5 = arith.constant 0 : index
    %get3A_6 = vector.load %arg2[%get3A_4, %get3A_5] : memref<8x256xf32, #tpu.memory_space<vmem>>, vector<1x256xf32>
    %div3A_7 = arith.constant 2.048000e+03 : f32
    %div3A_8 = vector.broadcast %div3A_7 : f32 to vector<1x256xf32>
    %div3A_9 = arith.divf %get3A_6, %div3A_8 : vector<1x256xf32>
    %mul3A = arith.mulf %div3A_3, %div3A_3 : vector<1x256xf32>
    %sub3A = arith.subf %div3A_9, %mul3A : vector<1x256xf32>
    %get3A_10 = arith.constant 0 : index
    %get3A_11 = arith.constant 0 : index
    %get3A_12 = vector.load %arg3[%get3A_10, %get3A_11] : memref<1x256xf32, #tpu.memory_space<vmem>>, vector<1x256xf32>
    %add3A = arith.constant 9.99999974E-6 : f32
    %add3A_13 = vector.broadcast %add3A : f32 to vector<1x256xf32>
    %add3A_14 = arith.addf %sub3A, %add3A_13 : vector<1x256xf32>
    %rsqrt3A = math.rsqrt %add3A_14 : vector<1x256xf32>
    %mul3A_15 = arith.mulf %get3A_12, %rsqrt3A : vector<1x256xf32>
    %get3A_16 = arith.constant 0 : index
    %get3A_17 = arith.constant 0 : index
    %get3A_18 = vector.load %arg4[%get3A_16, %get3A_17] : memref<1x256xf32, #tpu.memory_space<vmem>>, vector<1x256xf32>
    %mul3A_19 = arith.mulf %div3A_3, %mul3A_15 : vector<1x256xf32>
    %sub3A_20 = arith.subf %get3A_18, %mul3A_19 : vector<1x256xf32>
    %get3A_21 = arith.constant 0 : index
    %get3A_22 = arith.constant 0 : index
    %get3A_23 = vector.load %arg1[%get3A_21, %get3A_22] : memref<2048x256xf32, #tpu.memory_space<vmem>>, vector<2048x256xf32>
    %mul3A_24 = vector.broadcast %mul3A_15 : vector<1x256xf32> to vector<2048x256xf32>
    %mul3A_25 = arith.mulf %get3A_23, %mul3A_24 : vector<2048x256xf32>
    %add3A_26 = vector.broadcast %sub3A_20 : vector<1x256xf32> to vector<2048x256xf32>
    %add3A_27 = arith.addf %mul3A_25, %add3A_26 : vector<2048x256xf32>
    %max3A = arith.constant 0.000000e+00 : f32
    %max3A_28 = vector.broadcast %max3A : f32 to vector<2048x256xf32>
    %max3A_29 = arith.maximumf %add3A_27, %max3A_28 : vector<2048x256xf32>
    %get3A_30 = arith.constant 0 : index
    %get3A_31 = arith.constant 0 : index
    %get3A_32 = vector.load %arg5[%get3A_30, %get3A_31] : memref<256x256xf32, #tpu.memory_space<vmem>>, vector<256x256xf32>
    %dot_general3A = arith.constant dense<0.000000e+00> : vector<2048x256xf32>
    %dot_general3A_33 = tpu.matmul %max3A_29, %get3A_32, %dot_general3A {dimension_numbers = #tpu.dot_dimension_numbers<[1], [0], [0], [1], [0, 0, 1, 1], [], []>, transpose_lhs_hint = false} : vector<2048x256xf32>, vector<256x256xf32>, vector<2048x256xf32> -> vector<2048x256xf32>
    %swap3A = arith.constant 0 : index
    %swap3A_34 = arith.constant 0 : index
    %swap3A_35 = vector.load %arg6[%swap3A, %swap3A_34] : memref<2048x256xf32, #tpu.memory_space<vmem>>, vector<2048x256xf32>
    tpu.vector_store %arg6[%swap3A, %swap3A_34], %dot_general3A_33 {strides = array<i32>} : memref<2048x256xf32, #tpu.memory_space<vmem>>, vector<2048x256xf32>,
    %reduce_sum3A = arith.constant dense<0.000000e+00> : vector<256xf32>
    %reduce_sum3A_36 = vector.multi_reduction <add>, %dot_general3A_33, %reduce_sum3A [0] : vector<2048x256xf32> to vector<256xf32>
    %broadcast_in_dim3A = vector.shape_cast %reduce_sum3A_36 : vector<256xf32> to vector<1x256xf32>
    %mul3A_37 = arith.mulf %dot_general3A_33, %dot_general3A_33 : vector<2048x256xf32>
    %reduce_sum3A_38 = arith.constant dense<0.000000e+00> : vector<256xf32>
    %reduce_sum3A_39 = vector.multi_reduction <add>, %mul3A_37, %reduce_sum3A_38 [0] : vector<2048x256xf32> to vector<256xf32>
    %broadcast_in_dim3A_40 = vector.shape_cast %reduce_sum3A_39 : vector<256xf32> to vector<1x256xf32>
    %broadcast_in_dim3A_41 = arith.constant 0.000000e+00 : f32
    %broadcast_in_dim3A_42 = vector.broadcast %broadcast_in_dim3A_41 : f32 to vector<6x256xf32>
    %concatenate3A = tpu.concatenate %broadcast_in_dim3A, %broadcast_in_dim3A_40, %broadcast_in_dim3A_42 in 0 : vector<1x256xf32>, vector<1x256xf32>, vector<6x256xf32> -> vector<8x256xf32>
    %eq3A = arith.constant 0 : i32
    %eq3A_43 = arith.cmpi eq, %arg0, %eq3A : i32
    %convert_element_type3A = arith.extui %eq3A_43 : i1 to i32
    %cond3A = arith.constant 0 : i32
    %cond3A_44 = arith.cmpi ne, %convert_element_type3A, %cond3A : i32
    scf.if %cond3A_44 {
      %broadcast_in_dim3A_52 = arith.constant 0.000000e+00 : f32
      %broadcast_in_dim3A_53 = vector.broadcast %broadcast_in_dim3A_52 : f32 to vector<8x256xf32>
      %swap3A_54 = arith.constant 0 : index
      %swap3A_55 = arith.constant 0 : index
      %swap3A_56 = vector.load %arg7[%swap3A_54, %swap3A_55] : memref<8x256xf32, #tpu.memory_space<vmem>>, vector<8x256xf32>
      tpu.vector_store %arg7[%swap3A_54, %swap3A_55], %broadcast_in_dim3A_53 {strides = array<i32>} : memref<8x256xf32, #tpu.memory_space<vmem>>, vector<8x256xf32>,
    } else {
    }
    %get3A_45 = arith.constant 0 : index
    %get3A_46 = arith.constant 0 : index
    %get3A_47 = vector.load %arg7[%get3A_45, %get3A_46] : memref<8x256xf32, #tpu.memory_space<vmem>>, vector<8x256xf32>
    %add3A_48 = arith.addf %get3A_47, %concatenate3A : vector<8x256xf32>
    %swap3A_49 = arith.constant 0 : index
    %swap3A_50 = arith.constant 0 : index
    %swap3A_51 = vector.load %arg7[%swap3A_49, %swap3A_50] : memref<8x256xf32, #tpu.memory_space<vmem>>, vector<8x256xf32>
    tpu.vector_store %arg7[%swap3A_49, %swap3A_50], %add3A_48 {strides = array<i32>} : memref<8x256xf32, #tpu.memory_space<vmem>>, vector<8x256xf32>,
    return
  }
  func.func @transform_0(%arg0: i32) -> (i32, i32) {
    %c0_i32 = arith.constant 0 : i32
    %c0_i32_0 = arith.constant 0 : i32
    return %arg0, %c0_i32 : i32, i32
  }
  func.func @transform_1(%arg0: i32) -> (i32, i32) {
    %c0_i32 = arith.constant 0 : i32
    %c0_i32_0 = arith.constant 0 : i32
    %c0_i32_1 = arith.constant 0 : i32
    return %c0_i32, %c0_i32_0 : i32, i32
  }
  func.func @transform_2(%arg0: i32) -> (i32, i32) {
    %c0_i32 = arith.constant 0 : i32
    %c0_i32_0 = arith.constant 0 : i32
    %c0_i32_1 = arith.constant 0 : i32
    return %c0_i32, %c0_i32_0 : i32, i32
  }
  func.func @transform_3(%arg0: i32) -> (i32, i32) {
    %c0_i32 = arith.constant 0 : i32
    %c0_i32_0 = arith.constant 0 : i32
    %c0_i32_1 = arith.constant 0 : i32
    return %c0_i32, %c0_i32_0 : i32, i32
  }
  func.func @transform_4(%arg0: i32) -> (i32, i32) {
    %c0_i32 = arith.constant 0 : i32
    %c0_i32_0 = arith.constant 0 : i32
    %c0_i32_1 = arith.constant 0 : i32
    return %c0_i32, %c0_i32_0 : i32, i32
  }
  func.func @transform_5(%arg0: i32) -> (i32, i32) {
    %c0_i32 = arith.constant 0 : i32
    %c0_i32_0 = arith.constant 0 : i32
    return %arg0, %c0_i32 : i32, i32
  }
  func.func @transform_6(%arg0: i32) -> (i32, i32) {
    %c0_i32 = arith.constant 0 : i32
    %c0_i32_0 = arith.constant 0 : i32
    %c0_i32_1 = arith.constant 0 : i32
    return %c0_i32, %c0_i32_0 : i32, i32
  }
}

module attributes {stable_mosaic.version = 14 : i64} {
  func.func @_norm_relu_kernel(%arg0: i32, %arg1: memref<2048x256xf32, #tpu.memory_space<vmem>>, %arg2: memref<8x256xf32, #tpu.memory_space<vmem>>, %arg3: memref<1x256xf32, #tpu.memory_space<vmem>>, %arg4: memref<1x256xf32, #tpu.memory_space<vmem>>, %arg5: memref<2048x256xf32, #tpu.memory_space<vmem>>) attributes {dimension_semantics = [#tpu.dimension_semantics<arbitrary>], iteration_bounds = array<i64: 1>, scalar_prefetch = 0 : i64, scratch_operands = 0 : i64, tpu.core_type = #tpu.core_type<tc>, window_params = [{transform_indices = @transform_0, window_bounds = array<i64: 2048, 256>}, {pipeline_mode = #tpu.pipeline_mode<synchronous>, transform_indices = @transform_1, window_bounds = array<i64: 8, 256>}, {pipeline_mode = #tpu.pipeline_mode<synchronous>, transform_indices = @transform_2, window_bounds = array<i64: 1, 256>}, {pipeline_mode = #tpu.pipeline_mode<synchronous>, transform_indices = @transform_3, window_bounds = array<i64: 1, 256>}, {transform_indices = @transform_4, window_bounds = array<i64: 2048, 256>}]} {
    %get3A = arith.constant 0 : index
    %get3A_0 = arith.constant 0 : index
    %get3A_1 = vector.load %arg2[%get3A, %get3A_0] : memref<8x256xf32, #tpu.memory_space<vmem>>, vector<1x256xf32>
    %div3A = arith.constant 2.048000e+03 : f32
    %div3A_2 = vector.broadcast %div3A : f32 to vector<1x256xf32>
    %div3A_3 = arith.divf %get3A_1, %div3A_2 : vector<1x256xf32>
    %get3A_4 = arith.constant 1 : index
    %get3A_5 = arith.constant 0 : index
    %get3A_6 = vector.load %arg2[%get3A_4, %get3A_5] : memref<8x256xf32, #tpu.memory_space<vmem>>, vector<1x256xf32>
    %div3A_7 = arith.constant 2.048000e+03 : f32
    %div3A_8 = vector.broadcast %div3A_7 : f32 to vector<1x256xf32>
    %div3A_9 = arith.divf %get3A_6, %div3A_8 : vector<1x256xf32>
    %mul3A = arith.mulf %div3A_3, %div3A_3 : vector<1x256xf32>
    %sub3A = arith.subf %div3A_9, %mul3A : vector<1x256xf32>
    %get3A_10 = arith.constant 0 : index
    %get3A_11 = arith.constant 0 : index
    %get3A_12 = vector.load %arg3[%get3A_10, %get3A_11] : memref<1x256xf32, #tpu.memory_space<vmem>>, vector<1x256xf32>
    %add3A = arith.constant 9.99999974E-6 : f32
    %add3A_13 = vector.broadcast %add3A : f32 to vector<1x256xf32>
    %add3A_14 = arith.addf %sub3A, %add3A_13 : vector<1x256xf32>
    %rsqrt3A = math.rsqrt %add3A_14 : vector<1x256xf32>
    %mul3A_15 = arith.mulf %get3A_12, %rsqrt3A : vector<1x256xf32>
    %get3A_16 = arith.constant 0 : index
    %get3A_17 = arith.constant 0 : index
    %get3A_18 = vector.load %arg4[%get3A_16, %get3A_17] : memref<1x256xf32, #tpu.memory_space<vmem>>, vector<1x256xf32>
    %mul3A_19 = arith.mulf %div3A_3, %mul3A_15 : vector<1x256xf32>
    %sub3A_20 = arith.subf %get3A_18, %mul3A_19 : vector<1x256xf32>
    %get3A_21 = arith.constant 0 : index
    %get3A_22 = arith.constant 0 : index
    %get3A_23 = vector.load %arg1[%get3A_21, %get3A_22] : memref<2048x256xf32, #tpu.memory_space<vmem>>, vector<2048x256xf32>
    %mul3A_24 = vector.broadcast %mul3A_15 : vector<1x256xf32> to vector<2048x256xf32>
    %mul3A_25 = arith.mulf %get3A_23, %mul3A_24 : vector<2048x256xf32>
    %add3A_26 = vector.broadcast %sub3A_20 : vector<1x256xf32> to vector<2048x256xf32>
    %add3A_27 = arith.addf %mul3A_25, %add3A_26 : vector<2048x256xf32>
    %max3A = arith.constant 0.000000e+00 : f32
    %max3A_28 = vector.broadcast %max3A : f32 to vector<2048x256xf32>
    %max3A_29 = arith.maximumf %add3A_27, %max3A_28 : vector<2048x256xf32>
    %swap3A = arith.constant 0 : index
    %swap3A_30 = arith.constant 0 : index
    %swap3A_31 = vector.load %arg5[%swap3A, %swap3A_30] : memref<2048x256xf32, #tpu.memory_space<vmem>>, vector<2048x256xf32>
    tpu.vector_store %arg5[%swap3A, %swap3A_30], %max3A_29 {strides = array<i32>} : memref<2048x256xf32, #tpu.memory_space<vmem>>, vector<2048x256xf32>,
    return
  }
  func.func @transform_0(%arg0: i32) -> (i32, i32) {
    %c0_i32 = arith.constant 0 : i32
    %c0_i32_0 = arith.constant 0 : i32
    return %arg0, %c0_i32 : i32, i32
  }
  func.func @transform_1(%arg0: i32) -> (i32, i32) {
    %c0_i32 = arith.constant 0 : i32
    %c0_i32_0 = arith.constant 0 : i32
    %c0_i32_1 = arith.constant 0 : i32
    return %c0_i32, %c0_i32_0 : i32, i32
  }
  func.func @transform_2(%arg0: i32) -> (i32, i32) {
    %c0_i32 = arith.constant 0 : i32
    %c0_i32_0 = arith.constant 0 : i32
    %c0_i32_1 = arith.constant 0 : i32
    return %c0_i32, %c0_i32_0 : i32, i32
  }
  func.func @transform_3(%arg0: i32) -> (i32, i32) {
    %c0_i32 = arith.constant 0 : i32
    %c0_i32_0 = arith.constant 0 : i32
    %c0_i32_1 = arith.constant 0 : i32
    return %c0_i32, %c0_i32_0 : i32, i32
  }
  func.func @transform_4(%arg0: i32) -> (i32, i32) {
    %c0_i32 = arith.constant 0 : i32
    %c0_i32_0 = arith.constant 0 : i32
    return %arg0, %c0_i32 : i32, i32
  }
}

module attributes {stable_mosaic.version = 14 : i64} {
  func.func @_lambda_(%arg0: i32, %arg1: memref<4096x320xf32, #tpu.memory_space<vmem>>, %arg2: memref<320x256xf32, #tpu.memory_space<vmem>>, %arg3: memref<4096x256xf32, #tpu.memory_space<vmem>>, %arg4: memref<8x256xf32, #tpu.memory_space<vmem>>) attributes {dimension_semantics = [#tpu.dimension_semantics<arbitrary>], iteration_bounds = array<i64: 1>, scalar_prefetch = 0 : i64, scratch_operands = 0 : i64, tpu.core_type = #tpu.core_type<tc>, window_params = [{transform_indices = @transform_0, window_bounds = array<i64: 4096, 320>}, {pipeline_mode = #tpu.pipeline_mode<synchronous>, transform_indices = @transform_1, window_bounds = array<i64: 320, 256>}, {transform_indices = @transform_2, window_bounds = array<i64: 4096, 256>}, {pipeline_mode = #tpu.pipeline_mode<synchronous>, transform_indices = @transform_3, window_bounds = array<i64: 8, 256>}]} {
    %get3A = arith.constant 0 : index
    %get3A_0 = arith.constant 0 : index
    %get3A_1 = vector.load %arg1[%get3A, %get3A_0] : memref<4096x320xf32, #tpu.memory_space<vmem>>, vector<4096x320xf32>
    %get3A_2 = arith.constant 0 : index
    %get3A_3 = arith.constant 0 : index
    %get3A_4 = vector.load %arg2[%get3A_2, %get3A_3] : memref<320x256xf32, #tpu.memory_space<vmem>>, vector<320x256xf32>
    %dot_general3A = arith.constant dense<0.000000e+00> : vector<4096x256xf32>
    %dot_general3A_5 = tpu.matmul %get3A_1, %get3A_4, %dot_general3A {dimension_numbers = #tpu.dot_dimension_numbers<[1], [0], [0], [1], [0, 0, 1, 1], [], []>, transpose_lhs_hint = false} : vector<4096x320xf32>, vector<320x256xf32>, vector<4096x256xf32> -> vector<4096x256xf32>
    %swap3A = arith.constant 0 : index
    %swap3A_6 = arith.constant 0 : index
    %swap3A_7 = vector.load %arg3[%swap3A, %swap3A_6] : memref<4096x256xf32, #tpu.memory_space<vmem>>, vector<4096x256xf32>
    tpu.vector_store %arg3[%swap3A, %swap3A_6], %dot_general3A_5 {strides = array<i32>} : memref<4096x256xf32, #tpu.memory_space<vmem>>, vector<4096x256xf32>,
    %reduce_sum3A = arith.constant dense<0.000000e+00> : vector<256xf32>
    %reduce_sum3A_8 = vector.multi_reduction <add>, %dot_general3A_5, %reduce_sum3A [0] : vector<4096x256xf32> to vector<256xf32>
    %broadcast_in_dim3A = vector.shape_cast %reduce_sum3A_8 : vector<256xf32> to vector<1x256xf32>
    %mul3A = arith.mulf %dot_general3A_5, %dot_general3A_5 : vector<4096x256xf32>
    %reduce_sum3A_9 = arith.constant dense<0.000000e+00> : vector<256xf32>
    %reduce_sum3A_10 = vector.multi_reduction <add>, %mul3A, %reduce_sum3A_9 [0] : vector<4096x256xf32> to vector<256xf32>
    %broadcast_in_dim3A_11 = vector.shape_cast %reduce_sum3A_10 : vector<256xf32> to vector<1x256xf32>
    %broadcast_in_dim3A_12 = arith.constant 0.000000e+00 : f32
    %broadcast_in_dim3A_13 = vector.broadcast %broadcast_in_dim3A_12 : f32 to vector<6x256xf32>
    %concatenate3A = tpu.concatenate %broadcast_in_dim3A, %broadcast_in_dim3A_11, %broadcast_in_dim3A_13 in 0 : vector<1x256xf32>, vector<1x256xf32>, vector<6x256xf32> -> vector<8x256xf32>
    %eq3A = arith.constant 0 : i32
    %eq3A_14 = arith.cmpi eq, %arg0, %eq3A : i32
    %convert_element_type3A = arith.extui %eq3A_14 : i1 to i32
    %cond3A = arith.constant 0 : i32
    %cond3A_15 = arith.cmpi ne, %convert_element_type3A, %cond3A : i32
    scf.if %cond3A_15 {
      %broadcast_in_dim3A_22 = arith.constant 0.000000e+00 : f32
      %broadcast_in_dim3A_23 = vector.broadcast %broadcast_in_dim3A_22 : f32 to vector<8x256xf32>
      %swap3A_24 = arith.constant 0 : index
      %swap3A_25 = arith.constant 0 : index
      %swap3A_26 = vector.load %arg4[%swap3A_24, %swap3A_25] : memref<8x256xf32, #tpu.memory_space<vmem>>, vector<8x256xf32>
      tpu.vector_store %arg4[%swap3A_24, %swap3A_25], %broadcast_in_dim3A_23 {strides = array<i32>} : memref<8x256xf32, #tpu.memory_space<vmem>>, vector<8x256xf32>,
    } else {
    }
    %get3A_16 = arith.constant 0 : index
    %get3A_17 = arith.constant 0 : index
    %get3A_18 = vector.load %arg4[%get3A_16, %get3A_17] : memref<8x256xf32, #tpu.memory_space<vmem>>, vector<8x256xf32>
    %add3A = arith.addf %get3A_18, %concatenate3A : vector<8x256xf32>
    %swap3A_19 = arith.constant 0 : index
    %swap3A_20 = arith.constant 0 : index
    %swap3A_21 = vector.load %arg4[%swap3A_19, %swap3A_20] : memref<8x256xf32, #tpu.memory_space<vmem>>, vector<8x256xf32>
    tpu.vector_store %arg4[%swap3A_19, %swap3A_20], %add3A {strides = array<i32>} : memref<8x256xf32, #tpu.memory_space<vmem>>, vector<8x256xf32>,
    return
  }
  func.func @transform_0(%arg0: i32) -> (i32, i32) {
    %c0_i32 = arith.constant 0 : i32
    %c0_i32_0 = arith.constant 0 : i32
    return %arg0, %c0_i32 : i32, i32
  }
  func.func @transform_1(%arg0: i32) -> (i32, i32) {
    %c0_i32 = arith.constant 0 : i32
    %c0_i32_0 = arith.constant 0 : i32
    %c0_i32_1 = arith.constant 0 : i32
    return %c0_i32, %c0_i32_0 : i32, i32
  }
  func.func @transform_2(%arg0: i32) -> (i32, i32) {
    %c0_i32 = arith.constant 0 : i32
    %c0_i32_0 = arith.constant 0 : i32
    return %arg0, %c0_i32 : i32, i32
  }
  func.func @transform_3(%arg0: i32) -> (i32, i32) {
    %c0_i32 = arith.constant 0 : i32
    %c0_i32_0 = arith.constant 0 : i32
    %c0_i32_1 = arith.constant 0 : i32
    return %c0_i32, %c0_i32_0 : i32, i32
  }
}

module attributes {stable_mosaic.version = 14 : i64} {
  func.func @kern(%arg0: i32, %arg1: memref<4096x256xf32, #tpu.memory_space<vmem>>, %arg2: memref<8x256xf32, #tpu.memory_space<vmem>>, %arg3: memref<1x256xf32, #tpu.memory_space<vmem>>, %arg4: memref<1x256xf32, #tpu.memory_space<vmem>>, %arg5: memref<256x128xf32, #tpu.memory_space<vmem>>, %arg6: memref<4096x128xf32, #tpu.memory_space<vmem>>, %arg7: memref<8x128xf32, #tpu.memory_space<vmem>>) attributes {dimension_semantics = [#tpu.dimension_semantics<arbitrary>], iteration_bounds = array<i64: 1>, scalar_prefetch = 0 : i64, scratch_operands = 0 : i64, tpu.core_type = #tpu.core_type<tc>, window_params = [{transform_indices = @transform_0, window_bounds = array<i64: 4096, 256>}, {pipeline_mode = #tpu.pipeline_mode<synchronous>, transform_indices = @transform_1, window_bounds = array<i64: 8, 256>}, {pipeline_mode = #tpu.pipeline_mode<synchronous>, transform_indices = @transform_2, window_bounds = array<i64: 1, 256>}, {pipeline_mode = #tpu.pipeline_mode<synchronous>, transform_indices = @transform_3, window_bounds = array<i64: 1, 256>}, {pipeline_mode = #tpu.pipeline_mode<synchronous>, transform_indices = @transform_4, window_bounds = array<i64: 256, 128>}, {transform_indices = @transform_5, window_bounds = array<i64: 4096, 128>}, {pipeline_mode = #tpu.pipeline_mode<synchronous>, transform_indices = @transform_6, window_bounds = array<i64: 8, 128>}]} {
    %get3A = arith.constant 0 : index
    %get3A_0 = arith.constant 0 : index
    %get3A_1 = vector.load %arg2[%get3A, %get3A_0] : memref<8x256xf32, #tpu.memory_space<vmem>>, vector<1x256xf32>
    %div3A = arith.constant 4.096000e+03 : f32
    %div3A_2 = vector.broadcast %div3A : f32 to vector<1x256xf32>
    %div3A_3 = arith.divf %get3A_1, %div3A_2 : vector<1x256xf32>
    %get3A_4 = arith.constant 1 : index
    %get3A_5 = arith.constant 0 : index
    %get3A_6 = vector.load %arg2[%get3A_4, %get3A_5] : memref<8x256xf32, #tpu.memory_space<vmem>>, vector<1x256xf32>
    %div3A_7 = arith.constant 4.096000e+03 : f32
    %div3A_8 = vector.broadcast %div3A_7 : f32 to vector<1x256xf32>
    %div3A_9 = arith.divf %get3A_6, %div3A_8 : vector<1x256xf32>
    %mul3A = arith.mulf %div3A_3, %div3A_3 : vector<1x256xf32>
    %sub3A = arith.subf %div3A_9, %mul3A : vector<1x256xf32>
    %get3A_10 = arith.constant 0 : index
    %get3A_11 = arith.constant 0 : index
    %get3A_12 = vector.load %arg3[%get3A_10, %get3A_11] : memref<1x256xf32, #tpu.memory_space<vmem>>, vector<1x256xf32>
    %add3A = arith.constant 9.99999974E-6 : f32
    %add3A_13 = vector.broadcast %add3A : f32 to vector<1x256xf32>
    %add3A_14 = arith.addf %sub3A, %add3A_13 : vector<1x256xf32>
    %rsqrt3A = math.rsqrt %add3A_14 : vector<1x256xf32>
    %mul3A_15 = arith.mulf %get3A_12, %rsqrt3A : vector<1x256xf32>
    %get3A_16 = arith.constant 0 : index
    %get3A_17 = arith.constant 0 : index
    %get3A_18 = vector.load %arg4[%get3A_16, %get3A_17] : memref<1x256xf32, #tpu.memory_space<vmem>>, vector<1x256xf32>
    %mul3A_19 = arith.mulf %div3A_3, %mul3A_15 : vector<1x256xf32>
    %sub3A_20 = arith.subf %get3A_18, %mul3A_19 : vector<1x256xf32>
    %get3A_21 = arith.constant 0 : index
    %get3A_22 = arith.constant 0 : index
    %get3A_23 = vector.load %arg1[%get3A_21, %get3A_22] : memref<4096x256xf32, #tpu.memory_space<vmem>>, vector<4096x256xf32>
    %mul3A_24 = vector.broadcast %mul3A_15 : vector<1x256xf32> to vector<4096x256xf32>
    %mul3A_25 = arith.mulf %get3A_23, %mul3A_24 : vector<4096x256xf32>
    %add3A_26 = vector.broadcast %sub3A_20 : vector<1x256xf32> to vector<4096x256xf32>
    %add3A_27 = arith.addf %mul3A_25, %add3A_26 : vector<4096x256xf32>
    %max3A = arith.constant 0.000000e+00 : f32
    %max3A_28 = vector.broadcast %max3A : f32 to vector<4096x256xf32>
    %max3A_29 = arith.maximumf %add3A_27, %max3A_28 : vector<4096x256xf32>
    %get3A_30 = arith.constant 0 : index
    %get3A_31 = arith.constant 0 : index
    %get3A_32 = vector.load %arg5[%get3A_30, %get3A_31] : memref<256x128xf32, #tpu.memory_space<vmem>>, vector<256x128xf32>
    %dot_general3A = arith.constant dense<0.000000e+00> : vector<4096x128xf32>
    %dot_general3A_33 = tpu.matmul %max3A_29, %get3A_32, %dot_general3A {dimension_numbers = #tpu.dot_dimension_numbers<[1], [0], [0], [1], [0, 0, 1, 1], [], []>, transpose_lhs_hint = false} : vector<4096x256xf32>, vector<256x128xf32>, vector<4096x128xf32> -> vector<4096x128xf32>
    %swap3A = arith.constant 0 : index
    %swap3A_34 = arith.constant 0 : index
    %swap3A_35 = vector.load %arg6[%swap3A, %swap3A_34] : memref<4096x128xf32, #tpu.memory_space<vmem>>, vector<4096x128xf32>
    tpu.vector_store %arg6[%swap3A, %swap3A_34], %dot_general3A_33 {strides = array<i32>} : memref<4096x128xf32, #tpu.memory_space<vmem>>, vector<4096x128xf32>,
    %reduce_sum3A = arith.constant dense<0.000000e+00> : vector<128xf32>
    %reduce_sum3A_36 = vector.multi_reduction <add>, %dot_general3A_33, %reduce_sum3A [0] : vector<4096x128xf32> to vector<128xf32>
    %broadcast_in_dim3A = vector.shape_cast %reduce_sum3A_36 : vector<128xf32> to vector<1x128xf32>
    %mul3A_37 = arith.mulf %dot_general3A_33, %dot_general3A_33 : vector<4096x128xf32>
    %reduce_sum3A_38 = arith.constant dense<0.000000e+00> : vector<128xf32>
    %reduce_sum3A_39 = vector.multi_reduction <add>, %mul3A_37, %reduce_sum3A_38 [0] : vector<4096x128xf32> to vector<128xf32>
    %broadcast_in_dim3A_40 = vector.shape_cast %reduce_sum3A_39 : vector<128xf32> to vector<1x128xf32>
    %broadcast_in_dim3A_41 = arith.constant 0.000000e+00 : f32
    %broadcast_in_dim3A_42 = vector.broadcast %broadcast_in_dim3A_41 : f32 to vector<6x128xf32>
    %concatenate3A = tpu.concatenate %broadcast_in_dim3A, %broadcast_in_dim3A_40, %broadcast_in_dim3A_42 in 0 : vector<1x128xf32>, vector<1x128xf32>, vector<6x128xf32> -> vector<8x128xf32>
    %eq3A = arith.constant 0 : i32
    %eq3A_43 = arith.cmpi eq, %arg0, %eq3A : i32
    %convert_element_type3A = arith.extui %eq3A_43 : i1 to i32
    %cond3A = arith.constant 0 : i32
    %cond3A_44 = arith.cmpi ne, %convert_element_type3A, %cond3A : i32
    scf.if %cond3A_44 {
      %broadcast_in_dim3A_52 = arith.constant 0.000000e+00 : f32
      %broadcast_in_dim3A_53 = vector.broadcast %broadcast_in_dim3A_52 : f32 to vector<8x128xf32>
      %swap3A_54 = arith.constant 0 : index
      %swap3A_55 = arith.constant 0 : index
      %swap3A_56 = vector.load %arg7[%swap3A_54, %swap3A_55] : memref<8x128xf32, #tpu.memory_space<vmem>>, vector<8x128xf32>
      tpu.vector_store %arg7[%swap3A_54, %swap3A_55], %broadcast_in_dim3A_53 {strides = array<i32>} : memref<8x128xf32, #tpu.memory_space<vmem>>, vector<8x128xf32>,
    } else {
    }
    %get3A_45 = arith.constant 0 : index
    %get3A_46 = arith.constant 0 : index
    %get3A_47 = vector.load %arg7[%get3A_45, %get3A_46] : memref<8x128xf32, #tpu.memory_space<vmem>>, vector<8x128xf32>
    %add3A_48 = arith.addf %get3A_47, %concatenate3A : vector<8x128xf32>
    %swap3A_49 = arith.constant 0 : index
    %swap3A_50 = arith.constant 0 : index
    %swap3A_51 = vector.load %arg7[%swap3A_49, %swap3A_50] : memref<8x128xf32, #tpu.memory_space<vmem>>, vector<8x128xf32>
    tpu.vector_store %arg7[%swap3A_49, %swap3A_50], %add3A_48 {strides = array<i32>} : memref<8x128xf32, #tpu.memory_space<vmem>>, vector<8x128xf32>,
    return
  }
  func.func @transform_0(%arg0: i32) -> (i32, i32) {
    %c0_i32 = arith.constant 0 : i32
    %c0_i32_0 = arith.constant 0 : i32
    return %arg0, %c0_i32 : i32, i32
  }
  func.func @transform_1(%arg0: i32) -> (i32, i32) {
    %c0_i32 = arith.constant 0 : i32
    %c0_i32_0 = arith.constant 0 : i32
    %c0_i32_1 = arith.constant 0 : i32
    return %c0_i32, %c0_i32_0 : i32, i32
  }
  func.func @transform_2(%arg0: i32) -> (i32, i32) {
    %c0_i32 = arith.constant 0 : i32
    %c0_i32_0 = arith.constant 0 : i32
    %c0_i32_1 = arith.constant 0 : i32
    return %c0_i32, %c0_i32_0 : i32, i32
  }
  func.func @transform_3(%arg0: i32) -> (i32, i32) {
    %c0_i32 = arith.constant 0 : i32
    %c0_i32_0 = arith.constant 0 : i32
    %c0_i32_1 = arith.constant 0 : i32
    return %c0_i32, %c0_i32_0 : i32, i32
  }
  func.func @transform_4(%arg0: i32) -> (i32, i32) {
    %c0_i32 = arith.constant 0 : i32
    %c0_i32_0 = arith.constant 0 : i32
    %c0_i32_1 = arith.constant 0 : i32
    return %c0_i32, %c0_i32_0 : i32, i32
  }
  func.func @transform_5(%arg0: i32) -> (i32, i32) {
    %c0_i32 = arith.constant 0 : i32
    %c0_i32_0 = arith.constant 0 : i32
    return %arg0, %c0_i32 : i32, i32
  }
  func.func @transform_6(%arg0: i32) -> (i32, i32) {
    %c0_i32 = arith.constant 0 : i32
    %c0_i32_0 = arith.constant 0 : i32
    %c0_i32_1 = arith.constant 0 : i32
    return %c0_i32, %c0_i32_0 : i32, i32
  }
}

module attributes {stable_mosaic.version = 14 : i64} {
  func.func @_norm_relu_kernel(%arg0: i32, %arg1: memref<4096x128xf32, #tpu.memory_space<vmem>>, %arg2: memref<8x128xf32, #tpu.memory_space<vmem>>, %arg3: memref<1x128xf32, #tpu.memory_space<vmem>>, %arg4: memref<1x128xf32, #tpu.memory_space<vmem>>, %arg5: memref<4096x128xf32, #tpu.memory_space<vmem>>) attributes {dimension_semantics = [#tpu.dimension_semantics<arbitrary>], iteration_bounds = array<i64: 1>, scalar_prefetch = 0 : i64, scratch_operands = 0 : i64, tpu.core_type = #tpu.core_type<tc>, window_params = [{transform_indices = @transform_0, window_bounds = array<i64: 4096, 128>}, {pipeline_mode = #tpu.pipeline_mode<synchronous>, transform_indices = @transform_1, window_bounds = array<i64: 8, 128>}, {pipeline_mode = #tpu.pipeline_mode<synchronous>, transform_indices = @transform_2, window_bounds = array<i64: 1, 128>}, {pipeline_mode = #tpu.pipeline_mode<synchronous>, transform_indices = @transform_3, window_bounds = array<i64: 1, 128>}, {transform_indices = @transform_4, window_bounds = array<i64: 4096, 128>}]} {
    %get3A = arith.constant 0 : index
    %get3A_0 = arith.constant 0 : index
    %get3A_1 = vector.load %arg2[%get3A, %get3A_0] : memref<8x128xf32, #tpu.memory_space<vmem>>, vector<1x128xf32>
    %div3A = arith.constant 4.096000e+03 : f32
    %div3A_2 = vector.broadcast %div3A : f32 to vector<1x128xf32>
    %div3A_3 = arith.divf %get3A_1, %div3A_2 : vector<1x128xf32>
    %get3A_4 = arith.constant 1 : index
    %get3A_5 = arith.constant 0 : index
    %get3A_6 = vector.load %arg2[%get3A_4, %get3A_5] : memref<8x128xf32, #tpu.memory_space<vmem>>, vector<1x128xf32>
    %div3A_7 = arith.constant 4.096000e+03 : f32
    %div3A_8 = vector.broadcast %div3A_7 : f32 to vector<1x128xf32>
    %div3A_9 = arith.divf %get3A_6, %div3A_8 : vector<1x128xf32>
    %mul3A = arith.mulf %div3A_3, %div3A_3 : vector<1x128xf32>
    %sub3A = arith.subf %div3A_9, %mul3A : vector<1x128xf32>
    %get3A_10 = arith.constant 0 : index
    %get3A_11 = arith.constant 0 : index
    %get3A_12 = vector.load %arg3[%get3A_10, %get3A_11] : memref<1x128xf32, #tpu.memory_space<vmem>>, vector<1x128xf32>
    %add3A = arith.constant 9.99999974E-6 : f32
    %add3A_13 = vector.broadcast %add3A : f32 to vector<1x128xf32>
    %add3A_14 = arith.addf %sub3A, %add3A_13 : vector<1x128xf32>
    %rsqrt3A = math.rsqrt %add3A_14 : vector<1x128xf32>
    %mul3A_15 = arith.mulf %get3A_12, %rsqrt3A : vector<1x128xf32>
    %get3A_16 = arith.constant 0 : index
    %get3A_17 = arith.constant 0 : index
    %get3A_18 = vector.load %arg4[%get3A_16, %get3A_17] : memref<1x128xf32, #tpu.memory_space<vmem>>, vector<1x128xf32>
    %mul3A_19 = arith.mulf %div3A_3, %mul3A_15 : vector<1x128xf32>
    %sub3A_20 = arith.subf %get3A_18, %mul3A_19 : vector<1x128xf32>
    %get3A_21 = arith.constant 0 : index
    %get3A_22 = arith.constant 0 : index
    %get3A_23 = vector.load %arg1[%get3A_21, %get3A_22] : memref<4096x128xf32, #tpu.memory_space<vmem>>, vector<4096x128xf32>
    %mul3A_24 = vector.broadcast %mul3A_15 : vector<1x128xf32> to vector<4096x128xf32>
    %mul3A_25 = arith.mulf %get3A_23, %mul3A_24 : vector<4096x128xf32>
    %add3A_26 = vector.broadcast %sub3A_20 : vector<1x128xf32> to vector<4096x128xf32>
    %add3A_27 = arith.addf %mul3A_25, %add3A_26 : vector<4096x128xf32>
    %max3A = arith.constant 0.000000e+00 : f32
    %max3A_28 = vector.broadcast %max3A : f32 to vector<4096x128xf32>
    %max3A_29 = arith.maximumf %add3A_27, %max3A_28 : vector<4096x128xf32>
    %swap3A = arith.constant 0 : index
    %swap3A_30 = arith.constant 0 : index
    %swap3A_31 = vector.load %arg5[%swap3A, %swap3A_30] : memref<4096x128xf32, #tpu.memory_space<vmem>>, vector<4096x128xf32>
    tpu.vector_store %arg5[%swap3A, %swap3A_30], %max3A_29 {strides = array<i32>} : memref<4096x128xf32, #tpu.memory_space<vmem>>, vector<4096x128xf32>,
    return
  }
  func.func @transform_0(%arg0: i32) -> (i32, i32) {
    %c0_i32 = arith.constant 0 : i32
    %c0_i32_0 = arith.constant 0 : i32
    return %arg0, %c0_i32 : i32, i32
  }
  func.func @transform_1(%arg0: i32) -> (i32, i32) {
    %c0_i32 = arith.constant 0 : i32
    %c0_i32_0 = arith.constant 0 : i32
    %c0_i32_1 = arith.constant 0 : i32
    return %c0_i32, %c0_i32_0 : i32, i32
  }
  func.func @transform_2(%arg0: i32) -> (i32, i32) {
    %c0_i32 = arith.constant 0 : i32
    %c0_i32_0 = arith.constant 0 : i32
    %c0_i32_1 = arith.constant 0 : i32
    return %c0_i32, %c0_i32_0 : i32, i32
  }
  func.func @transform_3(%arg0: i32) -> (i32, i32) {
    %c0_i32 = arith.constant 0 : i32
    %c0_i32_0 = arith.constant 0 : i32
    %c0_i32_1 = arith.constant 0 : i32
    return %c0_i32, %c0_i32_0 : i32, i32
  }
  func.func @transform_4(%arg0: i32) -> (i32, i32) {
    %c0_i32 = arith.constant 0 : i32
    %c0_i32_0 = arith.constant 0 : i32
    return %arg0, %c0_i32 : i32, i32
  }
}

module attributes {stable_mosaic.version = 14 : i64} {
  func.func @_lambda_(%arg0: i32, %arg1: memref<4096x131xf32, #tpu.memory_space<vmem>>, %arg2: memref<131x128xf32, #tpu.memory_space<vmem>>, %arg3: memref<4096x128xf32, #tpu.memory_space<vmem>>, %arg4: memref<8x128xf32, #tpu.memory_space<vmem>>) attributes {dimension_semantics = [#tpu.dimension_semantics<arbitrary>], iteration_bounds = array<i64: 8>, scalar_prefetch = 0 : i64, scratch_operands = 0 : i64, tpu.core_type = #tpu.core_type<tc>, window_params = [{transform_indices = @transform_0, window_bounds = array<i64: 4096, 131>}, {pipeline_mode = #tpu.pipeline_mode<synchronous>, transform_indices = @transform_1, window_bounds = array<i64: 131, 128>}, {transform_indices = @transform_2, window_bounds = array<i64: 4096, 128>}, {pipeline_mode = #tpu.pipeline_mode<synchronous>, transform_indices = @transform_3, window_bounds = array<i64: 8, 128>}]} {
    %get3A = arith.constant 0 : index
    %get3A_0 = arith.constant 0 : index
    %get3A_1 = vector.load %arg1[%get3A, %get3A_0] : memref<4096x131xf32, #tpu.memory_space<vmem>>, vector<4096x131xf32>
    %get3A_2 = arith.constant 0 : index
    %get3A_3 = arith.constant 0 : index
    %get3A_4 = vector.load %arg2[%get3A_2, %get3A_3] : memref<131x128xf32, #tpu.memory_space<vmem>>, vector<131x128xf32>
    %dot_general3A = arith.constant dense<0.000000e+00> : vector<4096x128xf32>
    %dot_general3A_5 = tpu.matmul %get3A_1, %get3A_4, %dot_general3A {dimension_numbers = #tpu.dot_dimension_numbers<[1], [0], [0], [1], [0, 0, 1, 1], [], []>, transpose_lhs_hint = false} : vector<4096x131xf32>, vector<131x128xf32>, vector<4096x128xf32> -> vector<4096x128xf32>
    %swap3A = arith.constant 0 : index
    %swap3A_6 = arith.constant 0 : index
    %swap3A_7 = vector.load %arg3[%swap3A, %swap3A_6] : memref<4096x128xf32, #tpu.memory_space<vmem>>, vector<4096x128xf32>
    tpu.vector_store %arg3[%swap3A, %swap3A_6], %dot_general3A_5 {strides = array<i32>} : memref<4096x128xf32, #tpu.memory_space<vmem>>, vector<4096x128xf32>,
    %reduce_sum3A = arith.constant dense<0.000000e+00> : vector<128xf32>
    %reduce_sum3A_8 = vector.multi_reduction <add>, %dot_general3A_5, %reduce_sum3A [0] : vector<4096x128xf32> to vector<128xf32>
    %broadcast_in_dim3A = vector.shape_cast %reduce_sum3A_8 : vector<128xf32> to vector<1x128xf32>
    %mul3A = arith.mulf %dot_general3A_5, %dot_general3A_5 : vector<4096x128xf32>
    %reduce_sum3A_9 = arith.constant dense<0.000000e+00> : vector<128xf32>
    %reduce_sum3A_10 = vector.multi_reduction <add>, %mul3A, %reduce_sum3A_9 [0] : vector<4096x128xf32> to vector<128xf32>
    %broadcast_in_dim3A_11 = vector.shape_cast %reduce_sum3A_10 : vector<128xf32> to vector<1x128xf32>
    %broadcast_in_dim3A_12 = arith.constant 0.000000e+00 : f32
    %broadcast_in_dim3A_13 = vector.broadcast %broadcast_in_dim3A_12 : f32 to vector<6x128xf32>
    %concatenate3A = tpu.concatenate %broadcast_in_dim3A, %broadcast_in_dim3A_11, %broadcast_in_dim3A_13 in 0 : vector<1x128xf32>, vector<1x128xf32>, vector<6x128xf32> -> vector<8x128xf32>
    %eq3A = arith.constant 0 : i32
    %eq3A_14 = arith.cmpi eq, %arg0, %eq3A : i32
    %convert_element_type3A = arith.extui %eq3A_14 : i1 to i32
    %cond3A = arith.constant 0 : i32
    %cond3A_15 = arith.cmpi ne, %convert_element_type3A, %cond3A : i32
    scf.if %cond3A_15 {
      %broadcast_in_dim3A_22 = arith.constant 0.000000e+00 : f32
      %broadcast_in_dim3A_23 = vector.broadcast %broadcast_in_dim3A_22 : f32 to vector<8x128xf32>
      %swap3A_24 = arith.constant 0 : index
      %swap3A_25 = arith.constant 0 : index
      %swap3A_26 = vector.load %arg4[%swap3A_24, %swap3A_25] : memref<8x128xf32, #tpu.memory_space<vmem>>, vector<8x128xf32>
      tpu.vector_store %arg4[%swap3A_24, %swap3A_25], %broadcast_in_dim3A_23 {strides = array<i32>} : memref<8x128xf32, #tpu.memory_space<vmem>>, vector<8x128xf32>,
    } else {
    }
    %get3A_16 = arith.constant 0 : index
    %get3A_17 = arith.constant 0 : index
    %get3A_18 = vector.load %arg4[%get3A_16, %get3A_17] : memref<8x128xf32, #tpu.memory_space<vmem>>, vector<8x128xf32>
    %add3A = arith.addf %get3A_18, %concatenate3A : vector<8x128xf32>
    %swap3A_19 = arith.constant 0 : index
    %swap3A_20 = arith.constant 0 : index
    %swap3A_21 = vector.load %arg4[%swap3A_19, %swap3A_20] : memref<8x128xf32, #tpu.memory_space<vmem>>, vector<8x128xf32>
    tpu.vector_store %arg4[%swap3A_19, %swap3A_20], %add3A {strides = array<i32>} : memref<8x128xf32, #tpu.memory_space<vmem>>, vector<8x128xf32>,
    return
  }
  func.func @transform_0(%arg0: i32) -> (i32, i32) {
    %c0_i32 = arith.constant 0 : i32
    %c0_i32_0 = arith.constant 0 : i32
    return %arg0, %c0_i32 : i32, i32
  }
  func.func @transform_1(%arg0: i32) -> (i32, i32) {
    %c0_i32 = arith.constant 0 : i32
    %c0_i32_0 = arith.constant 0 : i32
    %c0_i32_1 = arith.constant 0 : i32
    return %c0_i32, %c0_i32_0 : i32, i32
  }
  func.func @transform_2(%arg0: i32) -> (i32, i32) {
    %c0_i32 = arith.constant 0 : i32
    %c0_i32_0 = arith.constant 0 : i32
    return %arg0, %c0_i32 : i32, i32
  }
  func.func @transform_3(%arg0: i32) -> (i32, i32) {
    %c0_i32 = arith.constant 0 : i32
    %c0_i32_0 = arith.constant 0 : i32
    %c0_i32_1 = arith.constant 0 : i32
    return %c0_i32, %c0_i32_0 : i32, i32
  }
}

module attributes {stable_mosaic.version = 14 : i64} {
  func.func @kern(%arg0: i32, %arg1: memref<4096x128xf32, #tpu.memory_space<vmem>>, %arg2: memref<8x128xf32, #tpu.memory_space<vmem>>, %arg3: memref<1x128xf32, #tpu.memory_space<vmem>>, %arg4: memref<1x128xf32, #tpu.memory_space<vmem>>, %arg5: memref<128x128xf32, #tpu.memory_space<vmem>>, %arg6: memref<4096x128xf32, #tpu.memory_space<vmem>>, %arg7: memref<8x128xf32, #tpu.memory_space<vmem>>) attributes {dimension_semantics = [#tpu.dimension_semantics<arbitrary>], iteration_bounds = array<i64: 8>, scalar_prefetch = 0 : i64, scratch_operands = 0 : i64, tpu.core_type = #tpu.core_type<tc>, window_params = [{transform_indices = @transform_0, window_bounds = array<i64: 4096, 128>}, {pipeline_mode = #tpu.pipeline_mode<synchronous>, transform_indices = @transform_1, window_bounds = array<i64: 8, 128>}, {pipeline_mode = #tpu.pipeline_mode<synchronous>, transform_indices = @transform_2, window_bounds = array<i64: 1, 128>}, {pipeline_mode = #tpu.pipeline_mode<synchronous>, transform_indices = @transform_3, window_bounds = array<i64: 1, 128>}, {pipeline_mode = #tpu.pipeline_mode<synchronous>, transform_indices = @transform_4, window_bounds = array<i64: 128, 128>}, {transform_indices = @transform_5, window_bounds = array<i64: 4096, 128>}, {pipeline_mode = #tpu.pipeline_mode<synchronous>, transform_indices = @transform_6, window_bounds = array<i64: 8, 128>}]} {
    %get3A = arith.constant 0 : index
    %get3A_0 = arith.constant 0 : index
    %get3A_1 = vector.load %arg2[%get3A, %get3A_0] : memref<8x128xf32, #tpu.memory_space<vmem>>, vector<1x128xf32>
    %div3A = arith.constant 3.276800e+04 : f32
    %div3A_2 = vector.broadcast %div3A : f32 to vector<1x128xf32>
    %div3A_3 = arith.divf %get3A_1, %div3A_2 : vector<1x128xf32>
    %get3A_4 = arith.constant 1 : index
    %get3A_5 = arith.constant 0 : index
    %get3A_6 = vector.load %arg2[%get3A_4, %get3A_5] : memref<8x128xf32, #tpu.memory_space<vmem>>, vector<1x128xf32>
    %div3A_7 = arith.constant 3.276800e+04 : f32
    %div3A_8 = vector.broadcast %div3A_7 : f32 to vector<1x128xf32>
    %div3A_9 = arith.divf %get3A_6, %div3A_8 : vector<1x128xf32>
    %mul3A = arith.mulf %div3A_3, %div3A_3 : vector<1x128xf32>
    %sub3A = arith.subf %div3A_9, %mul3A : vector<1x128xf32>
    %get3A_10 = arith.constant 0 : index
    %get3A_11 = arith.constant 0 : index
    %get3A_12 = vector.load %arg3[%get3A_10, %get3A_11] : memref<1x128xf32, #tpu.memory_space<vmem>>, vector<1x128xf32>
    %add3A = arith.constant 9.99999974E-6 : f32
    %add3A_13 = vector.broadcast %add3A : f32 to vector<1x128xf32>
    %add3A_14 = arith.addf %sub3A, %add3A_13 : vector<1x128xf32>
    %rsqrt3A = math.rsqrt %add3A_14 : vector<1x128xf32>
    %mul3A_15 = arith.mulf %get3A_12, %rsqrt3A : vector<1x128xf32>
    %get3A_16 = arith.constant 0 : index
    %get3A_17 = arith.constant 0 : index
    %get3A_18 = vector.load %arg4[%get3A_16, %get3A_17] : memref<1x128xf32, #tpu.memory_space<vmem>>, vector<1x128xf32>
    %mul3A_19 = arith.mulf %div3A_3, %mul3A_15 : vector<1x128xf32>
    %sub3A_20 = arith.subf %get3A_18, %mul3A_19 : vector<1x128xf32>
    %get3A_21 = arith.constant 0 : index
    %get3A_22 = arith.constant 0 : index
    %get3A_23 = vector.load %arg1[%get3A_21, %get3A_22] : memref<4096x128xf32, #tpu.memory_space<vmem>>, vector<4096x128xf32>
    %mul3A_24 = vector.broadcast %mul3A_15 : vector<1x128xf32> to vector<4096x128xf32>
    %mul3A_25 = arith.mulf %get3A_23, %mul3A_24 : vector<4096x128xf32>
    %add3A_26 = vector.broadcast %sub3A_20 : vector<1x128xf32> to vector<4096x128xf32>
    %add3A_27 = arith.addf %mul3A_25, %add3A_26 : vector<4096x128xf32>
    %max3A = arith.constant 0.000000e+00 : f32
    %max3A_28 = vector.broadcast %max3A : f32 to vector<4096x128xf32>
    %max3A_29 = arith.maximumf %add3A_27, %max3A_28 : vector<4096x128xf32>
    %get3A_30 = arith.constant 0 : index
    %get3A_31 = arith.constant 0 : index
    %get3A_32 = vector.load %arg5[%get3A_30, %get3A_31] : memref<128x128xf32, #tpu.memory_space<vmem>>, vector<128x128xf32>
    %dot_general3A = arith.constant dense<0.000000e+00> : vector<4096x128xf32>
    %dot_general3A_33 = tpu.matmul %max3A_29, %get3A_32, %dot_general3A {dimension_numbers = #tpu.dot_dimension_numbers<[1], [0], [0], [1], [0, 0, 1, 1], [], []>, transpose_lhs_hint = false} : vector<4096x128xf32>, vector<128x128xf32>, vector<4096x128xf32> -> vector<4096x128xf32>
    %swap3A = arith.constant 0 : index
    %swap3A_34 = arith.constant 0 : index
    %swap3A_35 = vector.load %arg6[%swap3A, %swap3A_34] : memref<4096x128xf32, #tpu.memory_space<vmem>>, vector<4096x128xf32>
    tpu.vector_store %arg6[%swap3A, %swap3A_34], %dot_general3A_33 {strides = array<i32>} : memref<4096x128xf32, #tpu.memory_space<vmem>>, vector<4096x128xf32>,
    %reduce_sum3A = arith.constant dense<0.000000e+00> : vector<128xf32>
    %reduce_sum3A_36 = vector.multi_reduction <add>, %dot_general3A_33, %reduce_sum3A [0] : vector<4096x128xf32> to vector<128xf32>
    %broadcast_in_dim3A = vector.shape_cast %reduce_sum3A_36 : vector<128xf32> to vector<1x128xf32>
    %mul3A_37 = arith.mulf %dot_general3A_33, %dot_general3A_33 : vector<4096x128xf32>
    %reduce_sum3A_38 = arith.constant dense<0.000000e+00> : vector<128xf32>
    %reduce_sum3A_39 = vector.multi_reduction <add>, %mul3A_37, %reduce_sum3A_38 [0] : vector<4096x128xf32> to vector<128xf32>
    %broadcast_in_dim3A_40 = vector.shape_cast %reduce_sum3A_39 : vector<128xf32> to vector<1x128xf32>
    %broadcast_in_dim3A_41 = arith.constant 0.000000e+00 : f32
    %broadcast_in_dim3A_42 = vector.broadcast %broadcast_in_dim3A_41 : f32 to vector<6x128xf32>
    %concatenate3A = tpu.concatenate %broadcast_in_dim3A, %broadcast_in_dim3A_40, %broadcast_in_dim3A_42 in 0 : vector<1x128xf32>, vector<1x128xf32>, vector<6x128xf32> -> vector<8x128xf32>
    %eq3A = arith.constant 0 : i32
    %eq3A_43 = arith.cmpi eq, %arg0, %eq3A : i32
    %convert_element_type3A = arith.extui %eq3A_43 : i1 to i32
    %cond3A = arith.constant 0 : i32
    %cond3A_44 = arith.cmpi ne, %convert_element_type3A, %cond3A : i32
    scf.if %cond3A_44 {
      %broadcast_in_dim3A_52 = arith.constant 0.000000e+00 : f32
      %broadcast_in_dim3A_53 = vector.broadcast %broadcast_in_dim3A_52 : f32 to vector<8x128xf32>
      %swap3A_54 = arith.constant 0 : index
      %swap3A_55 = arith.constant 0 : index
      %swap3A_56 = vector.load %arg7[%swap3A_54, %swap3A_55] : memref<8x128xf32, #tpu.memory_space<vmem>>, vector<8x128xf32>
      tpu.vector_store %arg7[%swap3A_54, %swap3A_55], %broadcast_in_dim3A_53 {strides = array<i32>} : memref<8x128xf32, #tpu.memory_space<vmem>>, vector<8x128xf32>,
    } else {
    }
    %get3A_45 = arith.constant 0 : index
    %get3A_46 = arith.constant 0 : index
    %get3A_47 = vector.load %arg7[%get3A_45, %get3A_46] : memref<8x128xf32, #tpu.memory_space<vmem>>, vector<8x128xf32>
    %add3A_48 = arith.addf %get3A_47, %concatenate3A : vector<8x128xf32>
    %swap3A_49 = arith.constant 0 : index
    %swap3A_50 = arith.constant 0 : index
    %swap3A_51 = vector.load %arg7[%swap3A_49, %swap3A_50] : memref<8x128xf32, #tpu.memory_space<vmem>>, vector<8x128xf32>
    tpu.vector_store %arg7[%swap3A_49, %swap3A_50], %add3A_48 {strides = array<i32>} : memref<8x128xf32, #tpu.memory_space<vmem>>, vector<8x128xf32>,
    return
  }
  func.func @transform_0(%arg0: i32) -> (i32, i32) {
    %c0_i32 = arith.constant 0 : i32
    %c0_i32_0 = arith.constant 0 : i32
    return %arg0, %c0_i32 : i32, i32
  }
  func.func @transform_1(%arg0: i32) -> (i32, i32) {
    %c0_i32 = arith.constant 0 : i32
    %c0_i32_0 = arith.constant 0 : i32
    %c0_i32_1 = arith.constant 0 : i32
    return %c0_i32, %c0_i32_0 : i32, i32
  }
  func.func @transform_2(%arg0: i32) -> (i32, i32) {
    %c0_i32 = arith.constant 0 : i32
    %c0_i32_0 = arith.constant 0 : i32
    %c0_i32_1 = arith.constant 0 : i32
    return %c0_i32, %c0_i32_0 : i32, i32
  }
  func.func @transform_3(%arg0: i32) -> (i32, i32) {
    %c0_i32 = arith.constant 0 : i32
    %c0_i32_0 = arith.constant 0 : i32
    %c0_i32_1 = arith.constant 0 : i32
    return %c0_i32, %c0_i32_0 : i32, i32
  }
  func.func @transform_4(%arg0: i32) -> (i32, i32) {
    %c0_i32 = arith.constant 0 : i32
    %c0_i32_0 = arith.constant 0 : i32
    %c0_i32_1 = arith.constant 0 : i32
    return %c0_i32, %c0_i32_0 : i32, i32
  }
  func.func @transform_5(%arg0: i32) -> (i32, i32) {
    %c0_i32 = arith.constant 0 : i32
    %c0_i32_0 = arith.constant 0 : i32
    return %arg0, %c0_i32 : i32, i32
  }
  func.func @transform_6(%arg0: i32) -> (i32, i32) {
    %c0_i32 = arith.constant 0 : i32
    %c0_i32_0 = arith.constant 0 : i32
    %c0_i32_1 = arith.constant 0 : i32
    return %c0_i32, %c0_i32_0 : i32, i32
  }
}

module attributes {stable_mosaic.version = 14 : i64} {
  func.func @_norm_relu_kernel(%arg0: i32, %arg1: memref<4096x128xf32, #tpu.memory_space<vmem>>, %arg2: memref<8x128xf32, #tpu.memory_space<vmem>>, %arg3: memref<1x128xf32, #tpu.memory_space<vmem>>, %arg4: memref<1x128xf32, #tpu.memory_space<vmem>>, %arg5: memref<4096x128xf32, #tpu.memory_space<vmem>>) attributes {dimension_semantics = [#tpu.dimension_semantics<arbitrary>], iteration_bounds = array<i64: 8>, scalar_prefetch = 0 : i64, scratch_operands = 0 : i64, tpu.core_type = #tpu.core_type<tc>, window_params = [{transform_indices = @transform_0, window_bounds = array<i64: 4096, 128>}, {pipeline_mode = #tpu.pipeline_mode<synchronous>, transform_indices = @transform_1, window_bounds = array<i64: 8, 128>}, {pipeline_mode = #tpu.pipeline_mode<synchronous>, transform_indices = @transform_2, window_bounds = array<i64: 1, 128>}, {pipeline_mode = #tpu.pipeline_mode<synchronous>, transform_indices = @transform_3, window_bounds = array<i64: 1, 128>}, {transform_indices = @transform_4, window_bounds = array<i64: 4096, 128>}]} {
    %get3A = arith.constant 0 : index
    %get3A_0 = arith.constant 0 : index
    %get3A_1 = vector.load %arg2[%get3A, %get3A_0] : memref<8x128xf32, #tpu.memory_space<vmem>>, vector<1x128xf32>
    %div3A = arith.constant 3.276800e+04 : f32
    %div3A_2 = vector.broadcast %div3A : f32 to vector<1x128xf32>
    %div3A_3 = arith.divf %get3A_1, %div3A_2 : vector<1x128xf32>
    %get3A_4 = arith.constant 1 : index
    %get3A_5 = arith.constant 0 : index
    %get3A_6 = vector.load %arg2[%get3A_4, %get3A_5] : memref<8x128xf32, #tpu.memory_space<vmem>>, vector<1x128xf32>
    %div3A_7 = arith.constant 3.276800e+04 : f32
    %div3A_8 = vector.broadcast %div3A_7 : f32 to vector<1x128xf32>
    %div3A_9 = arith.divf %get3A_6, %div3A_8 : vector<1x128xf32>
    %mul3A = arith.mulf %div3A_3, %div3A_3 : vector<1x128xf32>
    %sub3A = arith.subf %div3A_9, %mul3A : vector<1x128xf32>
    %get3A_10 = arith.constant 0 : index
    %get3A_11 = arith.constant 0 : index
    %get3A_12 = vector.load %arg3[%get3A_10, %get3A_11] : memref<1x128xf32, #tpu.memory_space<vmem>>, vector<1x128xf32>
    %add3A = arith.constant 9.99999974E-6 : f32
    %add3A_13 = vector.broadcast %add3A : f32 to vector<1x128xf32>
    %add3A_14 = arith.addf %sub3A, %add3A_13 : vector<1x128xf32>
    %rsqrt3A = math.rsqrt %add3A_14 : vector<1x128xf32>
    %mul3A_15 = arith.mulf %get3A_12, %rsqrt3A : vector<1x128xf32>
    %get3A_16 = arith.constant 0 : index
    %get3A_17 = arith.constant 0 : index
    %get3A_18 = vector.load %arg4[%get3A_16, %get3A_17] : memref<1x128xf32, #tpu.memory_space<vmem>>, vector<1x128xf32>
    %mul3A_19 = arith.mulf %div3A_3, %mul3A_15 : vector<1x128xf32>
    %sub3A_20 = arith.subf %get3A_18, %mul3A_19 : vector<1x128xf32>
    %get3A_21 = arith.constant 0 : index
    %get3A_22 = arith.constant 0 : index
    %get3A_23 = vector.load %arg1[%get3A_21, %get3A_22] : memref<4096x128xf32, #tpu.memory_space<vmem>>, vector<4096x128xf32>
    %mul3A_24 = vector.broadcast %mul3A_15 : vector<1x128xf32> to vector<4096x128xf32>
    %mul3A_25 = arith.mulf %get3A_23, %mul3A_24 : vector<4096x128xf32>
    %add3A_26 = vector.broadcast %sub3A_20 : vector<1x128xf32> to vector<4096x128xf32>
    %add3A_27 = arith.addf %mul3A_25, %add3A_26 : vector<4096x128xf32>
    %max3A = arith.constant 0.000000e+00 : f32
    %max3A_28 = vector.broadcast %max3A : f32 to vector<4096x128xf32>
    %max3A_29 = arith.maximumf %add3A_27, %max3A_28 : vector<4096x128xf32>
    %swap3A = arith.constant 0 : index
    %swap3A_30 = arith.constant 0 : index
    %swap3A_31 = vector.load %arg5[%swap3A, %swap3A_30] : memref<4096x128xf32, #tpu.memory_space<vmem>>, vector<4096x128xf32>
    tpu.vector_store %arg5[%swap3A, %swap3A_30], %max3A_29 {strides = array<i32>} : memref<4096x128xf32, #tpu.memory_space<vmem>>, vector<4096x128xf32>,
    return
  }
  func.func @transform_0(%arg0: i32) -> (i32, i32) {
    %c0_i32 = arith.constant 0 : i32
    %c0_i32_0 = arith.constant 0 : i32
    return %arg0, %c0_i32 : i32, i32
  }
  func.func @transform_1(%arg0: i32) -> (i32, i32) {
    %c0_i32 = arith.constant 0 : i32
    %c0_i32_0 = arith.constant 0 : i32
    %c0_i32_1 = arith.constant 0 : i32
    return %c0_i32, %c0_i32_0 : i32, i32
  }
  func.func @transform_2(%arg0: i32) -> (i32, i32) {
    %c0_i32 = arith.constant 0 : i32
    %c0_i32_0 = arith.constant 0 : i32
    %c0_i32_1 = arith.constant 0 : i32
    return %c0_i32, %c0_i32_0 : i32, i32
  }
  func.func @transform_3(%arg0: i32) -> (i32, i32) {
    %c0_i32 = arith.constant 0 : i32
    %c0_i32_0 = arith.constant 0 : i32
    %c0_i32_1 = arith.constant 0 : i32
    return %c0_i32, %c0_i32_0 : i32, i32
  }
  func.func @transform_4(%arg0: i32) -> (i32, i32) {
    %c0_i32 = arith.constant 0 : i32
    %c0_i32_0 = arith.constant 0 : i32
    return %arg0, %c0_i32 : i32, i32
  }
}

module attributes {stable_mosaic.version = 14 : i64} {
  func.func @_lambda_(%arg0: i32, %arg1: memref<4096x128xf32, #tpu.memory_space<vmem>>, %arg2: memref<128x128xf32, #tpu.memory_space<vmem>>, %arg3: memref<1x128xf32, #tpu.memory_space<vmem>>, %arg4: memref<4096x128xf32, #tpu.memory_space<vmem>>, %arg5: memref<8x128xf32, #tpu.memory_space<vmem>>) attributes {dimension_semantics = [#tpu.dimension_semantics<arbitrary>], iteration_bounds = array<i64: 8>, scalar_prefetch = 0 : i64, scratch_operands = 0 : i64, tpu.core_type = #tpu.core_type<tc>, window_params = [{transform_indices = @transform_0, window_bounds = array<i64: 4096, 128>}, {pipeline_mode = #tpu.pipeline_mode<synchronous>, transform_indices = @transform_1, window_bounds = array<i64: 128, 128>}, {pipeline_mode = #tpu.pipeline_mode<synchronous>, transform_indices = @transform_2, window_bounds = array<i64: 1, 128>}, {transform_indices = @transform_3, window_bounds = array<i64: 4096, 128>}, {pipeline_mode = #tpu.pipeline_mode<synchronous>, transform_indices = @transform_4, window_bounds = array<i64: 8, 128>}]} {
    %get3A = arith.constant 0 : index
    %get3A_0 = arith.constant 0 : index
    %get3A_1 = vector.load %arg1[%get3A, %get3A_0] : memref<4096x128xf32, #tpu.memory_space<vmem>>, vector<4096x128xf32>
    %get3A_2 = arith.constant 0 : index
    %get3A_3 = arith.constant 0 : index
    %get3A_4 = vector.load %arg2[%get3A_2, %get3A_3] : memref<128x128xf32, #tpu.memory_space<vmem>>, vector<128x128xf32>
    %dot_general3A = arith.constant dense<0.000000e+00> : vector<4096x128xf32>
    %dot_general3A_5 = tpu.matmul %get3A_1, %get3A_4, %dot_general3A {dimension_numbers = #tpu.dot_dimension_numbers<[1], [0], [0], [1], [0, 0, 1, 1], [], []>, transpose_lhs_hint = false} : vector<4096x128xf32>, vector<128x128xf32>, vector<4096x128xf32> -> vector<4096x128xf32>
    %get3A_6 = arith.constant 0 : index
    %get3A_7 = arith.constant 0 : index
    %get3A_8 = vector.load %arg3[%get3A_6, %get3A_7] : memref<1x128xf32, #tpu.memory_space<vmem>>, vector<1x128xf32>
    %add3A = vector.broadcast %get3A_8 : vector<1x128xf32> to vector<4096x128xf32>
    %add3A_9 = arith.addf %dot_general3A_5, %add3A : vector<4096x128xf32>
    %swap3A = arith.constant 0 : index
    %swap3A_10 = arith.constant 0 : index
    %swap3A_11 = vector.load %arg4[%swap3A, %swap3A_10] : memref<4096x128xf32, #tpu.memory_space<vmem>>, vector<4096x128xf32>
    tpu.vector_store %arg4[%swap3A, %swap3A_10], %add3A_9 {strides = array<i32>} : memref<4096x128xf32, #tpu.memory_space<vmem>>, vector<4096x128xf32>,
    %reduce_sum3A = arith.constant dense<0.000000e+00> : vector<128xf32>
    %reduce_sum3A_12 = vector.multi_reduction <add>, %add3A_9, %reduce_sum3A [0] : vector<4096x128xf32> to vector<128xf32>
    %broadcast_in_dim3A = vector.shape_cast %reduce_sum3A_12 : vector<128xf32> to vector<1x128xf32>
    %mul3A = arith.mulf %add3A_9, %add3A_9 : vector<4096x128xf32>
    %reduce_sum3A_13 = arith.constant dense<0.000000e+00> : vector<128xf32>
    %reduce_sum3A_14 = vector.multi_reduction <add>, %mul3A, %reduce_sum3A_13 [0] : vector<4096x128xf32> to vector<128xf32>
    %broadcast_in_dim3A_15 = vector.shape_cast %reduce_sum3A_14 : vector<128xf32> to vector<1x128xf32>
    %broadcast_in_dim3A_16 = arith.constant 0.000000e+00 : f32
    %broadcast_in_dim3A_17 = vector.broadcast %broadcast_in_dim3A_16 : f32 to vector<6x128xf32>
    %concatenate3A = tpu.concatenate %broadcast_in_dim3A, %broadcast_in_dim3A_15, %broadcast_in_dim3A_17 in 0 : vector<1x128xf32>, vector<1x128xf32>, vector<6x128xf32> -> vector<8x128xf32>
    %eq3A = arith.constant 0 : i32
    %eq3A_18 = arith.cmpi eq, %arg0, %eq3A : i32
    %convert_element_type3A = arith.extui %eq3A_18 : i1 to i32
    %cond3A = arith.constant 0 : i32
    %cond3A_19 = arith.cmpi ne, %convert_element_type3A, %cond3A : i32
    scf.if %cond3A_19 {
      %broadcast_in_dim3A_27 = arith.constant 0.000000e+00 : f32
      %broadcast_in_dim3A_28 = vector.broadcast %broadcast_in_dim3A_27 : f32 to vector<8x128xf32>
      %swap3A_29 = arith.constant 0 : index
      %swap3A_30 = arith.constant 0 : index
      %swap3A_31 = vector.load %arg5[%swap3A_29, %swap3A_30] : memref<8x128xf32, #tpu.memory_space<vmem>>, vector<8x128xf32>
      tpu.vector_store %arg5[%swap3A_29, %swap3A_30], %broadcast_in_dim3A_28 {strides = array<i32>} : memref<8x128xf32, #tpu.memory_space<vmem>>, vector<8x128xf32>,
    } else {
    }
    %get3A_20 = arith.constant 0 : index
    %get3A_21 = arith.constant 0 : index
    %get3A_22 = vector.load %arg5[%get3A_20, %get3A_21] : memref<8x128xf32, #tpu.memory_space<vmem>>, vector<8x128xf32>
    %add3A_23 = arith.addf %get3A_22, %concatenate3A : vector<8x128xf32>
    %swap3A_24 = arith.constant 0 : index
    %swap3A_25 = arith.constant 0 : index
    %swap3A_26 = vector.load %arg5[%swap3A_24, %swap3A_25] : memref<8x128xf32, #tpu.memory_space<vmem>>, vector<8x128xf32>
    tpu.vector_store %arg5[%swap3A_24, %swap3A_25], %add3A_23 {strides = array<i32>} : memref<8x128xf32, #tpu.memory_space<vmem>>, vector<8x128xf32>,
    return
  }
  func.func @transform_0(%arg0: i32) -> (i32, i32) {
    %c0_i32 = arith.constant 0 : i32
    %c0_i32_0 = arith.constant 0 : i32
    return %arg0, %c0_i32 : i32, i32
  }
  func.func @transform_1(%arg0: i32) -> (i32, i32) {
    %c0_i32 = arith.constant 0 : i32
    %c0_i32_0 = arith.constant 0 : i32
    %c0_i32_1 = arith.constant 0 : i32
    return %c0_i32, %c0_i32_0 : i32, i32
  }
  func.func @transform_2(%arg0: i32) -> (i32, i32) {
    %c0_i32 = arith.constant 0 : i32
    %c0_i32_0 = arith.constant 0 : i32
    %c0_i32_1 = arith.constant 0 : i32
    return %c0_i32, %c0_i32_0 : i32, i32
  }
  func.func @transform_3(%arg0: i32) -> (i32, i32) {
    %c0_i32 = arith.constant 0 : i32
    %c0_i32_0 = arith.constant 0 : i32
    return %arg0, %c0_i32 : i32, i32
  }
  func.func @transform_4(%arg0: i32) -> (i32, i32) {
    %c0_i32 = arith.constant 0 : i32
    %c0_i32_0 = arith.constant 0 : i32
    %c0_i32_1 = arith.constant 0 : i32
    return %c0_i32, %c0_i32_0 : i32, i32
  }
}

module attributes {stable_mosaic.version = 14 : i64} {
  func.func @_nmm_kernel(%arg0: i32, %arg1: memref<4096x128xf32, #tpu.memory_space<vmem>>, %arg2: memref<8x128xf32, #tpu.memory_space<vmem>>, %arg3: memref<1x128xf32, #tpu.memory_space<vmem>>, %arg4: memref<1x128xf32, #tpu.memory_space<vmem>>, %arg5: memref<128x13xf32, #tpu.memory_space<vmem>>, %arg6: memref<1x13xf32, #tpu.memory_space<vmem>>, %arg7: memref<4096x13xf32, #tpu.memory_space<vmem>>, %arg8: memref<8x13xf32, #tpu.memory_space<vmem>>) attributes {dimension_semantics = [#tpu.dimension_semantics<arbitrary>], iteration_bounds = array<i64: 8>, scalar_prefetch = 0 : i64, scratch_operands = 0 : i64, tpu.core_type = #tpu.core_type<tc>, window_params = [{transform_indices = @transform_0, window_bounds = array<i64: 4096, 128>}, {pipeline_mode = #tpu.pipeline_mode<synchronous>, transform_indices = @transform_1, window_bounds = array<i64: 8, 128>}, {pipeline_mode = #tpu.pipeline_mode<synchronous>, transform_indices = @transform_2, window_bounds = array<i64: 1, 128>}, {pipeline_mode = #tpu.pipeline_mode<synchronous>, transform_indices = @transform_3, window_bounds = array<i64: 1, 128>}, {pipeline_mode = #tpu.pipeline_mode<synchronous>, transform_indices = @transform_4, window_bounds = array<i64: 128, 13>}, {pipeline_mode = #tpu.pipeline_mode<synchronous>, transform_indices = @transform_5, window_bounds = array<i64: 1, 13>}, {transform_indices = @transform_6, window_bounds = array<i64: 4096, 13>}, {pipeline_mode = #tpu.pipeline_mode<synchronous>, transform_indices = @transform_7, window_bounds = array<i64: 8, 13>}]} {
    %get3A = arith.constant 0 : index
    %get3A_0 = arith.constant 0 : index
    %get3A_1 = vector.load %arg2[%get3A, %get3A_0] : memref<8x128xf32, #tpu.memory_space<vmem>>, vector<1x128xf32>
    %div3A = arith.constant 3.276800e+04 : f32
    %div3A_2 = vector.broadcast %div3A : f32 to vector<1x128xf32>
    %div3A_3 = arith.divf %get3A_1, %div3A_2 : vector<1x128xf32>
    %get3A_4 = arith.constant 1 : index
    %get3A_5 = arith.constant 0 : index
    %get3A_6 = vector.load %arg2[%get3A_4, %get3A_5] : memref<8x128xf32, #tpu.memory_space<vmem>>, vector<1x128xf32>
    %div3A_7 = arith.constant 3.276800e+04 : f32
    %div3A_8 = vector.broadcast %div3A_7 : f32 to vector<1x128xf32>
    %div3A_9 = arith.divf %get3A_6, %div3A_8 : vector<1x128xf32>
    %mul3A = arith.mulf %div3A_3, %div3A_3 : vector<1x128xf32>
    %sub3A = arith.subf %div3A_9, %mul3A : vector<1x128xf32>
    %get3A_10 = arith.constant 0 : index
    %get3A_11 = arith.constant 0 : index
    %get3A_12 = vector.load %arg3[%get3A_10, %get3A_11] : memref<1x128xf32, #tpu.memory_space<vmem>>, vector<1x128xf32>
    %add3A = arith.constant 9.99999974E-6 : f32
    %add3A_13 = vector.broadcast %add3A : f32 to vector<1x128xf32>
    %add3A_14 = arith.addf %sub3A, %add3A_13 : vector<1x128xf32>
    %rsqrt3A = math.rsqrt %add3A_14 : vector<1x128xf32>
    %mul3A_15 = arith.mulf %get3A_12, %rsqrt3A : vector<1x128xf32>
    %get3A_16 = arith.constant 0 : index
    %get3A_17 = arith.constant 0 : index
    %get3A_18 = vector.load %arg4[%get3A_16, %get3A_17] : memref<1x128xf32, #tpu.memory_space<vmem>>, vector<1x128xf32>
    %mul3A_19 = arith.mulf %div3A_3, %mul3A_15 : vector<1x128xf32>
    %sub3A_20 = arith.subf %get3A_18, %mul3A_19 : vector<1x128xf32>
    %get3A_21 = arith.constant 0 : index
    %get3A_22 = arith.constant 0 : index
    %get3A_23 = vector.load %arg1[%get3A_21, %get3A_22] : memref<4096x128xf32, #tpu.memory_space<vmem>>, vector<4096x128xf32>
    %mul3A_24 = vector.broadcast %mul3A_15 : vector<1x128xf32> to vector<4096x128xf32>
    %mul3A_25 = arith.mulf %get3A_23, %mul3A_24 : vector<4096x128xf32>
    %add3A_26 = vector.broadcast %sub3A_20 : vector<1x128xf32> to vector<4096x128xf32>
    %add3A_27 = arith.addf %mul3A_25, %add3A_26 : vector<4096x128xf32>
    %get3A_28 = arith.constant 0 : index
    %get3A_29 = arith.constant 0 : index
    %get3A_30 = vector.load %arg5[%get3A_28, %get3A_29] : memref<128x13xf32, #tpu.memory_space<vmem>>, vector<128x13xf32>
    %dot_general3A = arith.constant dense<0.000000e+00> : vector<4096x13xf32>
    %dot_general3A_31 = tpu.matmul %add3A_27, %get3A_30, %dot_general3A {dimension_numbers = #tpu.dot_dimension_numbers<[1], [0], [0], [1], [0, 0, 1, 1], [], []>, transpose_lhs_hint = false} : vector<4096x128xf32>, vector<128x13xf32>, vector<4096x13xf32> -> vector<4096x13xf32>
    %get3A_32 = arith.constant 0 : index
    %get3A_33 = arith.constant 0 : index
    %get3A_34 = vector.load %arg6[%get3A_32, %get3A_33] : memref<1x13xf32, #tpu.memory_space<vmem>>, vector<1x13xf32>
    %add3A_35 = vector.broadcast %get3A_34 : vector<1x13xf32> to vector<4096x13xf32>
    %add3A_36 = arith.addf %dot_general3A_31, %add3A_35 : vector<4096x13xf32>
    %swap3A = arith.constant 0 : index
    %swap3A_37 = arith.constant 0 : index
    %swap3A_38 = vector.load %arg7[%swap3A, %swap3A_37] : memref<4096x13xf32, #tpu.memory_space<vmem>>, vector<4096x13xf32>
    tpu.vector_store %arg7[%swap3A, %swap3A_37], %add3A_36 {strides = array<i32>} : memref<4096x13xf32, #tpu.memory_space<vmem>>, vector<4096x13xf32>,
    %reduce_sum3A = arith.constant dense<0.000000e+00> : vector<13xf32>
    %reduce_sum3A_39 = vector.multi_reduction <add>, %add3A_36, %reduce_sum3A [0] : vector<4096x13xf32> to vector<13xf32>
    %broadcast_in_dim3A = vector.shape_cast %reduce_sum3A_39 : vector<13xf32> to vector<1x13xf32>
    %mul3A_40 = arith.mulf %add3A_36, %add3A_36 : vector<4096x13xf32>
    %reduce_sum3A_41 = arith.constant dense<0.000000e+00> : vector<13xf32>
    %reduce_sum3A_42 = vector.multi_reduction <add>, %mul3A_40, %reduce_sum3A_41 [0] : vector<4096x13xf32> to vector<13xf32>
    %broadcast_in_dim3A_43 = vector.shape_cast %reduce_sum3A_42 : vector<13xf32> to vector<1x13xf32>
    %broadcast_in_dim3A_44 = arith.constant 0.000000e+00 : f32
    %broadcast_in_dim3A_45 = vector.broadcast %broadcast_in_dim3A_44 : f32 to vector<6x13xf32>
    %concatenate3A = tpu.concatenate %broadcast_in_dim3A, %broadcast_in_dim3A_43, %broadcast_in_dim3A_45 in 0 : vector<1x13xf32>, vector<1x13xf32>, vector<6x13xf32> -> vector<8x13xf32>
    %eq3A = arith.constant 0 : i32
    %eq3A_46 = arith.cmpi eq, %arg0, %eq3A : i32
    %convert_element_type3A = arith.extui %eq3A_46 : i1 to i32
    %cond3A = arith.constant 0 : i32
    %cond3A_47 = arith.cmpi ne, %convert_element_type3A, %cond3A : i32
    scf.if %cond3A_47 {
      %broadcast_in_dim3A_55 = arith.constant 0.000000e+00 : f32
      %broadcast_in_dim3A_56 = vector.broadcast %broadcast_in_dim3A_55 : f32 to vector<8x13xf32>
      %swap3A_57 = arith.constant 0 : index
      %swap3A_58 = arith.constant 0 : index
      %swap3A_59 = vector.load %arg8[%swap3A_57, %swap3A_58] : memref<8x13xf32, #tpu.memory_space<vmem>>, vector<8x13xf32>
      tpu.vector_store %arg8[%swap3A_57, %swap3A_58], %broadcast_in_dim3A_56 {strides = array<i32>} : memref<8x13xf32, #tpu.memory_space<vmem>>, vector<8x13xf32>,
    } else {
    }
    %get3A_48 = arith.constant 0 : index
    %get3A_49 = arith.constant 0 : index
    %get3A_50 = vector.load %arg8[%get3A_48, %get3A_49] : memref<8x13xf32, #tpu.memory_space<vmem>>, vector<8x13xf32>
    %add3A_51 = arith.addf %get3A_50, %concatenate3A : vector<8x13xf32>
    %swap3A_52 = arith.constant 0 : index
    %swap3A_53 = arith.constant 0 : index
    %swap3A_54 = vector.load %arg8[%swap3A_52, %swap3A_53] : memref<8x13xf32, #tpu.memory_space<vmem>>, vector<8x13xf32>
    tpu.vector_store %arg8[%swap3A_52, %swap3A_53], %add3A_51 {strides = array<i32>} : memref<8x13xf32, #tpu.memory_space<vmem>>, vector<8x13xf32>,
    return
  }
  func.func @transform_0(%arg0: i32) -> (i32, i32) {
    %c0_i32 = arith.constant 0 : i32
    %c0_i32_0 = arith.constant 0 : i32
    return %arg0, %c0_i32 : i32, i32
  }
  func.func @transform_1(%arg0: i32) -> (i32, i32) {
    %c0_i32 = arith.constant 0 : i32
    %c0_i32_0 = arith.constant 0 : i32
    %c0_i32_1 = arith.constant 0 : i32
    return %c0_i32, %c0_i32_0 : i32, i32
  }
  func.func @transform_2(%arg0: i32) -> (i32, i32) {
    %c0_i32 = arith.constant 0 : i32
    %c0_i32_0 = arith.constant 0 : i32
    %c0_i32_1 = arith.constant 0 : i32
    return %c0_i32, %c0_i32_0 : i32, i32
  }
  func.func @transform_3(%arg0: i32) -> (i32, i32) {
    %c0_i32 = arith.constant 0 : i32
    %c0_i32_0 = arith.constant 0 : i32
    %c0_i32_1 = arith.constant 0 : i32
    return %c0_i32, %c0_i32_0 : i32, i32
  }
  func.func @transform_4(%arg0: i32) -> (i32, i32) {
    %c0_i32 = arith.constant 0 : i32
    %c0_i32_0 = arith.constant 0 : i32
    %c0_i32_1 = arith.constant 0 : i32
    return %c0_i32, %c0_i32_0 : i32, i32
  }
  func.func @transform_5(%arg0: i32) -> (i32, i32) {
    %c0_i32 = arith.constant 0 : i32
    %c0_i32_0 = arith.constant 0 : i32
    %c0_i32_1 = arith.constant 0 : i32
    return %c0_i32, %c0_i32_0 : i32, i32
  }
  func.func @transform_6(%arg0: i32) -> (i32, i32) {
    %c0_i32 = arith.constant 0 : i32
    %c0_i32_0 = arith.constant 0 : i32
    return %arg0, %c0_i32 : i32, i32
  }
  func.func @transform_7(%arg0: i32) -> (i32, i32) {
    %c0_i32 = arith.constant 0 : i32
    %c0_i32_0 = arith.constant 0 : i32
    %c0_i32_1 = arith.constant 0 : i32
    return %c0_i32, %c0_i32_0 : i32, i32
  }
}

</mosaic_0001>

<sc_bundles>
// kernel: gather_offload_async_start.1
scs
__scs_entry_jumppad:
0x0: {  	(pc) =	sbr.rel $0x88, $3  }
0x1: {  	(tag) =	ssettag $0x0;
	lr =	simm.s32 $0x1  }
0x2: {  	[smem:$0x3F5B] =	sst lr;
	_ =	strace $0xD0000000  }
0x3: {  	_ = 	snop  }
0x4: {  	_ = 	snop  }
0x5: {  	_ = 	snop  }
0x6: {  	_ = 	snop  }
0x7: {  	_ = 	snop  }
__scs_overlays_trampoline_lowered:
0x8: {  	[smem:$0x3F6A] =	sst s0  }
0x9: {  	[smem:$0x3F6B] =	sst s1  }
0xa: {  	[smem:$0x3F6C] =	sst s2  }
0xb: {  	[smem:$0x3F6D] =	sst s3  }
0xc: {  	[smem:$0x3F6E] =	sst s4  }
0xd: {  	[smem:$0x3F6F] =	sst s5  }
0xe: {  	[smem:$0x3F70] =	sst s6  }
0xf: {  	[smem:$0x3F71] =	sst s7  }
0x10: {  	[smem:$0x3F72] =	sst s8  }
0x11: {  	[smem:$0x3F73] =	sst s9;
	s0 =	simm.s32 @!p0 $0x0  }
0x12: {  	s1 =	sld [smem:$0x3F59];
	s0 =	simm.s32 @p0 $0x1  }
0x13: {  	[smem:$0x3F74] =	sst s0;
	s0 =	simm.s32 @!p1 $0x0  }
0x14: {  	s2 =	sld [smem:$0x3F58];
	s0 =	simm.s32 @p1 $0x1  }
0x15: {  	[smem:$0x3F75] =	sst s0;
	s0 =	simm.s32 @!p2 $0x0  }
0x16: {  	s3 =	sld [smem:$0x3FDB];
	s0 =	simm.s32 @p2 $0x1  }
0x17: {  	s4 =	simm.s32 $0x1BF5;
	[smem:$0x3F77] =	sst s0  }
0x18: {  	s0 =	sld [smem:$0x3F5A];
	_ =	swait.ge [sflag:s4], $0x0  }
0x19: {  	s7 =	sld [smem:$0x3F5B]  }
0x1a: {  	s8 =	sadd.s32 $0xFFFFE003, lr  }
0x1b: {  	s9 =	sadd.s32 $0xFFFFFEF7, lr;
	s5 =	simm.s32 $0xFFFFFFFF;
	p2 =	slt.u32 s8, $0xFFFFF086  }
0x1c: {  	p1 =	slt.u32 s9, $0xF7A;
	s5 =	simm.s32 @!p2 $0x0  }
0x1d: {  	s5 =	simm.s32 @p1 $0x1;
	p0 =	seq.s32 s7, s2  }
0x1e: {  	s7 =	smul.u32 @!p0 $0xF7A, s2;
	p2 =	seq.s32 @!p0 s5, $0x0  }
0x1f: {  	s9 =	smul.u32 $0xF7A, s1;
	s8 =	simm.s32 @!p0 $0x1BF5;
	p2 =	por !p2, p0  }
0x20: {  	[sflag:s8] =	ssyncset.s32 @!p0 $0xFFFFF086;
	s6 =	sadd.s32 @!p0 s3, s7;
	s7 =	simm.s32 @!p0 $0x108  }
0x21: {  	s3 =	sadd.s32 s3, s9;
	s6 =	sadd.s32 @!p0 $0x88, s6;
	s7 =	simm.s32 @p2 $0x1082  }
0x22: {  	[simem:s7], [sflag:s8] =	dma.local @!p0 [hbm:s6], $0xF7A  }
0x23: {  	s9 =	sor.u32 $0xD0000000, s2;
	s6 =	simm.s32 $0x108;
	_ =	swait.ge @!p0 [sflag:s8], $0x0  }
0x24: {  	s3 =	sadd.s32 $0x88, s3;
	s6 =	simm.s32 @!p1 $0x1082;
	[sflag:s4] =	ssyncset.s32 $0xFFFFF086  }
0x25: {  	[simem:s6], [sflag:s4] =	dma.local [hbm:s3], $0xF7A  }
0x26: {  	[smem:$0x3F5B] =	sst s1;
	(tag) =	ssettag s2;
	_ =	strace s9  }
0x27: {  	s1 =	sld [smem:$0x3F6B]  }
0x28: {  	s2 =	sld [smem:$0x3F6C]  }
0x29: {  	s4 =	sld [smem:$0x3F6E]  }
0x2a: {  	p0 =	seq.s32 s5, $0x0;
	s5 =	sld [smem:$0x3F6F]  }
0x2b: {  	s6 =	sld [smem:$0x3F70]  }
0x2c: {  	s7 =	sld [smem:$0x3F71]  }
0x2d: {  	s3 =	simm.s32 $0x108;
	s8 =	sld [smem:$0x3F72]  }
0x2e: {  	s3 =	simm.s32 @!p0 $0x1082;
	s9 =	sld [smem:$0x3F73]  }
0x2f: {  	lr =	sadd.s32 s0, s3;
	s0 =	sld [smem:$0x3F6A]  }
0x30: {  	s3 =	sld [smem:$0x3F6D]  }
0x31: {  	[smem:$0x3F76] =	sst s10  }
0x32: {  	s10 =	sld [smem:$0x3F74];
	_ =	sdelay $0x3  }
0x33: {  	p0 =	seq.s32 s10, $0x1;
	s10 =	sld [smem:$0x3F76];
	_ =	sdelay $0x3  }
0x34: {  	[smem:$0x3F76] =	sst s10  }
0x35: {  	s10 =	sld [smem:$0x3F75];
	_ =	sdelay $0x3  }
0x36: {  	p1 =	seq.s32 s10, $0x1;
	s10 =	sld [smem:$0x3F76];
	_ =	sdelay $0x3  }
0x37: {  	[smem:$0x3F76] =	sst s10  }
0x38: {  	s10 =	sld [smem:$0x3F77]  }
0x39: {  	_ = 	snop;
	(pc) =	sbr.ind lr, $3  }
0x3a: {  	_ = 	snop  }
0x3b: {  	_ = 	snop  }
0x3c: {  	p2 =	seq.s32 s10, $0x1;
	s10 =	sld [smem:$0x3F76]  }
0x3d: {  	_ =	shalt  }
0x3e: {  	_ =	shalt  }
0x3f: {  	_ =	shalt  }
0x40: {  	_ =	shalt  }
0x41: {  	_ =	shalt  }
0x42: {  	_ =	shalt  }
0x43: {  	_ =	shalt  }
0x44: {  	_ =	shalt  }
0x45: {  	_ =	shalt  }
0x46: {  	_ =	shalt  }
0x47: {  	_ =	shalt  }
0x48: {  	_ =	shalt  }
0x49: {  	_ =	shalt  }
0x4a: {  	_ =	shalt  }
0x4b: {  	_ =	shalt  }
0x4c: {  	_ =	shalt  }
0x4d: {  	_ =	shalt  }
0x4e: {  	_ =	shalt  }
0x4f: {  	_ =	shalt  }
0x50: {  	_ =	shalt  }
0x51: {  	_ =	shalt  }
0x52: {  	_ =	shalt  }
0x53: {  	_ =	shalt  }
0x54: {  	_ =	shalt  }
0x55: {  	_ =	shalt  }
0x56: {  	_ =	shalt  }
0x57: {  	_ =	shalt  }
0x58: {  	_ =	shalt  }
0x59: {  	_ =	shalt  }
0x5a: {  	_ =	shalt  }
0x5b: {  	_ =	shalt  }
0x5c: {  	_ =	shalt  }
0x5d: {  	_ =	shalt  }
0x5e: {  	_ =	shalt  }
0x5f: {  	_ =	shalt  }
0x60: {  	_ =	shalt  }
0x61: {  	_ =	shalt  }
0x62: {  	_ =	shalt  }
0x63: {  	_ =	shalt  }
0x64: {  	_ =	shalt  }
0x65: {  	_ =	shalt  }
0x66: {  	_ =	shalt  }
0x67: {  	_ =	shalt  }
0x68: {  	_ =	shalt  }
0x69: {  	_ =	shalt  }
0x6a: {  	_ =	shalt  }
0x6b: {  	_ =	shalt  }
0x6c: {  	_ =	shalt  }
0x6d: {  	_ =	shalt  }
0x6e: {  	_ =	shalt  }
0x6f: {  	_ =	shalt  }
0x70: {  	_ =	shalt  }
0x71: {  	_ =	shalt  }
0x72: {  	_ =	shalt  }
0x73: {  	_ =	shalt  }
0x74: {  	_ =	shalt  }
0x75: {  	_ =	shalt  }
0x76: {  	_ =	shalt  }
0x77: {  	_ =	shalt  }
0x78: {  	_ =	shalt  }
0x79: {  	_ =	shalt  }
0x7a: {  	_ =	shalt  }
0x7b: {  	_ =	shalt  }
0x7c: {  	_ =	shalt  }
0x7d: {  	_ =	shalt  }
0x7e: {  	_ =	shalt  }
0x7f: {  	_ =	shalt  }
0x80: {  	_ =	shalt  }
0x81: {  	_ =	shalt  }
0x82: {  	_ =	shalt  }
0x83: {  	_ =	shalt  }
0x84: {  	_ =	shalt  }
0x85: {  	_ =	shalt  }
0x86: {  	_ =	shalt  }
0x87: {  	_ =	shalt  }
.Lfunc_end0:
.L_simem_size_0:
called_computation.1_lowered:
.L_overlay_start_0:
0x88: {  	s2 =	sld [smem:$0x3FD9]  }
0x89: {  	s3 =	sld [smem:$0x3FFE];
	_ =	sdelay $0x1  }
0x8a: {  	s1 =	srdreg.scid  }
0x8b: {  	s0 =	sand.u32 $0x1, s1  }
0x8c: {  	s17 =	sshll.u32 s0, $0xA;
	s2 =	sadd.s32 s3, s2  }
0x8d: {  	s2 =	sadd.s32 s2, s17  }
0x8e: {  	[smem:$0x3F82] =	sst s2  }
0x8f: {  	_ = 	snop  }
0x90: {  	s2 =	sld [smem:$0x3FD0];
	(tm) =	ssettm $0x1  }
0x91: {  	s18 =	sld [smem:$0x3FFB];
	_ =	sdelay $0x3  }
0x92: {  	_ =	strace s18  }
0x93: {  	s3 =	sld [smem:$0x3FFC];
	_ =	sdelay $0x3  }
0x94: {  	_ =	strace s3  }
0x95: {  	s3 =	sld [smem:$0x3FFD];
	_ =	sdelay $0x3  }
0x96: {  	_ =	strace s3  }
0x97: {  	_ =	strace $0x8FFFFFFF  }
0x98: {  	s19 =	sld [smem:$0x3FDB];
	_ =	sdelay $0x1  }
0x99: {  	s4 =	simm.s32 $_scs_section_size  }
0x9a: {  	s5 =	simm.s32 $_size__tile_overlayer_lowered;
	s6 =	simm.s32 $_tile_overlayer_lowered  }
0x9b: {  	s22 =	simm.s32 $0x1BFF;
	s21 =	sshll.u32 s6, $0x1;
	s3 =	sadd.s32 s4, s19  }
0x9c: {  	s7 =	simm.s32 $0x0;
	s20 =	sshll.u32 s5, $0x1;
	s5 =	sadd.s32 s21, s3  }
0x9d: {  	[timem:s7], [sflag:s22] =	dma.local [hbm:s5], s20  }
0x9e: {  	_ =	swait.ge [sflag:s22], s20  }
0x9f: {  	s4 =	ssub.s32 $0x0, s20;
	[sflag:s22] =	ssyncset.done $0x0  }
0xa0: {  	[sflag:s22] =	ssyncadd.s32 s4;
	_ =	sdelay $0x1  }
0xa1: {  	s23 =	simm.s32 $0x1B8B  }
0xa2: {  	_ =	swait.ge [sflag:s23], $0x1  }
0xa3: {  	[sflag:s23] =	ssyncset.done $0x0  }
0xa4: {  	s25 =	simm.s32 $0x1B8E;
	s24 =	sld [smem:$0x3FFE];
	[sflag:s23] =	ssyncadd.s32 $0xFFFFFFFF  }
0xa5: {  	s26 =	simm.s32 $execute0_lowered;
	[smem:$0x3FD2] =	sst s25  }
0xa6: {  	s5 =	sshll.u32 s26, $0x1;
	_ =	strace $0x80000049;
	[dreg:$0x1] =	wrdreg $0xFFFFFFFF  }
0xa7: {  	s28 =	simm.s32 $_size_execute0_lowered;
	s3 =	sadd.s32 s3, s5;
	[dreg:$0x0] =	wrdreg $0x0  }
0xa8: {  	s5 =	sshll.u32 s28, $0x1;
	[dreg:$0x2] =	wrdreg s3  }
0xa9: {  	[dreg:$0x3] =	wrdreg s5  }
0xaa: {  	[dreg:$0x4] =	wrdreg $0xC0  }
0xab: {  	_ =	task [dreg:s7], $0x5FFFF  }
0xac: {  	[dreg:$0x1] =	wrdreg $0xFFFFFFFF  }
0xad: {  	[dreg:$0x0] =	wrdreg $0x60  }
0xae: {  	[dreg:$0x2] =	wrdreg s24  }
0xaf: {  	[dreg:$0x3] =	wrdreg s2  }
0xb0: {  	[dreg:$0x4] =	wrdreg $0x9  }
0xb1: {  	_ =	task.clear_ibuf [dreg:s7], $0x5FFFF;
	_ =	strace $0x90000049  }
0xb2: {  	s29 =	simm.s32 $0x9;
	_ =	strace $0x8000004B  }
0xb3: {  	_ =	swait.ge [sflag:s29], $0x1  }
0xb4: {  	[sflag:s29] =	ssyncadd.s32 $0xFFFFFFFF  }
0xb5: {  	_ =	strace $0x9000004B  }
0xb6: {  	_ =	sfence  }
0xb7: {  	s30 =	sld [smem:$0x0];
	_ =	sdelay $0x2  }
0xb8: {  	s31 =	sshll.u32 s1, $0xD;
	s1 =	sshrl.u32 s1, $0x2  }
0xb9: {  	s3 =	sand.u32 $0x4000, s31;
	s1 =	sadd.s32 s1, s30  }
0xba: {  	s0 =	sor.u32 s3, s0;
	s1 =	sshll.u32 s1, $0x11  }
0xbb: {  	s0 =	sor.u32 s1, s0  }
0xbc: {  	s0 =	sadd.s32 $0x8F2B, s0  }
0xbd: {  	[sflag:s0] =	ssyncadd.remote.s32 $0x1  }
0xbe: {  	_ =	sfence.sel $0xFFFF  }
0xbf: {  	[dreg:$0x0] =	wrdreg $0xFFFFFFFF;
	(pc) =	sbr.abs _section_cstart, $3  }
0xc0: {  	[dreg:$0x1] =	wrdreg $0xFFFFFFFF  }
0xc1: {  	_ =	task.clear_ibuf [dreg:s7], $0x2FFFF;
	_ =	strace $0x9FFFFFFF  }
0xc2: {  	(tm) =	ssettm $0x7FFFFFFF  }
0xc3: {  	_ =	shalt  }
tec
execute0_lowered:
.L_overlay_start_1:
0x0: {  	(tag) =	ssettag $0x1  }
0x1: {  	s7 =	rddreg [dreg:$0x0]  }
0x2: {  	s2 =	rddreg [dreg:$0x1]  }
0x3: {  	s0 =	rddreg [dreg:$0x2]  }
0x4: {  	s1 =	srdreg.scid;
	_ =	strace $0x8000004A;
	s4 =	simm.s32 $0x1  }
0x5: {  	s9 =	simm.s32 $0x3;
	s12 =	simm.s32 $0x0;
	s5 =	sshll.u32 s1, $0x4  }
.Ltmp0:
0x6: {  	s1 =	stileid.u32;
	s5 =	sand.u32 $0x10, s5;
	(pc) =	sbr.rel .LBB2_1-.Ltmp0, $4  }
0x7: {  	s10 =	simm.s32 $0x0;
	s3 =	sadd.s32 $0x81400, s7;
	s6 =	sor.u32 s1, s5  }
0x8: {  	[sflag:s4] =	ssyncpa.u1 $0x0;
	s5 =	simm.s32 $0x2;
	s6 =	sshll.u32 s6, $0x6  }
0x9: {  	s7 =	sadd.s32 $0x91400, s7;
	[sflag:s5] =	ssyncpa.u1 $0x0;
	s8 =	sadd.s32 $0x40, s6  }
0xa: {  	vm0 =	vmmov $0xff;
	vm1 =	vcmask $0x3F20;
	[sflag:s9] =	ssyncpa.u1 $0x0;
	s9 =	simm.s32 $0x40;
	s11 =	smov.u32 s6  }
.LBB2_9:
0xb: {  	p0 =	seq.s32 s10, $0x2  }
.Ltmp1:
0xc: {  	_ = 	snop;
	(pc) =	sbr.rel @p0 .LBB2_11-.Ltmp1, $1  }
0xd: {  	_ =	sdelay $0x3  }
.LBB2_10:
0xe: {  	s12 =	sadd.s32 $0x40, s11  }
0xf: {  	s13 =	smov.u32 s6;
	p0 =	slt.s32 s12, s8  }
0x10: {  	s13 =	smov.u32 @p0 s12  }
0x11: {  	s10 =	sadd.s32 $0x1, s10;
	s12 =	smov.u32 s11;
	s11 =	smov.u32 s13  }
.LBB2_1:
0x12: {  	p0 =	sne.s32 s10, $0x0  }
.Ltmp2:
0x13: {  	_ = 	snop;
	(pc) =	sbr.rel @!p0 .LBB2_2-.Ltmp2, $1  }
0x14: {  	_ =	sdelay $0x3  }
0x15: {  	s13 =	sand.u32 $0x1, s10  }
0x16: {  	p0 =	seq.s32 s13, $0x0  }
.Ltmp3:
0x17: {  	_ = 	snop;
	(pc) =	sbr.rel @p0 .LBB2_9-.Ltmp3, $1  }
0x18: {  	_ =	sdelay $0x3  }
0x19: {  	_ =	swait.ge [sflag:s5], $0x40  }
0x1a: {  	[sflag:s5] =	ssyncset.done $0x0  }
0x1b: {  	s13 =	simm.s32 $0x0;
	[sflag:s5] =	ssyncadd.s32 $0xFFFFFFC0  }
0x1c: {  	v0 =	vld.msk [tilespmem:s13+$0x40 ss:$0x1], $0xffff;
	_ =	sdelay $0x4  }
0x1d: {  	v1 =	vshll.u32 v0, $0x4  }
0x1e: {  	vm2 =	veq.s32 v0, $0x80000000;
	v0 =	vshll.u32 v0, $0x10;
	v1 =	vand.u32 $0xFF80, v1  }
0x1f: {  	v0 =	vand.u32 $0x70000, v0;
	v1 =	vsel vm2, $0xFFFFFF80, v1  }
0x20: {  	v0 =	vsel vm2, $0xFFFF0000, v0;
	v2 =	vand.u32 $0xFFFFFC00, v1  }
0x21: {  	v1 =	vand.u32 $0x380, v1;
	v0 =	vadd.s32 v0, v2  }
0x22: {  	v0 =	vor.u32 v1, v0  }
0x23: {  	v0 =	vshrl.u32 v0, $0x3;
	_ =	sdelay $0x3  }
0x24: {  	s13 =	simm.s32 $0x2080  }
0x25: {  	[tilespmem:s13], [sflag:$0x1] =	stream.indirect_vreg.gather [hbm:s3], $0x80, v0, vm0, $0x38;
	[tilespmem:$0x4080] =	vst v63  }
0x26: {  	s14 =	simm.s32 $0x2480;
	s31 =	simm.s32 $0x10  }
0x27: {  	[tilespmem:s14], [sflag:$0x1] =	stream.indirect_vreg.gather [hbm:s3], $0x80, v0, vm1, $0x38;
	[tilespmem:$0x4080] =	vst v63  }
0x28: {  	s14 =	simm.s32 $0x80;
	v0 =	vld.msk [tilespmem:s31+$0x40 ss:$0x1], $0xffff  }
.LBB2_5:
0x29: {  	p0 =	sne.s32 s14, $0xC0;
	_ =	sdelay $0x4  }
0x2a: {  	v1 =	vshll.u32 v0, $0x4  }
0x2b: {  	vm2 =	veq.s32 v0, $0x80000000;
	v0 =	vshll.u32 v0, $0x10;
	v1 =	vand.u32 $0xFF80, v1  }
0x2c: {  	v0 =	vand.u32 $0x70000, v0;
	v1 =	vsel vm2, $0xFFFFFF80, v1  }
0x2d: {  	v0 =	vsel vm2, $0xFFFF0000, v0;
	v2 =	vand.u32 $0xFFFFFC00, v1  }
0x2e: {  	v1 =	vand.u32 $0x380, v1;
	v0 =	vadd.s32 v0, v2  }
0x2f: {  	v0 =	vor.u32 v1, v0  }
0x30: {  	v0 =	vshrl.u32 v0, $0x3;
	_ =	sdelay $0x3  }
.Ltmp4:
0x31: {  	s13 =	sadd.s32 $0x800, s13;
	(pc) =	sbr.rel @p0 .LBB2_5-.Ltmp4, $4  }
0x32: {  	[tilespmem:s13], [sflag:$0x1] =	stream.indirect_vreg.gather [hbm:s3], $0x80, v0, vm0, $0x38;
	[tilespmem:$0x4080] =	vst v63  }
0x33: {  	s15 =	sshra.s32 s14, $0x2;
	s16 =	sadd.s32 $0x400, s13  }
0x34: {  	[tilespmem:s16], [sflag:$0x1] =	stream.indirect_vreg.gather [hbm:s3], $0x80, v0, vm1, $0x38;
	[tilespmem:$0x4080] =	vst v63  }
0x35: {  	s14 =	sadd.s32 $0x40, s14;
	v0 =	vld.msk [tilespmem:s15+$0x40 ss:$0x1], $0xffff  }
0x36: {  	_ =	sdelay $0x3  }
0x37: {  	v1 =	vshll.u32 v0, $0x4  }
0x38: {  	vm2 =	veq.s32 v0, $0x80000000;
	v63 =	vshll.u32 v0, $0x10;
	v1 =	vand.u32 $0xFF80, v1  }
0x39: {  	v0 =	vand.u32 $0x70000, v63;
	v1 =	vsel vm2, $0xFFFFFF80, v1  }
0x3a: {  	v0 =	vsel vm2, $0xFFFF0000, v0;
	v2 =	vand.u32 $0xFFFFFC00, v1  }
0x3b: {  	v1 =	vand.u32 $0x380, v1;
	v0 =	vadd.s32 v0, v2  }
0x3c: {  	v0 =	vor.u32 v1, v0  }
0x3d: {  	v0 =	vshrl.u32 v0, $0x3;
	_ =	sdelay $0x3  }
0x3e: {  	s13 =	sadd.s32 $0x800, s13  }
0x3f: {  	[tilespmem:s13], [sflag:$0x1] =	stream.indirect_vreg.gather [hbm:s3], $0x80, v0, vm0, $0x38;
	[tilespmem:$0x4080] =	vst v63  }
0x40: {  	s13 =	sadd.s32 $0x400, s13  }
0x41: {  	[tilespmem:s13], [sflag:$0x1] =	stream.indirect_vreg.gather [hbm:s3], $0x80, v0, vm1, $0x38;
	[tilespmem:$0x4080] =	vst v63  }
0x42: {  	s12 =	sshll.u32 s12, $0x4;
	s14 =	simm.s32 $0x80;
	_ =	swait.ge [sflag:s4], $0x2000  }
0x43: {  	s15 =	simm.s32 $0x2480;
	s12 =	sadd.s32 s12, s2;
	[sflag:s4] =	ssyncset.done $0x0  }
0x44: {  	s16 =	sadd.s32 $0x0, s12;
	s13 =	simm.s32 $0x2080;
	[sflag:s4] =	ssyncadd.s32 $0xFFFFE000  }
.LBB2_7:
0x45: {  	[hbm:s16] =	stream.linear.scatter [tilespmem:s13], [sflag:$0x3], $0x400, $0x38;
	[tilespmem:$0x4080] =	vst v63  }
0x46: {  	s16 =	smov.u32 s14;
	s13 =	smov.u32 s15;
	p0 =	sne.s32 s14, $0x380  }
.Ltmp5:
0x47: {  	s14 =	sadd.s32 $0x80, s14;
	(pc) =	sbr.rel @p0 .LBB2_7-.Ltmp5, $2  }
0x48: {  	_ =	sdelay $0x2  }
0x49: {  	s15 =	sadd.s32 $0x400, s15;
	s16 =	sadd.s32 s16, s12  }
.Ltmp6:
0x4a: {  	(pc) =	sbr.rel .LBB2_9-.Ltmp6, $2  }
0x4b: {  	_ =	sdelay $0x2  }
0x4c: {  	[hbm:s16] =	stream.linear.scatter [tilespmem:s13], [sflag:$0x3], $0x400, $0x38;
	[tilespmem:$0x4080] =	vst v63  }
.LBB2_2:
.Ltmp7:
0x4d: {  	(pc) =	sbr.rel .LBB2_10-.Ltmp7, $4  }
0x4e: {  	_ = 	snop  }
0x4f: {  	s12 =	sshrl.u32 s11, $0x3  }
0x50: {  	s13 =	sand.u32 $0x7, s11;
	s12 =	sadd.s32 s7, s12  }
0x51: {  	[tilespmem:s9], [sflag:$0x2] =	stream.linear.gather [hbm4b:s12+s13], $0x40, $0x38;
	[tilespmem:$0x4080] =	vst v63  }
.LBB2_11:
0x52: {  	s2 =	simm.s32 $0x3  }
0x53: {  	_ =	swait.ge [sflag:s2], $0x2000  }
0x54: {  	[sflag:s2] =	ssyncset.done $0x0  }
0x55: {  	[sflag:s2] =	ssyncadd.s32 $0xFFFFE000  }
0x56: {  	_ =	sfence.sel $0x180000  }
0x57: {  	s3 =	simm.s32 $0x2;
	[bflag:$0x0] =	sbarrier.arrive $0xFFFF  }
0x58: {  	[sflag:s3] =	ssyncpa.u1 $0x1  }
0x59: {  	s31 =	simm.s32 $0x1;
	[sflag:s2] =	ssyncpa.u1 $0x1  }
0x5a: {  	[sflag:s31] =	ssyncpa.u1 $0x1  }
0x5b: {  	p0 =	sne.s32 s1, $0x0;
	_ =	strace $0x9000004A  }
0x5c: {  	s0 =	sadd.s32 @!p0 $0x100000, s0;
	[bflag:$0x2] =	sbarrier.arrive $0xFFFF  }
0x5d: {  	[sflag:s0] =	ssyncadd.tile.s32 @!p0 $0x1;
	_ =	shalt  }
.Lfunc_end2:
_tile_overlayer_lowered:
.L_overlay_start_2:
0x5e: {  	(tag) =	ssettag $0x2  }
0x5f: {  	s0 =	rddreg [dreg:$0x0];
	s2 =	stileid.u32  }
0x60: {  	s1 =	rddreg [dreg:$0x1];
	p0 =	sne.s32 s2, $0x0  }
0x61: {  	s3 =	rddreg [dreg:$0x2];
	[bflag:$0x3] =	sbarrier.arrive $0xFFFF;
	s2 =	simm.s32 @!p0 $0x1C01  }
0x62: {  	[timem:s3], [sflag:s2] =	dma.local @!p0 [hbm:s0], s1  }
0x63: {  	s0 =	simm.s32 @!p0 $0x1  }
0x64: {  	_ =	swait.ge @!p0 [sflag:s0], s1  }
0x65: {  	s1 =	ssub.s32 @!p0 $0x0, s1;
	[sflag:s0] =	ssyncset.done @!p0 $0x0  }
0x66: {  	[sflag:s0] =	ssyncadd.s32 @!p0 s1  }
0x67: {  	[bflag:$0x3] =	sbarrier.arrive $0xFFFF  }
0x68: {  	_ =	shalt  }

// kernel: gather_offload_async_start
scs
__scs_entry_jumppad:
0x0: {  	(pc) =	sbr.rel $0x88, $3  }
0x1: {  	(tag) =	ssettag $0x0;
	lr =	simm.s32 $0x1  }
0x2: {  	[smem:$0x3F5B] =	sst lr;
	_ =	strace $0xD0000000  }
0x3: {  	_ = 	snop  }
0x4: {  	_ = 	snop  }
0x5: {  	_ = 	snop  }
0x6: {  	_ = 	snop  }
0x7: {  	_ = 	snop  }
__scs_overlays_trampoline_lowered:
0x8: {  	[smem:$0x3F6A] =	sst s0  }
0x9: {  	[smem:$0x3F6B] =	sst s1  }
0xa: {  	[smem:$0x3F6C] =	sst s2  }
0xb: {  	[smem:$0x3F6D] =	sst s3  }
0xc: {  	[smem:$0x3F6E] =	sst s4  }
0xd: {  	[smem:$0x3F6F] =	sst s5  }
0xe: {  	[smem:$0x3F70] =	sst s6  }
0xf: {  	[smem:$0x3F71] =	sst s7  }
0x10: {  	[smem:$0x3F72] =	sst s8  }
0x11: {  	[smem:$0x3F73] =	sst s9;
	s0 =	simm.s32 @!p0 $0x0  }
0x12: {  	s1 =	sld [smem:$0x3F59];
	s0 =	simm.s32 @p0 $0x1  }
0x13: {  	[smem:$0x3F74] =	sst s0;
	s0 =	simm.s32 @!p1 $0x0  }
0x14: {  	s2 =	sld [smem:$0x3F58];
	s0 =	simm.s32 @p1 $0x1  }
0x15: {  	[smem:$0x3F75] =	sst s0;
	s0 =	simm.s32 @!p2 $0x0  }
0x16: {  	s3 =	sld [smem:$0x3FDB];
	s0 =	simm.s32 @p2 $0x1  }
0x17: {  	s4 =	simm.s32 $0x1BF5;
	[smem:$0x3F77] =	sst s0  }
0x18: {  	s0 =	sld [smem:$0x3F5A];
	_ =	swait.ge [sflag:s4], $0x0  }
0x19: {  	s7 =	sld [smem:$0x3F5B]  }
0x1a: {  	s8 =	sadd.s32 $0xFFFFE003, lr  }
0x1b: {  	s9 =	sadd.s32 $0xFFFFFEF7, lr;
	s5 =	simm.s32 $0xFFFFFFFF;
	p2 =	slt.u32 s8, $0xFFFFF086  }
0x1c: {  	p1 =	slt.u32 s9, $0xF7A;
	s5 =	simm.s32 @!p2 $0x0  }
0x1d: {  	s5 =	simm.s32 @p1 $0x1;
	p0 =	seq.s32 s7, s2  }
0x1e: {  	s7 =	smul.u32 @!p0 $0xF7A, s2;
	p2 =	seq.s32 @!p0 s5, $0x0  }
0x1f: {  	s9 =	smul.u32 $0xF7A, s1;
	s8 =	simm.s32 @!p0 $0x1BF5;
	p2 =	por !p2, p0  }
0x20: {  	[sflag:s8] =	ssyncset.s32 @!p0 $0xFFFFF086;
	s6 =	sadd.s32 @!p0 s3, s7;
	s7 =	simm.s32 @!p0 $0x108  }
0x21: {  	s3 =	sadd.s32 s3, s9;
	s6 =	sadd.s32 @!p0 $0x88, s6;
	s7 =	simm.s32 @p2 $0x1082  }
0x22: {  	[simem:s7], [sflag:s8] =	dma.local @!p0 [hbm:s6], $0xF7A  }
0x23: {  	s9 =	sor.u32 $0xD0000000, s2;
	s6 =	simm.s32 $0x108;
	_ =	swait.ge @!p0 [sflag:s8], $0x0  }
0x24: {  	s3 =	sadd.s32 $0x88, s3;
	s6 =	simm.s32 @!p1 $0x1082;
	[sflag:s4] =	ssyncset.s32 $0xFFFFF086  }
0x25: {  	[simem:s6], [sflag:s4] =	dma.local [hbm:s3], $0xF7A  }
0x26: {  	[smem:$0x3F5B] =	sst s1;
	(tag) =	ssettag s2;
	_ =	strace s9  }
0x27: {  	s1 =	sld [smem:$0x3F6B]  }
0x28: {  	s2 =	sld [smem:$0x3F6C]  }
0x29: {  	s4 =	sld [smem:$0x3F6E]  }
0x2a: {  	p0 =	seq.s32 s5, $0x0;
	s5 =	sld [smem:$0x3F6F]  }
0x2b: {  	s6 =	sld [smem:$0x3F70]  }
0x2c: {  	s7 =	sld [smem:$0x3F71]  }
0x2d: {  	s3 =	simm.s32 $0x108;
	s8 =	sld [smem:$0x3F72]  }
0x2e: {  	s3 =	simm.s32 @!p0 $0x1082;
	s9 =	sld [smem:$0x3F73]  }
0x2f: {  	lr =	sadd.s32 s0, s3;
	s0 =	sld [smem:$0x3F6A]  }
0x30: {  	s3 =	sld [smem:$0x3F6D]  }
0x31: {  	[smem:$0x3F76] =	sst s10  }
0x32: {  	s10 =	sld [smem:$0x3F74];
	_ =	sdelay $0x3  }
0x33: {  	p0 =	seq.s32 s10, $0x1;
	s10 =	sld [smem:$0x3F76];
	_ =	sdelay $0x3  }
0x34: {  	[smem:$0x3F76] =	sst s10  }
0x35: {  	s10 =	sld [smem:$0x3F75];
	_ =	sdelay $0x3  }
0x36: {  	p1 =	seq.s32 s10, $0x1;
	s10 =	sld [smem:$0x3F76];
	_ =	sdelay $0x3  }
0x37: {  	[smem:$0x3F76] =	sst s10  }
0x38: {  	s10 =	sld [smem:$0x3F77]  }
0x39: {  	_ = 	snop;
	(pc) =	sbr.ind lr, $3  }
0x3a: {  	_ = 	snop  }
0x3b: {  	_ = 	snop  }
0x3c: {  	p2 =	seq.s32 s10, $0x1;
	s10 =	sld [smem:$0x3F76]  }
0x3d: {  	_ =	shalt  }
0x3e: {  	_ =	shalt  }
0x3f: {  	_ =	shalt  }
0x40: {  	_ =	shalt  }
0x41: {  	_ =	shalt  }
0x42: {  	_ =	shalt  }
0x43: {  	_ =	shalt  }
0x44: {  	_ =	shalt  }
0x45: {  	_ =	shalt  }
0x46: {  	_ =	shalt  }
0x47: {  	_ =	shalt  }
0x48: {  	_ =	shalt  }
0x49: {  	_ =	shalt  }
0x4a: {  	_ =	shalt  }
0x4b: {  	_ =	shalt  }
0x4c: {  	_ =	shalt  }
0x4d: {  	_ =	shalt  }
0x4e: {  	_ =	shalt  }
0x4f: {  	_ =	shalt  }
0x50: {  	_ =	shalt  }
0x51: {  	_ =	shalt  }
0x52: {  	_ =	shalt  }
0x53: {  	_ =	shalt  }
0x54: {  	_ =	shalt  }
0x55: {  	_ =	shalt  }
0x56: {  	_ =	shalt  }
0x57: {  	_ =	shalt  }
0x58: {  	_ =	shalt  }
0x59: {  	_ =	shalt  }
0x5a: {  	_ =	shalt  }
0x5b: {  	_ =	shalt  }
0x5c: {  	_ =	shalt  }
0x5d: {  	_ =	shalt  }
0x5e: {  	_ =	shalt  }
0x5f: {  	_ =	shalt  }
0x60: {  	_ =	shalt  }
0x61: {  	_ =	shalt  }
0x62: {  	_ =	shalt  }
0x63: {  	_ =	shalt  }
0x64: {  	_ =	shalt  }
0x65: {  	_ =	shalt  }
0x66: {  	_ =	shalt  }
0x67: {  	_ =	shalt  }
0x68: {  	_ =	shalt  }
0x69: {  	_ =	shalt  }
0x6a: {  	_ =	shalt  }
0x6b: {  	_ =	shalt  }
0x6c: {  	_ =	shalt  }
0x6d: {  	_ =	shalt  }
0x6e: {  	_ =	shalt  }
0x6f: {  	_ =	shalt  }
0x70: {  	_ =	shalt  }
0x71: {  	_ =	shalt  }
0x72: {  	_ =	shalt  }
0x73: {  	_ =	shalt  }
0x74: {  	_ =	shalt  }
0x75: {  	_ =	shalt  }
0x76: {  	_ =	shalt  }
0x77: {  	_ =	shalt  }
0x78: {  	_ =	shalt  }
0x79: {  	_ =	shalt  }
0x7a: {  	_ =	shalt  }
0x7b: {  	_ =	shalt  }
0x7c: {  	_ =	shalt  }
0x7d: {  	_ =	shalt  }
0x7e: {  	_ =	shalt  }
0x7f: {  	_ =	shalt  }
0x80: {  	_ =	shalt  }
0x81: {  	_ =	shalt  }
0x82: {  	_ =	shalt  }
0x83: {  	_ =	shalt  }
0x84: {  	_ =	shalt  }
0x85: {  	_ =	shalt  }
0x86: {  	_ =	shalt  }
0x87: {  	_ =	shalt  }
.Lfunc_end0:
.L_simem_size_0:
called_computation_lowered:
.L_overlay_start_0:
0x88: {  	s2 =	sld [smem:$0x3FD9]  }
0x89: {  	s3 =	sld [smem:$0x3FFE];
	_ =	sdelay $0x1  }
0x8a: {  	s1 =	srdreg.scid  }
0x8b: {  	s0 =	sand.u32 $0x1, s1  }
0x8c: {  	s16 =	sshll.u32 s0, $0xA;
	s2 =	sadd.s32 s3, s2  }
0x8d: {  	s2 =	sadd.s32 s2, s16  }
0x8e: {  	[smem:$0x3F82] =	sst s2  }
0x8f: {  	_ = 	snop  }
0x90: {  	(tm) =	ssettm $0x1  }
0x91: {  	s17 =	sld [smem:$0x3FFB];
	_ =	sdelay $0x3  }
0x92: {  	_ =	strace s17  }
0x93: {  	s2 =	sld [smem:$0x3FFC];
	_ =	sdelay $0x3  }
0x94: {  	_ =	strace s2  }
0x95: {  	s2 =	sld [smem:$0x3FFD];
	_ =	sdelay $0x3  }
0x96: {  	_ =	strace s2  }
0x97: {  	_ =	strace $0x8FFFFFFF  }
0x98: {  	s18 =	sld [smem:$0x3FDB];
	_ =	sdelay $0x1  }
0x99: {  	s19 =	simm.s32 $_scs_section_size  }
0x9a: {  	s4 =	simm.s32 $_size__tile_overlayer_lowered;
	s5 =	simm.s32 $_tile_overlayer_lowered  }
0x9b: {  	s22 =	simm.s32 $0x1BFF;
	s21 =	sshll.u32 s5, $0x1;
	s2 =	sadd.s32 s19, s18  }
0x9c: {  	s6 =	simm.s32 $0x0;
	s20 =	sshll.u32 s4, $0x1;
	s4 =	sadd.s32 s21, s2  }
0x9d: {  	[timem:s6], [sflag:s22] =	dma.local [hbm:s4], s20  }
0x9e: {  	_ =	swait.ge [sflag:s22], s20  }
0x9f: {  	s3 =	ssub.s32 $0x0, s20;
	[sflag:s22] =	ssyncset.done $0x0  }
0xa0: {  	[sflag:s22] =	ssyncadd.s32 s3;
	_ =	sdelay $0x1  }
0xa1: {  	s23 =	simm.s32 $0x1B8B  }
0xa2: {  	_ =	swait.ge [sflag:s23], $0x1  }
0xa3: {  	[sflag:s23] =	ssyncset.done $0x0  }
0xa4: {  	s25 =	simm.s32 $0x1B8E;
	s24 =	sld [smem:$0x3FFE];
	[sflag:s23] =	ssyncadd.s32 $0xFFFFFFFF  }
0xa5: {  	s26 =	simm.s32 $execute0_lowered;
	[smem:$0x3FD2] =	sst s25  }
0xa6: {  	s4 =	sshll.u32 s26, $0x1;
	_ =	strace $0x80000046;
	[dreg:$0x1] =	wrdreg $0xFFFFFFFF  }
0xa7: {  	s28 =	simm.s32 $_size_execute0_lowered;
	s2 =	sadd.s32 s2, s4;
	[dreg:$0x0] =	wrdreg $0x0  }
0xa8: {  	s4 =	sshll.u32 s28, $0x1;
	[dreg:$0x2] =	wrdreg s2  }
0xa9: {  	[dreg:$0x3] =	wrdreg s4  }
0xaa: {  	[dreg:$0x4] =	wrdreg $0xC0  }
0xab: {  	_ =	task [dreg:s6], $0x5FFFF  }
0xac: {  	[dreg:$0x1] =	wrdreg $0xFFFFFFFF  }
0xad: {  	[dreg:$0x0] =	wrdreg $0x60  }
0xae: {  	[dreg:$0x2] =	wrdreg s24  }
0xaf: {  	[dreg:$0x3] =	wrdreg $0x9  }
0xb0: {  	_ =	task.clear_ibuf [dreg:s6], $0x4FFFF;
	_ =	strace $0x90000046  }
0xb1: {  	s29 =	simm.s32 $0x9;
	_ =	strace $0x80000048  }
0xb2: {  	_ =	swait.ge [sflag:s29], $0x1  }
0xb3: {  	[sflag:s29] =	ssyncadd.s32 $0xFFFFFFFF  }
0xb4: {  	_ =	strace $0x90000048  }
0xb5: {  	_ =	sfence  }
0xb6: {  	s30 =	sld [smem:$0x0];
	_ =	sdelay $0x2  }
0xb7: {  	s31 =	sshll.u32 s1, $0xD;
	s1 =	sshrl.u32 s1, $0x2  }
0xb8: {  	s3 =	sand.u32 $0x4000, s31;
	s1 =	sadd.s32 s1, s30  }
0xb9: {  	s0 =	sor.u32 s3, s0;
	s1 =	sshll.u32 s1, $0x11  }
0xba: {  	s0 =	sor.u32 s1, s0  }
0xbb: {  	s0 =	sadd.s32 $0x8F2B, s0  }
0xbc: {  	[sflag:s0] =	ssyncadd.remote.s32 $0x1  }
0xbd: {  	_ =	sfence.sel $0xFFFF  }
0xbe: {  	[dreg:$0x0] =	wrdreg $0xFFFFFFFF;
	(pc) =	sbr.abs _section_cstart, $3  }
0xbf: {  	[dreg:$0x1] =	wrdreg $0xFFFFFFFF  }
0xc0: {  	_ =	task.clear_ibuf [dreg:s6], $0x2FFFF;
	_ =	strace $0x9FFFFFFF  }
0xc1: {  	(tm) =	ssettm $0x7FFFFFFF  }
tec
execute0_lowered:
.L_overlay_start_1:
0x0: {  	(tag) =	ssettag $0x1  }
0x1: {  	s7 =	rddreg [dreg:$0x0]  }
0x2: {  	s0 =	rddreg [dreg:$0x1];
	_ =	strace $0x80000047  }
0x3: {  	s1 =	srdreg.scid;
	s4 =	simm.s32 $0x1;
	s9 =	simm.s32 $0x3  }
0x4: {  	s12 =	simm.s32 $0x0;
	s10 =	simm.s32 $0x0;
	s5 =	sshll.u32 s1, $0x4  }
.Ltmp0:
0x5: {  	s1 =	stileid.u32;
	s5 =	sand.u32 $0x10, s5;
	(pc) =	sbr.rel .LBB2_1-.Ltmp0, $4  }
0x6: {  	s2 =	sadd.s32 $0x1200, s7;
	s3 =	sadd.s32 $0x81200, s7;
	s6 =	sor.u32 s1, s5  }
0x7: {  	[sflag:s4] =	ssyncpa.u1 $0x0;
	s5 =	simm.s32 $0x2;
	s6 =	sshll.u32 s6, $0x7  }
0x8: {  	s7 =	sadd.s32 $0x81400, s7;
	[sflag:s5] =	ssyncpa.u1 $0x0;
	s8 =	sadd.s32 $0x80, s6  }
0x9: {  	vm0 =	vmmov $0xff;
	vm1 =	vcmask $0x3F20;
	[sflag:s9] =	ssyncpa.u1 $0x0;
	s9 =	simm.s32 $0x80;
	s11 =	smov.u32 s6  }
.LBB2_9:
0xa: {  	p0 =	seq.s32 s10, $0x2  }
.Ltmp1:
0xb: {  	_ = 	snop;
	(pc) =	sbr.rel @p0 .LBB2_11-.Ltmp1, $1  }
0xc: {  	_ =	sdelay $0x3  }
.LBB2_10:
0xd: {  	s12 =	sadd.s32 $0x80, s11  }
0xe: {  	s13 =	smov.u32 s6;
	p0 =	slt.s32 s12, s8  }
0xf: {  	s13 =	smov.u32 @p0 s12  }
0x10: {  	s10 =	sadd.s32 $0x1, s10;
	s12 =	smov.u32 s11;
	s11 =	smov.u32 s13  }
.LBB2_1:
0x11: {  	p0 =	sne.s32 s10, $0x0  }
.Ltmp2:
0x12: {  	_ = 	snop;
	(pc) =	sbr.rel @!p0 .LBB2_2-.Ltmp2, $1  }
0x13: {  	_ =	sdelay $0x3  }
0x14: {  	s13 =	sand.u32 $0x1, s10  }
0x15: {  	p0 =	seq.s32 s13, $0x0  }
.Ltmp3:
0x16: {  	_ = 	snop;
	(pc) =	sbr.rel @p0 .LBB2_9-.Ltmp3, $1  }
0x17: {  	_ =	sdelay $0x3  }
0x18: {  	_ =	swait.ge [sflag:s5], $0x80  }
0x19: {  	[sflag:s5] =	ssyncset.done $0x0  }
0x1a: {  	s13 =	simm.s32 $0x0;
	[sflag:s5] =	ssyncadd.s32 $0xFFFFFF80  }
0x1b: {  	v0 =	vld.msk [tilespmem:s13+$0x80 ss:$0x1], $0xffff;
	_ =	sdelay $0x4  }
0x1c: {  	v1 =	vshll.u32 v0, $0x4  }
0x1d: {  	vm2 =	veq.s32 v0, $0x80000000;
	v0 =	vshll.u32 v0, $0x13;
	v1 =	vand.u32 $0x7FF80, v1  }
0x1e: {  	v0 =	vand.u32 $0x380000, v0;
	v1 =	vsel vm2, $0xFFFFFF80, v1  }
0x1f: {  	v0 =	vsel vm2, $0xFFF80000, v0;
	v2 =	vand.u32 $0xFFFFFC00, v1  }
0x20: {  	v1 =	vand.u32 $0x380, v1;
	v0 =	vadd.s32 v0, v2  }
0x21: {  	v0 =	vor.u32 v1, v0  }
0x22: {  	v0 =	vshrl.u32 v0, $0x3;
	_ =	sdelay $0x3  }
0x23: {  	s13 =	simm.s32 $0x4100  }
0x24: {  	[tilespmem:s13], [sflag:$0x1] =	stream.indirect_vreg.gather [hbm:s2], $0x80, v0, vm0, $0x38;
	[tilespmem:$0x8100] =	vst v63  }
0x25: {  	s14 =	simm.s32 $0x4500;
	s31 =	simm.s32 $0x10  }
0x26: {  	[tilespmem:s14], [sflag:$0x1] =	stream.indirect_vreg.gather [hbm:s2], $0x80, v0, vm1, $0x38;
	[tilespmem:$0x8100] =	vst v63  }
0x27: {  	s14 =	simm.s32 $0x80;
	v0 =	vld.msk [tilespmem:s31+$0x80 ss:$0x1], $0xffff  }
.LBB2_5:
0x28: {  	p0 =	sne.s32 s14, $0x1C0;
	_ =	sdelay $0x4  }
0x29: {  	v1 =	vshll.u32 v0, $0x4  }
0x2a: {  	vm2 =	veq.s32 v0, $0x80000000;
	v0 =	vshll.u32 v0, $0x13;
	v1 =	vand.u32 $0x7FF80, v1  }
0x2b: {  	v0 =	vand.u32 $0x380000, v0;
	v1 =	vsel vm2, $0xFFFFFF80, v1  }
0x2c: {  	v0 =	vsel vm2, $0xFFF80000, v0;
	v2 =	vand.u32 $0xFFFFFC00, v1  }
0x2d: {  	v1 =	vand.u32 $0x380, v1;
	v0 =	vadd.s32 v0, v2  }
0x2e: {  	v0 =	vor.u32 v1, v0  }
0x2f: {  	v0 =	vshrl.u32 v0, $0x3;
	_ =	sdelay $0x3  }
.Ltmp4:
0x30: {  	s13 =	sadd.s32 $0x800, s13;
	(pc) =	sbr.rel @p0 .LBB2_5-.Ltmp4, $4  }
0x31: {  	[tilespmem:s13], [sflag:$0x1] =	stream.indirect_vreg.gather [hbm:s2], $0x80, v0, vm0, $0x38;
	[tilespmem:$0x8100] =	vst v63  }
0x32: {  	s15 =	sshra.s32 s14, $0x2;
	s16 =	sadd.s32 $0x400, s13  }
0x33: {  	[tilespmem:s16], [sflag:$0x1] =	stream.indirect_vreg.gather [hbm:s2], $0x80, v0, vm1, $0x38;
	[tilespmem:$0x8100] =	vst v63  }
0x34: {  	s14 =	sadd.s32 $0x40, s14;
	v0 =	vld.msk [tilespmem:s15+$0x80 ss:$0x1], $0xffff  }
0x35: {  	_ =	sdelay $0x3  }
0x36: {  	v1 =	vshll.u32 v0, $0x4  }
0x37: {  	vm2 =	veq.s32 v0, $0x80000000;
	v63 =	vshll.u32 v0, $0x13;
	v1 =	vand.u32 $0x7FF80, v1  }
0x38: {  	v0 =	vand.u32 $0x380000, v63;
	v1 =	vsel vm2, $0xFFFFFF80, v1  }
0x39: {  	v0 =	vsel vm2, $0xFFF80000, v0;
	v2 =	vand.u32 $0xFFFFFC00, v1  }
0x3a: {  	v1 =	vand.u32 $0x380, v1;
	v0 =	vadd.s32 v0, v2  }
0x3b: {  	v0 =	vor.u32 v1, v0  }
0x3c: {  	v0 =	vshrl.u32 v0, $0x3;
	_ =	sdelay $0x3  }
0x3d: {  	s13 =	sadd.s32 $0x800, s13  }
0x3e: {  	[tilespmem:s13], [sflag:$0x1] =	stream.indirect_vreg.gather [hbm:s2], $0x80, v0, vm0, $0x38;
	[tilespmem:$0x8100] =	vst v63  }
0x3f: {  	s13 =	sadd.s32 $0x400, s13  }
0x40: {  	[tilespmem:s13], [sflag:$0x1] =	stream.indirect_vreg.gather [hbm:s2], $0x80, v0, vm1, $0x38;
	[tilespmem:$0x8100] =	vst v63  }
0x41: {  	s12 =	sshll.u32 s12, $0x4;
	s14 =	simm.s32 $0x80;
	_ =	swait.ge [sflag:s4], $0x4000  }
0x42: {  	s15 =	simm.s32 $0x4500;
	s12 =	sadd.s32 s12, s7;
	[sflag:s4] =	ssyncset.done $0x0  }
0x43: {  	s16 =	sadd.s32 $0x0, s12;
	s13 =	simm.s32 $0x4100;
	[sflag:s4] =	ssyncadd.s32 $0xFFFFC000  }
.LBB2_7:
0x44: {  	[hbm:s16] =	stream.linear.scatter [tilespmem:s13], [sflag:$0x3], $0x400, $0x38;
	[tilespmem:$0x8100] =	vst v63  }
0x45: {  	s16 =	smov.u32 s14;
	s13 =	smov.u32 s15;
	p0 =	sne.s32 s14, $0x780  }
.Ltmp5:
0x46: {  	s14 =	sadd.s32 $0x80, s14;
	(pc) =	sbr.rel @p0 .LBB2_7-.Ltmp5, $2  }
0x47: {  	_ =	sdelay $0x2  }
0x48: {  	s15 =	sadd.s32 $0x400, s15;
	s16 =	sadd.s32 s16, s12  }
.Ltmp6:
0x49: {  	(pc) =	sbr.rel .LBB2_9-.Ltmp6, $2  }
0x4a: {  	_ =	sdelay $0x2  }
0x4b: {  	[hbm:s16] =	stream.linear.scatter [tilespmem:s13], [sflag:$0x3], $0x400, $0x38;
	[tilespmem:$0x8100] =	vst v63  }
.LBB2_2:
.Ltmp7:
0x4c: {  	(pc) =	sbr.rel .LBB2_10-.Ltmp7, $4  }
0x4d: {  	_ = 	snop  }
0x4e: {  	s12 =	sshrl.u32 s11, $0x3  }
0x4f: {  	s13 =	sand.u32 $0x7, s11;
	s12 =	sadd.s32 s3, s12  }
0x50: {  	[tilespmem:s9], [sflag:$0x2] =	stream.linear.gather [hbm4b:s12+s13], $0x80, $0x38;
	[tilespmem:$0x8100] =	vst v63  }
.LBB2_11:
0x51: {  	s2 =	simm.s32 $0x3  }
0x52: {  	_ =	swait.ge [sflag:s2], $0x4000  }
0x53: {  	[sflag:s2] =	ssyncset.done $0x0  }
0x54: {  	[sflag:s2] =	ssyncadd.s32 $0xFFFFC000  }
0x55: {  	_ =	sfence.sel $0x180000  }
0x56: {  	s3 =	simm.s32 $0x2;
	[bflag:$0x0] =	sbarrier.arrive $0xFFFF  }
0x57: {  	[sflag:s3] =	ssyncpa.u1 $0x1  }
0x58: {  	s31 =	simm.s32 $0x1;
	[sflag:s2] =	ssyncpa.u1 $0x1  }
0x59: {  	[sflag:s31] =	ssyncpa.u1 $0x1  }
0x5a: {  	p0 =	sne.s32 s1, $0x0;
	_ =	strace $0x90000047  }
0x5b: {  	s0 =	sadd.s32 @!p0 $0x100000, s0;
	[bflag:$0x2] =	sbarrier.arrive $0xFFFF  }
0x5c: {  	[sflag:s0] =	ssyncadd.tile.s32 @!p0 $0x1;
	_ =	shalt  }
.Lfunc_end2:
_tile_overlayer_lowered:
.L_overlay_start_2:
0x5d: {  	(tag) =	ssettag $0x2  }
0x5e: {  	s0 =	rddreg [dreg:$0x0];
	s2 =	stileid.u32  }
0x5f: {  	s1 =	rddreg [dreg:$0x1];
	p0 =	sne.s32 s2, $0x0  }
0x60: {  	s3 =	rddreg [dreg:$0x2];
	[bflag:$0x3] =	sbarrier.arrive $0xFFFF;
	s2 =	simm.s32 @!p0 $0x1C01  }
0x61: {  	[timem:s3], [sflag:s2] =	dma.local @!p0 [hbm:s0], s1  }
0x62: {  	s0 =	simm.s32 @!p0 $0x1  }
0x63: {  	_ =	swait.ge @!p0 [sflag:s0], s1  }
0x64: {  	s1 =	ssub.s32 @!p0 $0x0, s1;
	[sflag:s0] =	ssyncset.done @!p0 $0x0  }
0x65: {  	[sflag:s0] =	ssyncadd.s32 @!p0 s1  }
0x66: {  	[bflag:$0x3] =	sbarrier.arrive $0xFFFF  }
0x67: {  	_ =	shalt  }

</sc_bundles>
